<compile_context>
chip_gen: v7x
topology: tpu7x:2x2x1
jax: 0.10.2.dev20260603
libtpu: 0.0.44.dev20260713+nightly
codegen_flags: <defaults>
</compile_context>

<pallas_src>
import jax
import jax.numpy as jnp
from jax import lax
from jax.experimental import pallas as pl
from jax.experimental.pallas import tpu as pltpu
from jax.experimental.pallas import tpu_sc as plsc

SX = SY = SZ = 64
ROW = SY * SX
B = 16
N = SX * SY * SZ
NC, NS, L = 2, 16, 16
NQUAD = 8
TR, TC_ = B // 8, N // 128
ZC = ROW // 128


def _gridding_reverse_sc():
    mesh = plsc.VectorSubcoreMesh(
        core_axis_name="c", subcore_axis_name="s", num_cores=NC, num_subcores=NS
    )

    slab_t = pltpu.VMEM((ZC, 128), jnp.float32)

    @pl.kernel(
        out_type=jax.ShapeDtypeStruct((3, TR, TC_, 8, 128), jnp.float32),
        mesh=mesh,
        compiler_params=pltpu.CompilerParams(
            needs_layout_passes=False, use_tc_tiling_on_sc=False
        ),
        scratch_types=(
            [slab_t] * 4
            + [slab_t] * 4
            + [slab_t] * 6
            + [slab_t] * 6
            + [
                pltpu.VMEM((3 * L,), jnp.float32),
                pltpu.SemaphoreType.DMA,
                pltpu.SemaphoreType.DMA,
                pltpu.SemaphoreType.DMA,
                pltpu.SemaphoreType.DMA,
                pltpu.SemaphoreType.DMA,
                pltpu.SemaphoreType.DMA,
            ]
        ),
    )
    def k(grid_hbm, osf_hbm, out_hbm, w0, w1, w2, w3, s0b, s1b, s2b, s3b,
          axA, ayA, azA, bxA, byA, bzA, axB, ayB, azB, bxB, byB, bzB,
          osf_v, semI0, semI1, semI2, semI3, semA, semB):
        wid = lax.axis_index("s") * NC + lax.axis_index("c")
        b = wid >> 1
        odd = wid & 1
        zstart = odd * (SZ // 2)
        tr = b >> 3
        sl = b & 7

        pltpu.sync_copy(osf_hbm, osf_v)
        sc0 = osf_v[pl.ds(0, L)]
        sc1 = osf_v[pl.ds(L, L)]
        sc2 = osf_v[pl.ds(2 * L, L)]

        iota = lax.iota(jnp.int32, L)
        zeros = jnp.zeros((L,), jnp.float32)

        def in_slice(z):
            return grid_hbm.at[tr, pl.ds(z * ZC, ZC), sl]

        def out_slice(cc, z):
            return out_hbm.at[cc, tr, pl.ds(z * ZC, ZC), sl]

        def pass1(gbuf, sxbuf):
            @plsc.parallel_loop(0, ROW, L, unroll=8)
            def _(c):
                g0v = gbuf[c >> 7, pl.ds(c & 127, L)]
                f = jnp.maximum(iota + (c - 1), 0)
                gm = plsc.load_gather(gbuf, [f >> 7, f & 127])
                sxbuf[c >> 7, pl.ds(c & 127, L)] = g0v + gm

        def pass2ab(gP, sP, gM, sM, gN, sN, pxa, pya, pza, pxb, pyb, pzb, z):
            zfA = z.astype(jnp.float32) - 32.0
            zfB = zfA + 1.0

            for kk in range(4):
                pxa[0, pl.ds(kk * L, L)] = zeros
                pya[0, pl.ds(kk * L, L)] = zeros
                pza[0, pl.ds(kk * L, L)] = zeros
                pxb[0, pl.ds(kk * L, L)] = zeros
                pyb[0, pl.ds(kk * L, L)] = zeros
                pzb[0, pl.ds(kk * L, L)] = zeros

            @plsc.parallel_loop(64, ROW, L, unroll=4)
            def _(c):
                r0 = c >> 7
                c0 = c & 127
                d = c - 64
                r1 = d >> 7
                c1 = d & 127
                sP0 = sP[r0, pl.ds(c0, L)]
                sP1 = sP[r1, pl.ds(c1, L)]
                sM0 = sM[r0, pl.ds(c0, L)]
                sM1 = sM[r1, pl.ds(c1, L)]
                sN0 = sN[r0, pl.ds(c0, L)]
                sN1 = sN[r1, pl.ds(c1, L)]
                gP0 = gP[r0, pl.ds(c0, L)]
                gP1 = gP[r1, pl.ds(c1, L)]
                gM0 = gM[r0, pl.ds(c0, L)]
                gM1 = gM[r1, pl.ds(c1, L)]
                gN0 = gN[r0, pl.ds(c0, L)]
                gN1 = gN[r1, pl.ds(c1, L)]
                mP = sP0 + sP1
                mM = sM0 + sM1
                mN = sN0 + sN1
                wA = mM + mP
                wB = mN + mM
                gPs = gP0 + gP1
                gMs = gM0 + gM1
                gNs = gN0 + gN1
                sx1A = wA - (gPs + gMs)
                sx1B = wB - (gMs + gNs)
                sy1A = sM1 + sP1
                sy1B = sN1 + sM1
                rA = 1.0 / wA
                rB = 1.0 / wB
                xi = iota + (c & (SX - 1))
                y = c >> 6
                yf = y.astype(jnp.float32) - 32.0
                xf = xi.astype(jnp.float32) - 32.0
                mgeo = xi > 0
                mA = (wA > 0.0) & mgeo
                mB = (wB > 0.0) & mgeo
                pxa[r0, pl.ds(c0, L)] = jnp.where(mA, (xf - sx1A * rA) * sc0, 0.0)
                pya[r0, pl.ds(c0, L)] = jnp.where(mA, (yf - sy1A * rA) * sc1, 0.0)
                pza[r0, pl.ds(c0, L)] = jnp.where(mA, (zfA - mP * rA) * sc2, 0.0)
                pxb[r0, pl.ds(c0, L)] = jnp.where(mB, (xf - sx1B * rB) * sc0, 0.0)
                pyb[r0, pl.ds(c0, L)] = jnp.where(mB, (yf - sy1B * rB) * sc1, 0.0)
                pzb[r0, pl.ds(c0, L)] = jnp.where(mB, (zfB - mM * rB) * sc2, 0.0)

        def out_start6(px1, py1, pz1, px2, py2, pz2, z, sem):
            pltpu.async_copy(px1, out_slice(0, z), sem)
            pltpu.async_copy(py1, out_slice(1, z), sem)
            pltpu.async_copy(pz1, out_slice(2, z), sem)
            pltpu.async_copy(px2, out_slice(0, z + 1), sem)
            pltpu.async_copy(py2, out_slice(1, z + 1), sem)
            pltpu.async_copy(pz2, out_slice(2, z + 1), sem)

        def out_drain6(bufs, sem):
            for i, bb in enumerate(bufs):
                pltpu.make_async_copy(bb, out_slice(i % 3, 0), sem).wait()

        def in_wait(z, dst, sem):
            pltpu.make_async_copy(in_slice(z), dst, sem).wait()

        z_prev0 = jnp.maximum(zstart - 1, 0)
        pltpu.sync_copy(in_slice(z_prev0), w0)
        pass1(w0, s0b)
        pltpu.async_copy(in_slice(zstart), w1, semI1)
        pltpu.async_copy(in_slice(zstart + 1), w2, semI2)

        setA = (axA, ayA, azA, bxA, byA, bzA)
        setB = (axB, ayB, azB, bxB, byB, bzB)

        def quad(q, _):
            zA = zstart + 4 * q

            pltpu.async_copy(in_slice(zA + 2), w3, semI3)

            in_wait(zA, w1, semI1)
            in_wait(zA + 1, w2, semI2)
            pass1(w1, s1b)
            pass1(w2, s2b)

            @pl.when(q > 0)
            def _():
                out_drain6(setA, semA)

            pass2ab(w0, s0b, w1, s1b, w2, s2b, *setA, zA)
            pltpu.async_copy(in_slice(zA + 3), w0, semI0)

            @pl.when(q < NQUAD - 1)
            def _():
                pltpu.async_copy(in_slice(zA + 4), w1, semI1)

            out_start6(*setA, zA, semA)

            in_wait(zA + 2, w3, semI3)
            pass1(w3, s3b)
            in_wait(zA + 3, w0, semI0)
            pass1(w0, s0b)

            @pl.when(q > 0)
            def _():
                out_drain6(setB, semB)

            pass2ab(w2, s2b, w3, s3b, w0, s0b, *setB, zA + 2)
            out_start6(*setB, zA + 2, semB)

            @pl.when(q < NQUAD - 1)
            def _():
                pltpu.async_copy(in_slice(zA + 5), w2, semI2)

            return 0

        lax.fori_loop(0, NQUAD, quad, 0)
        out_drain6(setA, semA)
        out_drain6(setB, semB)

        @pl.when(odd == 0)
        def _():
            @plsc.parallel_loop(0, ROW, L)
            def _(c):
                axA[c >> 7, pl.ds(c & 127, L)] = zeros
                ayA[c >> 7, pl.ds(c & 127, L)] = zeros
                azA[c >> 7, pl.ds(c & 127, L)] = zeros

            pltpu.sync_copy(axA, out_slice(0, 0))
            pltpu.sync_copy(ayA, out_slice(1, 0))
            pltpu.sync_copy(azA, out_slice(2, 0))

    return k


def kernel(grid, output_scaling_factors):
    osf_exp = jnp.repeat(output_scaling_factors, L)
    grid4 = grid.reshape(TR, 8, TC_, 128).transpose(0, 2, 1, 3)
    out5 = _gridding_reverse_sc()(grid4, osf_exp)
    out = out5.transpose(0, 1, 3, 2, 4).reshape(3, B, N)
    return out.transpose(1, 2, 0)

# --- scband reference (transcript-rebuilt; emitter-appended) ---
"""Pipeline reference for scband-gridding-reverse-20486994002219 (READ-ONLY COPY).

The authoritative reference and input builder live on the scoring server;
editing this copy changes nothing except your own understanding.
"""

import jax, jax.numpy as jnp
import numpy as np

SX = 64
SY = 64
SZ = 64


def setup_inputs(seed: int = 0) -> dict:
    key = jax.random.key(seed)
    grid = jax.random.uniform(key, (16, SX * SY * SZ), dtype=jnp.float32)
    # buffer from __init__: output_scaling_factors = [2/s for s in scales]
    output_scaling_factors = jnp.array([2.0 / SX, 2.0 / SY, 2.0 / SZ], dtype=jnp.float32)
    return {"grid": grid, "output_scaling_factors": output_scaling_factors}


def _gridding_reverse(grid):
    # Faithful translation of gridding.rev_forward (GRNet gridding_reverse kernel):
    # each cell j -> point = (weighted mean of its 8 corner-vertex coordinates,
    # weighted by the grid values at those vertices) centered by -scale/2.
    # Cells with x/y/z offset == 0 or zero total weight yield the zero point.
    n = SX * SY * SZ
    j = jnp.arange(n)
    x = j % SX
    y = (j // SX) % SY
    z = j // (SX * SY)
    valid = (x > 0) & (y > 0) & (z > 0)
    B = grid.shape[0]
    wsum = jnp.zeros((B, n), dtype=grid.dtype)
    num_x = jnp.zeros((B, n), dtype=grid.dtype)
    num_y = jnp.zeros((B, n), dtype=grid.dtype)
    num_z = jnp.zeros((B, n), dtype=grid.dtype)
    for dz in (1, 0):
        for dy in (1, 0):
            for dx in (1, 0):
                vx = x - dx
                vy = y - dy
                vz = z - dz
                idx = vz * (SX * SY) + vy * SX + vx
                idx = jnp.where(valid, idx, 0)
                w = jnp.take(grid, idx, axis=1)  # (B, n) gather
                wsum = wsum + w
                num_x = num_x + w * vx.astype(grid.dtype)
                num_y = num_y + w * vy.astype(grid.dtype)
                num_z = num_z + w * vz.astype(grid.dtype)
    safe = jnp.where(wsum == 0, jnp.ones_like(wsum), wsum)
    px = num_x / safe - SX / 2.0
    py = num_y / safe - SY / 2.0
    pz = num_z / safe - SZ / 2.0
    mask = valid[None, :] & (wsum != 0)
    zero = jnp.zeros_like(px)
    pt = jnp.stack([
        jnp.where(mask, px, zero),
        jnp.where(mask, py, zero),
        jnp.where(mask, pz, zero),
    ], axis=-1)  # (B, n, 3)
    return pt


def reference(grid, output_scaling_factors):
    if grid.ndim == 4:
        grid = grid.reshape(grid.shape[0], -1)
    pt = _gridding_reverse(grid)
    return pt * output_scaling_factors[None, None, :]

if __name__ == "__main__":
    import jax
    _d = setup_inputs()
    print(jax.jit(kernel)(*tuple(_d.values())))

</pallas_src>

<mosaic_0001>
#map = affine_map<(d0, d1) -> (0, 0, 0, 0)>
#map1 = affine_map<(d0, d1) -> (0)>
#map2 = affine_map<(d0, d1) -> (0, 0, 0, 0, 0)>
module attributes {stable_mosaic.version = 14 : i64} {
  func.func @k(%arg0: i32, %arg1: i32, %arg2: memref<2x2048x8x128xf32, #tpu.memory_space<hbm>>, %arg3: memref<48xf32, #tpu.memory_space<hbm>>, %arg4: memref<3x2x2048x8x128xf32, #tpu.memory_space<hbm>>, %arg5: memref<32x128xf32, #tpu.memory_space<vmem>>, %arg6: memref<32x128xf32, #tpu.memory_space<vmem>>, %arg7: memref<32x128xf32, #tpu.memory_space<vmem>>, %arg8: memref<32x128xf32, #tpu.memory_space<vmem>>, %arg9: memref<32x128xf32, #tpu.memory_space<vmem>>, %arg10: memref<32x128xf32, #tpu.memory_space<vmem>>, %arg11: memref<32x128xf32, #tpu.memory_space<vmem>>, %arg12: memref<32x128xf32, #tpu.memory_space<vmem>>, %arg13: memref<32x128xf32, #tpu.memory_space<vmem>>, %arg14: memref<32x128xf32, #tpu.memory_space<vmem>>, %arg15: memref<32x128xf32, #tpu.memory_space<vmem>>, %arg16: memref<32x128xf32, #tpu.memory_space<vmem>>, %arg17: memref<32x128xf32, #tpu.memory_space<vmem>>, %arg18: memref<32x128xf32, #tpu.memory_space<vmem>>, %arg19: memref<32x128xf32, #tpu.memory_space<vmem>>, %arg20: memref<32x128xf32, #tpu.memory_space<vmem>>, %arg21: memref<32x128xf32, #tpu.memory_space<vmem>>, %arg22: memref<32x128xf32, #tpu.memory_space<vmem>>, %arg23: memref<32x128xf32, #tpu.memory_space<vmem>>, %arg24: memref<32x128xf32, #tpu.memory_space<vmem>>, %arg25: memref<48xf32, #tpu.memory_space<vmem>>, %arg26: memref<!tpu.dma_semaphore, #tpu.memory_space<semaphore_mem>>, %arg27: memref<!tpu.dma_semaphore, #tpu.memory_space<semaphore_mem>>, %arg28: memref<!tpu.dma_semaphore, #tpu.memory_space<semaphore_mem>>, %arg29: memref<!tpu.dma_semaphore, #tpu.memory_space<semaphore_mem>>, %arg30: memref<!tpu.dma_semaphore, #tpu.memory_space<semaphore_mem>>, %arg31: memref<!tpu.dma_semaphore, #tpu.memory_space<semaphore_mem>>) attributes {dimension_semantics = [#tpu.dimension_semantics<core_parallel>, #tpu.dimension_semantics<subcore_parallel>], iteration_bounds = array<i64: 2, 16>, scalar_prefetch = 0 : i64, scratch_operands = 27 : i64, tpu.core_type = #tpu.core_type<sc_vector_subcore>, window_params = [{transform_indices = #map}, {transform_indices = #map1}, {transform_indices = #map2}]} {
    %mul3A = arith.constant 2 : i32
    %mul3A_0 = arith.muli %arg1, %mul3A : i32
    %add3A = arith.addi %mul3A_0, %arg0 : i32
    %shift_right_arithmetic3A = arith.constant 1 : i32
    %shift_right_arithmetic3A_1 = arith.shrsi %add3A, %shift_right_arithmetic3A : i32
    %and3A = arith.constant 1 : i32
    %and3A_2 = arith.andi %add3A, %and3A : i32
    %mul3A_3 = arith.constant 32 : i32
    %mul3A_4 = arith.muli %and3A_2, %mul3A_3 : i32
    %shift_right_arithmetic3A_5 = arith.constant 3 : i32
    %shift_right_arithmetic3A_6 = arith.shrsi %shift_right_arithmetic3A_1, %shift_right_arithmetic3A_5 : i32
    %and3A_7 = arith.constant 7 : i32
    %and3A_8 = arith.andi %shift_right_arithmetic3A_1, %and3A_7 : i32
    "tpu.region"() ({
      %run_scoped3A = tpu.sem_alloc : memref<!tpu.dma_semaphore, #tpu.memory_space<semaphore_mem>>
      tpu.enqueue_dma source(%arg3 : memref<48xf32, #tpu.memory_space<hbm>>) target(%arg25 : memref<48xf32, #tpu.memory_space<vmem>>) target_semaphore(%run_scoped3A : memref<!tpu.dma_semaphore, #tpu.memory_space<semaphore_mem>>)
      tpu.wait_dma2 semaphore(%run_scoped3A : memref<!tpu.dma_semaphore, #tpu.memory_space<semaphore_mem>>) src(%arg3 : memref<48xf32, #tpu.memory_space<hbm>>) dst(%arg25 : memref<48xf32, #tpu.memory_space<vmem>>)
      tpu.yield
    }) : () -> ()
    %get3A = arith.constant 0 : index
    %get3A_9 = tpu.vector_load %arg25[%get3A] {strides = array<i32>} : memref<48xf32, #tpu.memory_space<vmem>>, vector<16xf32>,
    %get3A_10 = arith.constant 16 : index
    %get3A_11 = tpu.vector_load %arg25[%get3A_10] {strides = array<i32>} : memref<48xf32, #tpu.memory_space<vmem>>, vector<16xf32>,
    %get3A_12 = arith.constant 32 : index
    %get3A_13 = tpu.vector_load %arg25[%get3A_12] {strides = array<i32>} : memref<48xf32, #tpu.memory_space<vmem>>, vector<16xf32>,
    %iota3A = tpu.iota {dimensions = array<i32: 0>} : vector<16xi32>
    %broadcast_in_dim3A = arith.constant 0.000000e+00 : f32
    %broadcast_in_dim3A_14 = vector.broadcast %broadcast_in_dim3A : f32 to vector<16xf32>
    %sub3A = arith.constant 1 : i32
    %sub3A_15 = arith.subi %mul3A_4, %sub3A : i32
    %max3A = arith.constant 0 : i32
    %max3A_16 = arith.maxsi %sub3A_15, %max3A : i32
    %mul3A_17 = arith.constant 32 : i32
    %mul3A_18 = arith.muli %max3A_16, %mul3A_17 : i32
    "tpu.region"() ({
      %run_scoped3A = tpu.sem_alloc : memref<!tpu.dma_semaphore, #tpu.memory_space<semaphore_mem>>
      %dma_start3A_153 = arith.constant 0 : i32
      %dma_start3A_154 = tpu.memref_slice %arg2[%shift_right_arithmetic3A_6, %mul3A_18, %and3A_8, %dma_start3A_153] : memref<2x2048x8x128xf32, #tpu.memory_space<hbm>> -> memref<1x32x1x128xf32, #tpu.memory_space<hbm>>
      %dma_start3A_155 = tpu.memref_squeeze %dma_start3A_154 : memref<1x32x1x128xf32, #tpu.memory_space<hbm>> -> memref<32x128xf32, #tpu.memory_space<hbm>>
      %dma_start3A_156 = arith.constant 0 : i32
      %dma_start3A_157 = tpu.memref_slice %arg2[%shift_right_arithmetic3A_6, %mul3A_18, %and3A_8, %dma_start3A_156] : memref<2x2048x8x128xf32, #tpu.memory_space<hbm>> -> memref<1x32x1x128xf32, #tpu.memory_space<hbm>>
      %dma_start3A_158 = tpu.memref_squeeze %dma_start3A_157 : memref<1x32x1x128xf32, #tpu.memory_space<hbm>> -> memref<32x128xf32, #tpu.memory_space<hbm>>
      tpu.enqueue_dma source(%dma_start3A_158 : memref<32x128xf32, #tpu.memory_space<hbm>>) target(%arg5 : memref<32x128xf32, #tpu.memory_space<vmem>>) target_semaphore(%run_scoped3A : memref<!tpu.dma_semaphore, #tpu.memory_space<semaphore_mem>>)
      %dma_wait3A_159 = arith.constant 0 : i32
      %dma_wait3A_160 = tpu.memref_slice %arg2[%shift_right_arithmetic3A_6, %mul3A_18, %and3A_8, %dma_wait3A_159] : memref<2x2048x8x128xf32, #tpu.memory_space<hbm>> -> memref<1x32x1x128xf32, #tpu.memory_space<hbm>>
      %dma_wait3A_161 = tpu.memref_squeeze %dma_wait3A_160 : memref<1x32x1x128xf32, #tpu.memory_space<hbm>> -> memref<32x128xf32, #tpu.memory_space<hbm>>
      %dma_wait3A_162 = arith.constant 0 : i32
      %dma_wait3A_163 = tpu.memref_slice %arg2[%shift_right_arithmetic3A_6, %mul3A_18, %and3A_8, %dma_wait3A_162] : memref<2x2048x8x128xf32, #tpu.memory_space<hbm>> -> memref<1x32x1x128xf32, #tpu.memory_space<hbm>>
      %dma_wait3A_164 = tpu.memref_squeeze %dma_wait3A_163 : memref<1x32x1x128xf32, #tpu.memory_space<hbm>> -> memref<32x128xf32, #tpu.memory_space<hbm>>
      tpu.wait_dma2 semaphore(%run_scoped3A : memref<!tpu.dma_semaphore, #tpu.memory_space<semaphore_mem>>) src(%dma_wait3A_164 : memref<32x128xf32, #tpu.memory_space<hbm>>) dst(%arg5 : memref<32x128xf32, #tpu.memory_space<vmem>>)
      tpu.yield
    }) : () -> ()
    %parallel_loop3A = arith.constant 0 : i32
    %parallel_loop3A_19 = arith.constant 4096 : i32
    %parallel_loop3A_20 = arith.constant 16 : i32
    scf.for %parallel_loop3A_153 = %parallel_loop3A to %parallel_loop3A_19 step %parallel_loop3A_20  : i32 {
      %parallel_loop3A_154 = arith.constant 7 : i32
      %parallel_loop3A_155 = arith.shrsi %parallel_loop3A_153, %parallel_loop3A_154 : i32
      %parallel_loop3A_156 = arith.constant 127 : i32
      %parallel_loop3A_157 = arith.andi %parallel_loop3A_153, %parallel_loop3A_156 : i32
      %parallel_loop3A_158 = arith.index_cast %parallel_loop3A_155 : i32 to index
      %parallel_loop3A_159 = arith.index_cast %parallel_loop3A_157 : i32 to index
      %parallel_loop3A_160 = tpu.vector_load %arg5[%parallel_loop3A_158, %parallel_loop3A_159] {strides = array<i32>} : memref<32x128xf32, #tpu.memory_space<vmem>>, vector<16xf32>,
      %parallel_loop3A_161 = arith.constant 1 : i32
      %parallel_loop3A_162 = arith.subi %parallel_loop3A_153, %parallel_loop3A_161 : i32
      %parallel_loop3A_163 = vector.broadcast %parallel_loop3A_162 : i32 to vector<16xi32>
      %parallel_loop3A_164 = arith.addi %iota3A, %parallel_loop3A_163 : vector<16xi32>
      %parallel_loop3A_165 = arith.constant 0 : i32
      %parallel_loop3A_166 = vector.broadcast %parallel_loop3A_165 : i32 to vector<16xi32>
      %parallel_loop3A_167 = arith.maxsi %parallel_loop3A_164, %parallel_loop3A_166 : vector<16xi32>
      %parallel_loop3A_168 = arith.constant 7 : i32
      %parallel_loop3A_169 = vector.broadcast %parallel_loop3A_168 : i32 to vector<16xi32>
      %parallel_loop3A_170 = arith.shrsi %parallel_loop3A_167, %parallel_loop3A_169 : vector<16xi32>
      %parallel_loop3A_171 = arith.constant 127 : i32
      %parallel_loop3A_172 = vector.broadcast %parallel_loop3A_171 : i32 to vector<16xi32>
      %parallel_loop3A_173 = arith.andi %parallel_loop3A_167, %parallel_loop3A_172 : vector<16xi32>
      %parallel_loop3A_174 = tpu.vector_load_idx %arg5[%parallel_loop3A_170, %parallel_loop3A_173] : memref<32x128xf32, #tpu.memory_space<vmem>>[vector<16xi32>, vector<16xi32>], vector<16xf32>,
      %parallel_loop3A_175 = arith.addf %parallel_loop3A_160, %parallel_loop3A_174 : vector<16xf32>
      %parallel_loop3A_176 = arith.constant 7 : i32
      %parallel_loop3A_177 = arith.shrsi %parallel_loop3A_153, %parallel_loop3A_176 : i32
      %parallel_loop3A_178 = arith.constant 127 : i32
      %parallel_loop3A_179 = arith.andi %parallel_loop3A_153, %parallel_loop3A_178 : i32
      %parallel_loop3A_180 = arith.index_cast %parallel_loop3A_177 : i32 to index
      %parallel_loop3A_181 = arith.index_cast %parallel_loop3A_179 : i32 to index
      %parallel_loop3A_182 = tpu.vector_load %arg9[%parallel_loop3A_180, %parallel_loop3A_181] {strides = array<i32>} : memref<32x128xf32, #tpu.memory_space<vmem>>, vector<16xf32>,
      tpu.vector_store %arg9[%parallel_loop3A_180, %parallel_loop3A_181], %parallel_loop3A_175 {strides = array<i32>} : memref<32x128xf32, #tpu.memory_space<vmem>>, vector<16xf32>,
    } {sc.loop_unroll_factor = 8 : i64, sc.parallel_access}
    %mul3A_21 = arith.constant 32 : i32
    %mul3A_22 = arith.muli %mul3A_4, %mul3A_21 : i32
    %dma_start3A = arith.constant 0 : i32
    %dma_start3A_23 = tpu.memref_slice %arg2[%shift_right_arithmetic3A_6, %mul3A_22, %and3A_8, %dma_start3A] : memref<2x2048x8x128xf32, #tpu.memory_space<hbm>> -> memref<1x32x1x128xf32, #tpu.memory_space<hbm>>
    %dma_start3A_24 = tpu.memref_squeeze %dma_start3A_23 : memref<1x32x1x128xf32, #tpu.memory_space<hbm>> -> memref<32x128xf32, #tpu.memory_space<hbm>>
    %dma_start3A_25 = arith.constant 0 : i32
    %dma_start3A_26 = tpu.memref_slice %arg2[%shift_right_arithmetic3A_6, %mul3A_22, %and3A_8, %dma_start3A_25] : memref<2x2048x8x128xf32, #tpu.memory_space<hbm>> -> memref<1x32x1x128xf32, #tpu.memory_space<hbm>>
    %dma_start3A_27 = tpu.memref_squeeze %dma_start3A_26 : memref<1x32x1x128xf32, #tpu.memory_space<hbm>> -> memref<32x128xf32, #tpu.memory_space<hbm>>
    tpu.enqueue_dma source(%dma_start3A_27 : memref<32x128xf32, #tpu.memory_space<hbm>>) target(%arg6 : memref<32x128xf32, #tpu.memory_space<vmem>>) target_semaphore(%arg27 : memref<!tpu.dma_semaphore, #tpu.memory_space<semaphore_mem>>)
    %add3A_28 = arith.constant 1 : i32
    %add3A_29 = arith.addi %mul3A_4, %add3A_28 : i32
    %mul3A_30 = arith.constant 32 : i32
    %mul3A_31 = arith.muli %add3A_29, %mul3A_30 : i32
    %dma_start3A_32 = arith.constant 0 : i32
    %dma_start3A_33 = tpu.memref_slice %arg2[%shift_right_arithmetic3A_6, %mul3A_31, %and3A_8, %dma_start3A_32] : memref<2x2048x8x128xf32, #tpu.memory_space<hbm>> -> memref<1x32x1x128xf32, #tpu.memory_space<hbm>>
    %dma_start3A_34 = tpu.memref_squeeze %dma_start3A_33 : memref<1x32x1x128xf32, #tpu.memory_space<hbm>> -> memref<32x128xf32, #tpu.memory_space<hbm>>
    %dma_start3A_35 = arith.constant 0 : i32
    %dma_start3A_36 = tpu.memref_slice %arg2[%shift_right_arithmetic3A_6, %mul3A_31, %and3A_8, %dma_start3A_35] : memref<2x2048x8x128xf32, #tpu.memory_space<hbm>> -> memref<1x32x1x128xf32, #tpu.memory_space<hbm>>
    %dma_start3A_37 = tpu.memref_squeeze %dma_start3A_36 : memref<1x32x1x128xf32, #tpu.memory_space<hbm>> -> memref<32x128xf32, #tpu.memory_space<hbm>>
    tpu.enqueue_dma source(%dma_start3A_37 : memref<32x128xf32, #tpu.memory_space<hbm>>) target(%arg7 : memref<32x128xf32, #tpu.memory_space<vmem>>) target_semaphore(%arg28 : memref<!tpu.dma_semaphore, #tpu.memory_space<semaphore_mem>>)
    %scan3A = arith.constant 0 : i32
    %scan3A_38 = arith.constant 0 : i32
    %scan3A_39 = arith.constant 8 : i32
    %scan3A_40 = arith.addi %scan3A_38, %scan3A_39 : i32
    %scan3A_41 = arith.constant 1 : i32
    %scan3A_42 = scf.for %scan3A_153 = %scan3A_38 to %scan3A_40 step %scan3A_41 iter_args(%scan3A_154 = %scan3A) -> (i32)  : i32 {
      %mul3A_155 = arith.constant 4 : i32
      %mul3A_156 = arith.muli %mul3A_155, %scan3A_153 : i32
      %add3A_157 = arith.addi %mul3A_4, %mul3A_156 : i32
      %add3A_158 = arith.constant 2 : i32
      %add3A_159 = arith.addi %add3A_157, %add3A_158 : i32
      %mul3A_160 = arith.constant 32 : i32
      %mul3A_161 = arith.muli %add3A_159, %mul3A_160 : i32
      %dma_start3A_162 = arith.constant 0 : i32
      %dma_start3A_163 = tpu.memref_slice %arg2[%shift_right_arithmetic3A_6, %mul3A_161, %and3A_8, %dma_start3A_162] : memref<2x2048x8x128xf32, #tpu.memory_space<hbm>> -> memref<1x32x1x128xf32, #tpu.memory_space<hbm>>
      %dma_start3A_164 = tpu.memref_squeeze %dma_start3A_163 : memref<1x32x1x128xf32, #tpu.memory_space<hbm>> -> memref<32x128xf32, #tpu.memory_space<hbm>>
      %dma_start3A_165 = arith.constant 0 : i32
      %dma_start3A_166 = tpu.memref_slice %arg2[%shift_right_arithmetic3A_6, %mul3A_161, %and3A_8, %dma_start3A_165] : memref<2x2048x8x128xf32, #tpu.memory_space<hbm>> -> memref<1x32x1x128xf32, #tpu.memory_space<hbm>>
      %dma_start3A_167 = tpu.memref_squeeze %dma_start3A_166 : memref<1x32x1x128xf32, #tpu.memory_space<hbm>> -> memref<32x128xf32, #tpu.memory_space<hbm>>
      tpu.enqueue_dma source(%dma_start3A_167 : memref<32x128xf32, #tpu.memory_space<hbm>>) target(%arg8 : memref<32x128xf32, #tpu.memory_space<vmem>>) target_semaphore(%arg29 : memref<!tpu.dma_semaphore, #tpu.memory_space<semaphore_mem>>)
      %mul3A_168 = arith.constant 32 : i32
      %mul3A_169 = arith.muli %add3A_157, %mul3A_168 : i32
      %dma_wait3A_170 = arith.constant 0 : i32
      %dma_wait3A_171 = tpu.memref_slice %arg2[%shift_right_arithmetic3A_6, %mul3A_169, %and3A_8, %dma_wait3A_170] : memref<2x2048x8x128xf32, #tpu.memory_space<hbm>> -> memref<1x32x1x128xf32, #tpu.memory_space<hbm>>
      %dma_wait3A_172 = tpu.memref_squeeze %dma_wait3A_171 : memref<1x32x1x128xf32, #tpu.memory_space<hbm>> -> memref<32x128xf32, #tpu.memory_space<hbm>>
      %dma_wait3A_173 = arith.constant 0 : i32
      %dma_wait3A_174 = tpu.memref_slice %arg2[%shift_right_arithmetic3A_6, %mul3A_169, %and3A_8, %dma_wait3A_173] : memref<2x2048x8x128xf32, #tpu.memory_space<hbm>> -> memref<1x32x1x128xf32, #tpu.memory_space<hbm>>
      %dma_wait3A_175 = tpu.memref_squeeze %dma_wait3A_174 : memref<1x32x1x128xf32, #tpu.memory_space<hbm>> -> memref<32x128xf32, #tpu.memory_space<hbm>>
      tpu.wait_dma2 semaphore(%arg27 : memref<!tpu.dma_semaphore, #tpu.memory_space<semaphore_mem>>) src(%dma_wait3A_175 : memref<32x128xf32, #tpu.memory_space<hbm>>) dst(%arg6 : memref<32x128xf32, #tpu.memory_space<vmem>>)
      %add3A_176 = arith.constant 1 : i32
      %add3A_177 = arith.addi %add3A_157, %add3A_176 : i32
      %mul3A_178 = arith.constant 32 : i32
      %mul3A_179 = arith.muli %add3A_177, %mul3A_178 : i32
      %dma_wait3A_180 = arith.constant 0 : i32
      %dma_wait3A_181 = tpu.memref_slice %arg2[%shift_right_arithmetic3A_6, %mul3A_179, %and3A_8, %dma_wait3A_180] : memref<2x2048x8x128xf32, #tpu.memory_space<hbm>> -> memref<1x32x1x128xf32, #tpu.memory_space<hbm>>
      %dma_wait3A_182 = tpu.memref_squeeze %dma_wait3A_181 : memref<1x32x1x128xf32, #tpu.memory_space<hbm>> -> memref<32x128xf32, #tpu.memory_space<hbm>>
      %dma_wait3A_183 = arith.constant 0 : i32
      %dma_wait3A_184 = tpu.memref_slice %arg2[%shift_right_arithmetic3A_6, %mul3A_179, %and3A_8, %dma_wait3A_183] : memref<2x2048x8x128xf32, #tpu.memory_space<hbm>> -> memref<1x32x1x128xf32, #tpu.memory_space<hbm>>
      %dma_wait3A_185 = tpu.memref_squeeze %dma_wait3A_184 : memref<1x32x1x128xf32, #tpu.memory_space<hbm>> -> memref<32x128xf32, #tpu.memory_space<hbm>>
      tpu.wait_dma2 semaphore(%arg28 : memref<!tpu.dma_semaphore, #tpu.memory_space<semaphore_mem>>) src(%dma_wait3A_185 : memref<32x128xf32, #tpu.memory_space<hbm>>) dst(%arg7 : memref<32x128xf32, #tpu.memory_space<vmem>>)
      %parallel_loop3A_186 = arith.constant 0 : i32
      %parallel_loop3A_187 = arith.constant 4096 : i32
      %parallel_loop3A_188 = arith.constant 16 : i32
      scf.for %parallel_loop3A_578 = %parallel_loop3A_186 to %parallel_loop3A_187 step %parallel_loop3A_188  : i32 {
        %parallel_loop3A_579 = arith.constant 7 : i32
        %parallel_loop3A_580 = arith.shrsi %parallel_loop3A_578, %parallel_loop3A_579 : i32
        %parallel_loop3A_581 = arith.constant 127 : i32
        %parallel_loop3A_582 = arith.andi %parallel_loop3A_578, %parallel_loop3A_581 : i32
        %parallel_loop3A_583 = arith.index_cast %parallel_loop3A_580 : i32 to index
        %parallel_loop3A_584 = arith.index_cast %parallel_loop3A_582 : i32 to index
        %parallel_loop3A_585 = tpu.vector_load %arg6[%parallel_loop3A_583, %parallel_loop3A_584] {strides = array<i32>} : memref<32x128xf32, #tpu.memory_space<vmem>>, vector<16xf32>,
        %parallel_loop3A_586 = arith.constant 1 : i32
        %parallel_loop3A_587 = arith.subi %parallel_loop3A_578, %parallel_loop3A_586 : i32
        %parallel_loop3A_588 = vector.broadcast %parallel_loop3A_587 : i32 to vector<16xi32>
        %parallel_loop3A_589 = arith.addi %iota3A, %parallel_loop3A_588 : vector<16xi32>
        %parallel_loop3A_590 = arith.constant 0 : i32
        %parallel_loop3A_591 = vector.broadcast %parallel_loop3A_590 : i32 to vector<16xi32>
        %parallel_loop3A_592 = arith.maxsi %parallel_loop3A_589, %parallel_loop3A_591 : vector<16xi32>
        %parallel_loop3A_593 = arith.constant 7 : i32
        %parallel_loop3A_594 = vector.broadcast %parallel_loop3A_593 : i32 to vector<16xi32>
        %parallel_loop3A_595 = arith.shrsi %parallel_loop3A_592, %parallel_loop3A_594 : vector<16xi32>
        %parallel_loop3A_596 = arith.constant 127 : i32
        %parallel_loop3A_597 = vector.broadcast %parallel_loop3A_596 : i32 to vector<16xi32>
        %parallel_loop3A_598 = arith.andi %parallel_loop3A_592, %parallel_loop3A_597 : vector<16xi32>
        %parallel_loop3A_599 = tpu.vector_load_idx %arg6[%parallel_loop3A_595, %parallel_loop3A_598] : memref<32x128xf32, #tpu.memory_space<vmem>>[vector<16xi32>, vector<16xi32>], vector<16xf32>,
        %parallel_loop3A_600 = arith.addf %parallel_loop3A_585, %parallel_loop3A_599 : vector<16xf32>
        %parallel_loop3A_601 = arith.constant 7 : i32
        %parallel_loop3A_602 = arith.shrsi %parallel_loop3A_578, %parallel_loop3A_601 : i32
        %parallel_loop3A_603 = arith.constant 127 : i32
        %parallel_loop3A_604 = arith.andi %parallel_loop3A_578, %parallel_loop3A_603 : i32
        %parallel_loop3A_605 = arith.index_cast %parallel_loop3A_602 : i32 to index
        %parallel_loop3A_606 = arith.index_cast %parallel_loop3A_604 : i32 to index
        %parallel_loop3A_607 = tpu.vector_load %arg10[%parallel_loop3A_605, %parallel_loop3A_606] {strides = array<i32>} : memref<32x128xf32, #tpu.memory_space<vmem>>, vector<16xf32>,
        tpu.vector_store %arg10[%parallel_loop3A_605, %parallel_loop3A_606], %parallel_loop3A_600 {strides = array<i32>} : memref<32x128xf32, #tpu.memory_space<vmem>>, vector<16xf32>,
      } {sc.loop_unroll_factor = 8 : i64, sc.parallel_access}
      %parallel_loop3A_189 = arith.constant 0 : i32
      %parallel_loop3A_190 = arith.constant 4096 : i32
      %parallel_loop3A_191 = arith.constant 16 : i32
      scf.for %parallel_loop3A_578 = %parallel_loop3A_189 to %parallel_loop3A_190 step %parallel_loop3A_191  : i32 {
        %parallel_loop3A_579 = arith.constant 7 : i32
        %parallel_loop3A_580 = arith.shrsi %parallel_loop3A_578, %parallel_loop3A_579 : i32
        %parallel_loop3A_581 = arith.constant 127 : i32
        %parallel_loop3A_582 = arith.andi %parallel_loop3A_578, %parallel_loop3A_581 : i32
        %parallel_loop3A_583 = arith.index_cast %parallel_loop3A_580 : i32 to index
        %parallel_loop3A_584 = arith.index_cast %parallel_loop3A_582 : i32 to index
        %parallel_loop3A_585 = tpu.vector_load %arg7[%parallel_loop3A_583, %parallel_loop3A_584] {strides = array<i32>} : memref<32x128xf32, #tpu.memory_space<vmem>>, vector<16xf32>,
        %parallel_loop3A_586 = arith.constant 1 : i32
        %parallel_loop3A_587 = arith.subi %parallel_loop3A_578, %parallel_loop3A_586 : i32
        %parallel_loop3A_588 = vector.broadcast %parallel_loop3A_587 : i32 to vector<16xi32>
        %parallel_loop3A_589 = arith.addi %iota3A, %parallel_loop3A_588 : vector<16xi32>
        %parallel_loop3A_590 = arith.constant 0 : i32
        %parallel_loop3A_591 = vector.broadcast %parallel_loop3A_590 : i32 to vector<16xi32>
        %parallel_loop3A_592 = arith.maxsi %parallel_loop3A_589, %parallel_loop3A_591 : vector<16xi32>
        %parallel_loop3A_593 = arith.constant 7 : i32
        %parallel_loop3A_594 = vector.broadcast %parallel_loop3A_593 : i32 to vector<16xi32>
        %parallel_loop3A_595 = arith.shrsi %parallel_loop3A_592, %parallel_loop3A_594 : vector<16xi32>
        %parallel_loop3A_596 = arith.constant 127 : i32
        %parallel_loop3A_597 = vector.broadcast %parallel_loop3A_596 : i32 to vector<16xi32>
        %parallel_loop3A_598 = arith.andi %parallel_loop3A_592, %parallel_loop3A_597 : vector<16xi32>
        %parallel_loop3A_599 = tpu.vector_load_idx %arg7[%parallel_loop3A_595, %parallel_loop3A_598] : memref<32x128xf32, #tpu.memory_space<vmem>>[vector<16xi32>, vector<16xi32>], vector<16xf32>,
        %parallel_loop3A_600 = arith.addf %parallel_loop3A_585, %parallel_loop3A_599 : vector<16xf32>
        %parallel_loop3A_601 = arith.constant 7 : i32
        %parallel_loop3A_602 = arith.shrsi %parallel_loop3A_578, %parallel_loop3A_601 : i32
        %parallel_loop3A_603 = arith.constant 127 : i32
        %parallel_loop3A_604 = arith.andi %parallel_loop3A_578, %parallel_loop3A_603 : i32
        %parallel_loop3A_605 = arith.index_cast %parallel_loop3A_602 : i32 to index
        %parallel_loop3A_606 = arith.index_cast %parallel_loop3A_604 : i32 to index
        %parallel_loop3A_607 = tpu.vector_load %arg11[%parallel_loop3A_605, %parallel_loop3A_606] {strides = array<i32>} : memref<32x128xf32, #tpu.memory_space<vmem>>, vector<16xf32>,
        tpu.vector_store %arg11[%parallel_loop3A_605, %parallel_loop3A_606], %parallel_loop3A_600 {strides = array<i32>} : memref<32x128xf32, #tpu.memory_space<vmem>>, vector<16xf32>,
      } {sc.loop_unroll_factor = 8 : i64, sc.parallel_access}
      %gt3A = arith.constant 0 : i32
      %gt3A_192 = arith.cmpi sgt, %scan3A_153, %gt3A : i32
      %convert_element_type3A_193 = arith.extui %gt3A_192 : i1 to i32
      %cond3A_194 = arith.constant 0 : i32
      %cond3A_195 = arith.cmpi ne, %convert_element_type3A_193, %cond3A_194 : i32
      scf.if %cond3A_195 {
        %dma_wait3A_578 = arith.constant 0 : i32
        %dma_wait3A_579 = arith.constant 0 : i32
        %dma_wait3A_580 = arith.constant 0 : i32
        %dma_wait3A_581 = tpu.memref_slice %arg4[%dma_wait3A_578, %shift_right_arithmetic3A_6, %dma_wait3A_579, %and3A_8, %dma_wait3A_580] : memref<3x2x2048x8x128xf32, #tpu.memory_space<hbm>> -> memref<1x1x32x1x128xf32, #tpu.memory_space<hbm>>
        %dma_wait3A_582 = tpu.memref_squeeze %dma_wait3A_581 : memref<1x1x32x1x128xf32, #tpu.memory_space<hbm>> -> memref<32x128xf32, #tpu.memory_space<hbm>>
        %dma_wait3A_583 = arith.constant 0 : i32
        %dma_wait3A_584 = arith.constant 0 : i32
        %dma_wait3A_585 = tpu.memref_slice %arg4[%dma_wait3A_578, %shift_right_arithmetic3A_6, %dma_wait3A_583, %and3A_8, %dma_wait3A_584] : memref<3x2x2048x8x128xf32, #tpu.memory_space<hbm>> -> memref<1x1x32x1x128xf32, #tpu.memory_space<hbm>>
        %dma_wait3A_586 = tpu.memref_squeeze %dma_wait3A_585 : memref<1x1x32x1x128xf32, #tpu.memory_space<hbm>> -> memref<32x128xf32, #tpu.memory_space<hbm>>
        tpu.wait_dma2 semaphore(%arg30 : memref<!tpu.dma_semaphore, #tpu.memory_space<semaphore_mem>>) src(%arg13 : memref<32x128xf32, #tpu.memory_space<vmem>>) dst(%dma_wait3A_586 : memref<32x128xf32, #tpu.memory_space<hbm>>)
        %dma_wait3A_587 = arith.constant 1 : i32
        %dma_wait3A_588 = arith.constant 0 : i32
        %dma_wait3A_589 = arith.constant 0 : i32
        %dma_wait3A_590 = tpu.memref_slice %arg4[%dma_wait3A_587, %shift_right_arithmetic3A_6, %dma_wait3A_588, %and3A_8, %dma_wait3A_589] : memref<3x2x2048x8x128xf32, #tpu.memory_space<hbm>> -> memref<1x1x32x1x128xf32, #tpu.memory_space<hbm>>
        %dma_wait3A_591 = tpu.memref_squeeze %dma_wait3A_590 : memref<1x1x32x1x128xf32, #tpu.memory_space<hbm>> -> memref<32x128xf32, #tpu.memory_space<hbm>>
        %dma_wait3A_592 = arith.constant 0 : i32
        %dma_wait3A_593 = arith.constant 0 : i32
        %dma_wait3A_594 = tpu.memref_slice %arg4[%dma_wait3A_587, %shift_right_arithmetic3A_6, %dma_wait3A_592, %and3A_8, %dma_wait3A_593] : memref<3x2x2048x8x128xf32, #tpu.memory_space<hbm>> -> memref<1x1x32x1x128xf32, #tpu.memory_space<hbm>>
        %dma_wait3A_595 = tpu.memref_squeeze %dma_wait3A_594 : memref<1x1x32x1x128xf32, #tpu.memory_space<hbm>> -> memref<32x128xf32, #tpu.memory_space<hbm>>
        tpu.wait_dma2 semaphore(%arg30 : memref<!tpu.dma_semaphore, #tpu.memory_space<semaphore_mem>>) src(%arg14 : memref<32x128xf32, #tpu.memory_space<vmem>>) dst(%dma_wait3A_595 : memref<32x128xf32, #tpu.memory_space<hbm>>)
        %dma_wait3A_596 = arith.constant 2 : i32
        %dma_wait3A_597 = arith.constant 0 : i32
        %dma_wait3A_598 = arith.constant 0 : i32
        %dma_wait3A_599 = tpu.memref_slice %arg4[%dma_wait3A_596, %shift_right_arithmetic3A_6, %dma_wait3A_597, %and3A_8, %dma_wait3A_598] : memref<3x2x2048x8x128xf32, #tpu.memory_space<hbm>> -> memref<1x1x32x1x128xf32, #tpu.memory_space<hbm>>
        %dma_wait3A_600 = tpu.memref_squeeze %dma_wait3A_599 : memref<1x1x32x1x128xf32, #tpu.memory_space<hbm>> -> memref<32x128xf32, #tpu.memory_space<hbm>>
        %dma_wait3A_601 = arith.constant 0 : i32
        %dma_wait3A_602 = arith.constant 0 : i32
        %dma_wait3A_603 = tpu.memref_slice %arg4[%dma_wait3A_596, %shift_right_arithmetic3A_6, %dma_wait3A_601, %and3A_8, %dma_wait3A_602] : memref<3x2x2048x8x128xf32, #tpu.memory_space<hbm>> -> memref<1x1x32x1x128xf32, #tpu.memory_space<hbm>>
        %dma_wait3A_604 = tpu.memref_squeeze %dma_wait3A_603 : memref<1x1x32x1x128xf32, #tpu.memory_space<hbm>> -> memref<32x128xf32, #tpu.memory_space<hbm>>
        tpu.wait_dma2 semaphore(%arg30 : memref<!tpu.dma_semaphore, #tpu.memory_space<semaphore_mem>>) src(%arg15 : memref<32x128xf32, #tpu.memory_space<vmem>>) dst(%dma_wait3A_604 : memref<32x128xf32, #tpu.memory_space<hbm>>)
        %dma_wait3A_605 = arith.constant 0 : i32
        %dma_wait3A_606 = arith.constant 0 : i32
        %dma_wait3A_607 = arith.constant 0 : i32
        %dma_wait3A_608 = tpu.memref_slice %arg4[%dma_wait3A_605, %shift_right_arithmetic3A_6, %dma_wait3A_606, %and3A_8, %dma_wait3A_607] : memref<3x2x2048x8x128xf32, #tpu.memory_space<hbm>> -> memref<1x1x32x1x128xf32, #tpu.memory_space<hbm>>
        %dma_wait3A_609 = tpu.memref_squeeze %dma_wait3A_608 : memref<1x1x32x1x128xf32, #tpu.memory_space<hbm>> -> memref<32x128xf32, #tpu.memory_space<hbm>>
        %dma_wait3A_610 = arith.constant 0 : i32
        %dma_wait3A_611 = arith.constant 0 : i32
        %dma_wait3A_612 = tpu.memref_slice %arg4[%dma_wait3A_605, %shift_right_arithmetic3A_6, %dma_wait3A_610, %and3A_8, %dma_wait3A_611] : memref<3x2x2048x8x128xf32, #tpu.memory_space<hbm>> -> memref<1x1x32x1x128xf32, #tpu.memory_space<hbm>>
        %dma_wait3A_613 = tpu.memref_squeeze %dma_wait3A_612 : memref<1x1x32x1x128xf32, #tpu.memory_space<hbm>> -> memref<32x128xf32, #tpu.memory_space<hbm>>
        tpu.wait_dma2 semaphore(%arg30 : memref<!tpu.dma_semaphore, #tpu.memory_space<semaphore_mem>>) src(%arg16 : memref<32x128xf32, #tpu.memory_space<vmem>>) dst(%dma_wait3A_613 : memref<32x128xf32, #tpu.memory_space<hbm>>)
        %dma_wait3A_614 = arith.constant 1 : i32
        %dma_wait3A_615 = arith.constant 0 : i32
        %dma_wait3A_616 = arith.constant 0 : i32
        %dma_wait3A_617 = tpu.memref_slice %arg4[%dma_wait3A_614, %shift_right_arithmetic3A_6, %dma_wait3A_615, %and3A_8, %dma_wait3A_616] : memref<3x2x2048x8x128xf32, #tpu.memory_space<hbm>> -> memref<1x1x32x1x128xf32, #tpu.memory_space<hbm>>
        %dma_wait3A_618 = tpu.memref_squeeze %dma_wait3A_617 : memref<1x1x32x1x128xf32, #tpu.memory_space<hbm>> -> memref<32x128xf32, #tpu.memory_space<hbm>>
        %dma_wait3A_619 = arith.constant 0 : i32
        %dma_wait3A_620 = arith.constant 0 : i32
        %dma_wait3A_621 = tpu.memref_slice %arg4[%dma_wait3A_614, %shift_right_arithmetic3A_6, %dma_wait3A_619, %and3A_8, %dma_wait3A_620] : memref<3x2x2048x8x128xf32, #tpu.memory_space<hbm>> -> memref<1x1x32x1x128xf32, #tpu.memory_space<hbm>>
        %dma_wait3A_622 = tpu.memref_squeeze %dma_wait3A_621 : memref<1x1x32x1x128xf32, #tpu.memory_space<hbm>> -> memref<32x128xf32, #tpu.memory_space<hbm>>
        tpu.wait_dma2 semaphore(%arg30 : memref<!tpu.dma_semaphore, #tpu.memory_space<semaphore_mem>>) src(%arg17 : memref<32x128xf32, #tpu.memory_space<vmem>>) dst(%dma_wait3A_622 : memref<32x128xf32, #tpu.memory_space<hbm>>)
        %dma_wait3A_623 = arith.constant 2 : i32
        %dma_wait3A_624 = arith.constant 0 : i32
        %dma_wait3A_625 = arith.constant 0 : i32
        %dma_wait3A_626 = tpu.memref_slice %arg4[%dma_wait3A_623, %shift_right_arithmetic3A_6, %dma_wait3A_624, %and3A_8, %dma_wait3A_625] : memref<3x2x2048x8x128xf32, #tpu.memory_space<hbm>> -> memref<1x1x32x1x128xf32, #tpu.memory_space<hbm>>
        %dma_wait3A_627 = tpu.memref_squeeze %dma_wait3A_626 : memref<1x1x32x1x128xf32, #tpu.memory_space<hbm>> -> memref<32x128xf32, #tpu.memory_space<hbm>>
        %dma_wait3A_628 = arith.constant 0 : i32
        %dma_wait3A_629 = arith.constant 0 : i32
        %dma_wait3A_630 = tpu.memref_slice %arg4[%dma_wait3A_623, %shift_right_arithmetic3A_6, %dma_wait3A_628, %and3A_8, %dma_wait3A_629] : memref<3x2x2048x8x128xf32, #tpu.memory_space<hbm>> -> memref<1x1x32x1x128xf32, #tpu.memory_space<hbm>>
        %dma_wait3A_631 = tpu.memref_squeeze %dma_wait3A_630 : memref<1x1x32x1x128xf32, #tpu.memory_space<hbm>> -> memref<32x128xf32, #tpu.memory_space<hbm>>
        tpu.wait_dma2 semaphore(%arg30 : memref<!tpu.dma_semaphore, #tpu.memory_space<semaphore_mem>>) src(%arg18 : memref<32x128xf32, #tpu.memory_space<vmem>>) dst(%dma_wait3A_631 : memref<32x128xf32, #tpu.memory_space<hbm>>)
      } else {
      }
      %convert_element_type3A_196 = arith.sitofp %add3A_157 : i32 to f32
      %sub3A_197 = arith.constant 3.200000e+01 : f32
      %sub3A_198 = arith.subf %convert_element_type3A_196, %sub3A_197 : f32
      %add3A_199 = arith.constant 1.000000e+00 : f32
      %add3A_200 = arith.addf %sub3A_198, %add3A_199 : f32
      %swap3A = arith.constant 0 : i32
      %swap3A_201 = arith.index_cast %swap3A : i32 to index
      %swap3A_202 = arith.constant 0 : index
      %swap3A_203 = tpu.vector_load %arg13[%swap3A_201, %swap3A_202] {strides = array<i32>} : memref<32x128xf32, #tpu.memory_space<vmem>>, vector<16xf32>,
      tpu.vector_store %arg13[%swap3A_201, %swap3A_202], %broadcast_in_dim3A_14 {strides = array<i32>} : memref<32x128xf32, #tpu.memory_space<vmem>>, vector<16xf32>,
      %swap3A_204 = arith.constant 0 : i32
      %swap3A_205 = arith.index_cast %swap3A_204 : i32 to index
      %swap3A_206 = arith.constant 0 : index
      %swap3A_207 = tpu.vector_load %arg14[%swap3A_205, %swap3A_206] {strides = array<i32>} : memref<32x128xf32, #tpu.memory_space<vmem>>, vector<16xf32>,
      tpu.vector_store %arg14[%swap3A_205, %swap3A_206], %broadcast_in_dim3A_14 {strides = array<i32>} : memref<32x128xf32, #tpu.memory_space<vmem>>, vector<16xf32>,
      %swap3A_208 = arith.constant 0 : i32
      %swap3A_209 = arith.index_cast %swap3A_208 : i32 to index
      %swap3A_210 = arith.constant 0 : index
      %swap3A_211 = tpu.vector_load %arg15[%swap3A_209, %swap3A_210] {strides = array<i32>} : memref<32x128xf32, #tpu.memory_space<vmem>>, vector<16xf32>,
      tpu.vector_store %arg15[%swap3A_209, %swap3A_210], %broadcast_in_dim3A_14 {strides = array<i32>} : memref<32x128xf32, #tpu.memory_space<vmem>>, vector<16xf32>,
      %swap3A_212 = arith.constant 0 : i32
      %swap3A_213 = arith.index_cast %swap3A_212 : i32 to index
      %swap3A_214 = arith.constant 0 : index
      %swap3A_215 = tpu.vector_load %arg16[%swap3A_213, %swap3A_214] {strides = array<i32>} : memref<32x128xf32, #tpu.memory_space<vmem>>, vector<16xf32>,
      tpu.vector_store %arg16[%swap3A_213, %swap3A_214], %broadcast_in_dim3A_14 {strides = array<i32>} : memref<32x128xf32, #tpu.memory_space<vmem>>, vector<16xf32>,
      %swap3A_216 = arith.constant 0 : i32
      %swap3A_217 = arith.index_cast %swap3A_216 : i32 to index
      %swap3A_218 = arith.constant 0 : index
      %swap3A_219 = tpu.vector_load %arg17[%swap3A_217, %swap3A_218] {strides = array<i32>} : memref<32x128xf32, #tpu.memory_space<vmem>>, vector<16xf32>,
      tpu.vector_store %arg17[%swap3A_217, %swap3A_218], %broadcast_in_dim3A_14 {strides = array<i32>} : memref<32x128xf32, #tpu.memory_space<vmem>>, vector<16xf32>,
      %swap3A_220 = arith.constant 0 : i32
      %swap3A_221 = arith.index_cast %swap3A_220 : i32 to index
      %swap3A_222 = arith.constant 0 : index
      %swap3A_223 = tpu.vector_load %arg18[%swap3A_221, %swap3A_222] {strides = array<i32>} : memref<32x128xf32, #tpu.memory_space<vmem>>, vector<16xf32>,
      tpu.vector_store %arg18[%swap3A_221, %swap3A_222], %broadcast_in_dim3A_14 {strides = array<i32>} : memref<32x128xf32, #tpu.memory_space<vmem>>, vector<16xf32>,
      %swap3A_224 = arith.constant 0 : i32
      %swap3A_225 = arith.index_cast %swap3A_224 : i32 to index
      %swap3A_226 = arith.constant 16 : index
      %swap3A_227 = tpu.vector_load %arg13[%swap3A_225, %swap3A_226] {strides = array<i32>} : memref<32x128xf32, #tpu.memory_space<vmem>>, vector<16xf32>,
      tpu.vector_store %arg13[%swap3A_225, %swap3A_226], %broadcast_in_dim3A_14 {strides = array<i32>} : memref<32x128xf32, #tpu.memory_space<vmem>>, vector<16xf32>,
      %swap3A_228 = arith.constant 0 : i32
      %swap3A_229 = arith.index_cast %swap3A_228 : i32 to index
      %swap3A_230 = arith.constant 16 : index
      %swap3A_231 = tpu.vector_load %arg14[%swap3A_229, %swap3A_230] {strides = array<i32>} : memref<32x128xf32, #tpu.memory_space<vmem>>, vector<16xf32>,
      tpu.vector_store %arg14[%swap3A_229, %swap3A_230], %broadcast_in_dim3A_14 {strides = array<i32>} : memref<32x128xf32, #tpu.memory_space<vmem>>, vector<16xf32>,
      %swap3A_232 = arith.constant 0 : i32
      %swap3A_233 = arith.index_cast %swap3A_232 : i32 to index
      %swap3A_234 = arith.constant 16 : index
      %swap3A_235 = tpu.vector_load %arg15[%swap3A_233, %swap3A_234] {strides = array<i32>} : memref<32x128xf32, #tpu.memory_space<vmem>>, vector<16xf32>,
      tpu.vector_store %arg15[%swap3A_233, %swap3A_234], %broadcast_in_dim3A_14 {strides = array<i32>} : memref<32x128xf32, #tpu.memory_space<vmem>>, vector<16xf32>,
      %swap3A_236 = arith.constant 0 : i32
      %swap3A_237 = arith.index_cast %swap3A_236 : i32 to index
      %swap3A_238 = arith.constant 16 : index
      %swap3A_239 = tpu.vector_load %arg16[%swap3A_237, %swap3A_238] {strides = array<i32>} : memref<32x128xf32, #tpu.memory_space<vmem>>, vector<16xf32>,
      tpu.vector_store %arg16[%swap3A_237, %swap3A_238], %broadcast_in_dim3A_14 {strides = array<i32>} : memref<32x128xf32, #tpu.memory_space<vmem>>, vector<16xf32>,
      %swap3A_240 = arith.constant 0 : i32
      %swap3A_241 = arith.index_cast %swap3A_240 : i32 to index
      %swap3A_242 = arith.constant 16 : index
      %swap3A_243 = tpu.vector_load %arg17[%swap3A_241, %swap3A_242] {strides = array<i32>} : memref<32x128xf32, #tpu.memory_space<vmem>>, vector<16xf32>,
      tpu.vector_store %arg17[%swap3A_241, %swap3A_242], %broadcast_in_dim3A_14 {strides = array<i32>} : memref<32x128xf32, #tpu.memory_space<vmem>>, vector<16xf32>,
      %swap3A_244 = arith.constant 0 : i32
      %swap3A_245 = arith.index_cast %swap3A_244 : i32 to index
      %swap3A_246 = arith.constant 16 : index
      %swap3A_247 = tpu.vector_load %arg18[%swap3A_245, %swap3A_246] {strides = array<i32>} : memref<32x128xf32, #tpu.memory_space<vmem>>, vector<16xf32>,
      tpu.vector_store %arg18[%swap3A_245, %swap3A_246], %broadcast_in_dim3A_14 {strides = array<i32>} : memref<32x128xf32, #tpu.memory_space<vmem>>, vector<16xf32>,
      %swap3A_248 = arith.constant 0 : i32
      %swap3A_249 = arith.index_cast %swap3A_248 : i32 to index
      %swap3A_250 = arith.constant 32 : index
      %swap3A_251 = tpu.vector_load %arg13[%swap3A_249, %swap3A_250] {strides = array<i32>} : memref<32x128xf32, #tpu.memory_space<vmem>>, vector<16xf32>,
      tpu.vector_store %arg13[%swap3A_249, %swap3A_250], %broadcast_in_dim3A_14 {strides = array<i32>} : memref<32x128xf32, #tpu.memory_space<vmem>>, vector<16xf32>,
      %swap3A_252 = arith.constant 0 : i32
      %swap3A_253 = arith.index_cast %swap3A_252 : i32 to index
      %swap3A_254 = arith.constant 32 : index
      %swap3A_255 = tpu.vector_load %arg14[%swap3A_253, %swap3A_254] {strides = array<i32>} : memref<32x128xf32, #tpu.memory_space<vmem>>, vector<16xf32>,
      tpu.vector_store %arg14[%swap3A_253, %swap3A_254], %broadcast_in_dim3A_14 {strides = array<i32>} : memref<32x128xf32, #tpu.memory_space<vmem>>, vector<16xf32>,
      %swap3A_256 = arith.constant 0 : i32
      %swap3A_257 = arith.index_cast %swap3A_256 : i32 to index
      %swap3A_258 = arith.constant 32 : index
      %swap3A_259 = tpu.vector_load %arg15[%swap3A_257, %swap3A_258] {strides = array<i32>} : memref<32x128xf32, #tpu.memory_space<vmem>>, vector<16xf32>,
      tpu.vector_store %arg15[%swap3A_257, %swap3A_258], %broadcast_in_dim3A_14 {strides = array<i32>} : memref<32x128xf32, #tpu.memory_space<vmem>>, vector<16xf32>,
      %swap3A_260 = arith.constant 0 : i32
      %swap3A_261 = arith.index_cast %swap3A_260 : i32 to index
      %swap3A_262 = arith.constant 32 : index
      %swap3A_263 = tpu.vector_load %arg16[%swap3A_261, %swap3A_262] {strides = array<i32>} : memref<32x128xf32, #tpu.memory_space<vmem>>, vector<16xf32>,
      tpu.vector_store %arg16[%swap3A_261, %swap3A_262], %broadcast_in_dim3A_14 {strides = array<i32>} : memref<32x128xf32, #tpu.memory_space<vmem>>, vector<16xf32>,
      %swap3A_264 = arith.constant 0 : i32
      %swap3A_265 = arith.index_cast %swap3A_264 : i32 to index
      %swap3A_266 = arith.constant 32 : index
      %swap3A_267 = tpu.vector_load %arg17[%swap3A_265, %swap3A_266] {strides = array<i32>} : memref<32x128xf32, #tpu.memory_space<vmem>>, vector<16xf32>,
      tpu.vector_store %arg17[%swap3A_265, %swap3A_266], %broadcast_in_dim3A_14 {strides = array<i32>} : memref<32x128xf32, #tpu.memory_space<vmem>>, vector<16xf32>,
      %swap3A_268 = arith.constant 0 : i32
      %swap3A_269 = arith.index_cast %swap3A_268 : i32 to index
      %swap3A_270 = arith.constant 32 : index
      %swap3A_271 = tpu.vector_load %arg18[%swap3A_269, %swap3A_270] {strides = array<i32>} : memref<32x128xf32, #tpu.memory_space<vmem>>, vector<16xf32>,
      tpu.vector_store %arg18[%swap3A_269, %swap3A_270], %broadcast_in_dim3A_14 {strides = array<i32>} : memref<32x128xf32, #tpu.memory_space<vmem>>, vector<16xf32>,
      %swap3A_272 = arith.constant 0 : i32
      %swap3A_273 = arith.index_cast %swap3A_272 : i32 to index
      %swap3A_274 = arith.constant 48 : index
      %swap3A_275 = tpu.vector_load %arg13[%swap3A_273, %swap3A_274] {strides = array<i32>} : memref<32x128xf32, #tpu.memory_space<vmem>>, vector<16xf32>,
      tpu.vector_store %arg13[%swap3A_273, %swap3A_274], %broadcast_in_dim3A_14 {strides = array<i32>} : memref<32x128xf32, #tpu.memory_space<vmem>>, vector<16xf32>,
      %swap3A_276 = arith.constant 0 : i32
      %swap3A_277 = arith.index_cast %swap3A_276 : i32 to index
      %swap3A_278 = arith.constant 48 : index
      %swap3A_279 = tpu.vector_load %arg14[%swap3A_277, %swap3A_278] {strides = array<i32>} : memref<32x128xf32, #tpu.memory_space<vmem>>, vector<16xf32>,
      tpu.vector_store %arg14[%swap3A_277, %swap3A_278], %broadcast_in_dim3A_14 {strides = array<i32>} : memref<32x128xf32, #tpu.memory_space<vmem>>, vector<16xf32>,
      %swap3A_280 = arith.constant 0 : i32
      %swap3A_281 = arith.index_cast %swap3A_280 : i32 to index
      %swap3A_282 = arith.constant 48 : index
      %swap3A_283 = tpu.vector_load %arg15[%swap3A_281, %swap3A_282] {strides = array<i32>} : memref<32x128xf32, #tpu.memory_space<vmem>>, vector<16xf32>,
      tpu.vector_store %arg15[%swap3A_281, %swap3A_282], %broadcast_in_dim3A_14 {strides = array<i32>} : memref<32x128xf32, #tpu.memory_space<vmem>>, vector<16xf32>,
      %swap3A_284 = arith.constant 0 : i32
      %swap3A_285 = arith.index_cast %swap3A_284 : i32 to index
      %swap3A_286 = arith.constant 48 : index
      %swap3A_287 = tpu.vector_load %arg16[%swap3A_285, %swap3A_286] {strides = array<i32>} : memref<32x128xf32, #tpu.memory_space<vmem>>, vector<16xf32>,
      tpu.vector_store %arg16[%swap3A_285, %swap3A_286], %broadcast_in_dim3A_14 {strides = array<i32>} : memref<32x128xf32, #tpu.memory_space<vmem>>, vector<16xf32>,
      %swap3A_288 = arith.constant 0 : i32
      %swap3A_289 = arith.index_cast %swap3A_288 : i32 to index
      %swap3A_290 = arith.constant 48 : index
      %swap3A_291 = tpu.vector_load %arg17[%swap3A_289, %swap3A_290] {strides = array<i32>} : memref<32x128xf32, #tpu.memory_space<vmem>>, vector<16xf32>,
      tpu.vector_store %arg17[%swap3A_289, %swap3A_290], %broadcast_in_dim3A_14 {strides = array<i32>} : memref<32x128xf32, #tpu.memory_space<vmem>>, vector<16xf32>,
      %swap3A_292 = arith.constant 0 : i32
      %swap3A_293 = arith.index_cast %swap3A_292 : i32 to index
      %swap3A_294 = arith.constant 48 : index
      %swap3A_295 = tpu.vector_load %arg18[%swap3A_293, %swap3A_294] {strides = array<i32>} : memref<32x128xf32, #tpu.memory_space<vmem>>, vector<16xf32>,
      tpu.vector_store %arg18[%swap3A_293, %swap3A_294], %broadcast_in_dim3A_14 {strides = array<i32>} : memref<32x128xf32, #tpu.memory_space<vmem>>, vector<16xf32>,
      %parallel_loop3A_296 = arith.constant 64 : i32
      %parallel_loop3A_297 = arith.constant 4096 : i32
      %parallel_loop3A_298 = arith.constant 16 : i32
      scf.for %parallel_loop3A_578 = %parallel_loop3A_296 to %parallel_loop3A_297 step %parallel_loop3A_298  : i32 {
        %parallel_loop3A_579 = arith.constant 7 : i32
        %parallel_loop3A_580 = arith.shrsi %parallel_loop3A_578, %parallel_loop3A_579 : i32
        %parallel_loop3A_581 = arith.constant 127 : i32
        %parallel_loop3A_582 = arith.andi %parallel_loop3A_578, %parallel_loop3A_581 : i32
        %parallel_loop3A_583 = arith.constant 64 : i32
        %parallel_loop3A_584 = arith.subi %parallel_loop3A_578, %parallel_loop3A_583 : i32
        %parallel_loop3A_585 = arith.constant 7 : i32
        %parallel_loop3A_586 = arith.shrsi %parallel_loop3A_584, %parallel_loop3A_585 : i32
        %parallel_loop3A_587 = arith.constant 127 : i32
        %parallel_loop3A_588 = arith.andi %parallel_loop3A_584, %parallel_loop3A_587 : i32
        %parallel_loop3A_589 = arith.index_cast %parallel_loop3A_580 : i32 to index
        %parallel_loop3A_590 = arith.index_cast %parallel_loop3A_582 : i32 to index
        %parallel_loop3A_591 = tpu.vector_load %arg9[%parallel_loop3A_589, %parallel_loop3A_590] {strides = array<i32>} : memref<32x128xf32, #tpu.memory_space<vmem>>, vector<16xf32>,
        %parallel_loop3A_592 = arith.index_cast %parallel_loop3A_586 : i32 to index
        %parallel_loop3A_593 = arith.index_cast %parallel_loop3A_588 : i32 to index
        %parallel_loop3A_594 = tpu.vector_load %arg9[%parallel_loop3A_592, %parallel_loop3A_593] {strides = array<i32>} : memref<32x128xf32, #tpu.memory_space<vmem>>, vector<16xf32>,
        %parallel_loop3A_595 = arith.index_cast %parallel_loop3A_580 : i32 to index
        %parallel_loop3A_596 = arith.index_cast %parallel_loop3A_582 : i32 to index
        %parallel_loop3A_597 = tpu.vector_load %arg10[%parallel_loop3A_595, %parallel_loop3A_596] {strides = array<i32>} : memref<32x128xf32, #tpu.memory_space<vmem>>, vector<16xf32>,
        %parallel_loop3A_598 = arith.index_cast %parallel_loop3A_586 : i32 to index
        %parallel_loop3A_599 = arith.index_cast %parallel_loop3A_588 : i32 to index
        %parallel_loop3A_600 = tpu.vector_load %arg10[%parallel_loop3A_598, %parallel_loop3A_599] {strides = array<i32>} : memref<32x128xf32, #tpu.memory_space<vmem>>, vector<16xf32>,
        %parallel_loop3A_601 = arith.index_cast %parallel_loop3A_580 : i32 to index
        %parallel_loop3A_602 = arith.index_cast %parallel_loop3A_582 : i32 to index
        %parallel_loop3A_603 = tpu.vector_load %arg11[%parallel_loop3A_601, %parallel_loop3A_602] {strides = array<i32>} : memref<32x128xf32, #tpu.memory_space<vmem>>, vector<16xf32>,
        %parallel_loop3A_604 = arith.index_cast %parallel_loop3A_586 : i32 to index
        %parallel_loop3A_605 = arith.index_cast %parallel_loop3A_588 : i32 to index
        %parallel_loop3A_606 = tpu.vector_load %arg11[%parallel_loop3A_604, %parallel_loop3A_605] {strides = array<i32>} : memref<32x128xf32, #tpu.memory_space<vmem>>, vector<16xf32>,
        %parallel_loop3A_607 = arith.index_cast %parallel_loop3A_580 : i32 to index
        %parallel_loop3A_608 = arith.index_cast %parallel_loop3A_582 : i32 to index
        %parallel_loop3A_609 = tpu.vector_load %arg5[%parallel_loop3A_607, %parallel_loop3A_608] {strides = array<i32>} : memref<32x128xf32, #tpu.memory_space<vmem>>, vector<16xf32>,
        %parallel_loop3A_610 = arith.index_cast %parallel_loop3A_586 : i32 to index
        %parallel_loop3A_611 = arith.index_cast %parallel_loop3A_588 : i32 to index
        %parallel_loop3A_612 = tpu.vector_load %arg5[%parallel_loop3A_610, %parallel_loop3A_611] {strides = array<i32>} : memref<32x128xf32, #tpu.memory_space<vmem>>, vector<16xf32>,
        %parallel_loop3A_613 = arith.index_cast %parallel_loop3A_580 : i32 to index
        %parallel_loop3A_614 = arith.index_cast %parallel_loop3A_582 : i32 to index
        %parallel_loop3A_615 = tpu.vector_load %arg6[%parallel_loop3A_613, %parallel_loop3A_614] {strides = array<i32>} : memref<32x128xf32, #tpu.memory_space<vmem>>, vector<16xf32>,
        %parallel_loop3A_616 = arith.index_cast %parallel_loop3A_586 : i32 to index
        %parallel_loop3A_617 = arith.index_cast %parallel_loop3A_588 : i32 to index
        %parallel_loop3A_618 = tpu.vector_load %arg6[%parallel_loop3A_616, %parallel_loop3A_617] {strides = array<i32>} : memref<32x128xf32, #tpu.memory_space<vmem>>, vector<16xf32>,
        %parallel_loop3A_619 = arith.index_cast %parallel_loop3A_580 : i32 to index
        %parallel_loop3A_620 = arith.index_cast %parallel_loop3A_582 : i32 to index
        %parallel_loop3A_621 = tpu.vector_load %arg7[%parallel_loop3A_619, %parallel_loop3A_620] {strides = array<i32>} : memref<32x128xf32, #tpu.memory_space<vmem>>, vector<16xf32>,
        %parallel_loop3A_622 = arith.index_cast %parallel_loop3A_586 : i32 to index
        %parallel_loop3A_623 = arith.index_cast %parallel_loop3A_588 : i32 to index
        %parallel_loop3A_624 = tpu.vector_load %arg7[%parallel_loop3A_622, %parallel_loop3A_623] {strides = array<i32>} : memref<32x128xf32, #tpu.memory_space<vmem>>, vector<16xf32>,
        %parallel_loop3A_625 = arith.addf %parallel_loop3A_591, %parallel_loop3A_594 : vector<16xf32>
        %parallel_loop3A_626 = arith.addf %parallel_loop3A_597, %parallel_loop3A_600 : vector<16xf32>
        %parallel_loop3A_627 = arith.addf %parallel_loop3A_603, %parallel_loop3A_606 : vector<16xf32>
        %parallel_loop3A_628 = arith.addf %parallel_loop3A_626, %parallel_loop3A_625 : vector<16xf32>
        %parallel_loop3A_629 = arith.addf %parallel_loop3A_627, %parallel_loop3A_626 : vector<16xf32>
        %parallel_loop3A_630 = arith.addf %parallel_loop3A_609, %parallel_loop3A_612 : vector<16xf32>
        %parallel_loop3A_631 = arith.addf %parallel_loop3A_615, %parallel_loop3A_618 : vector<16xf32>
        %parallel_loop3A_632 = arith.addf %parallel_loop3A_621, %parallel_loop3A_624 : vector<16xf32>
        %parallel_loop3A_633 = arith.addf %parallel_loop3A_630, %parallel_loop3A_631 : vector<16xf32>
        %parallel_loop3A_634 = arith.subf %parallel_loop3A_628, %parallel_loop3A_633 : vector<16xf32>
        %parallel_loop3A_635 = arith.addf %parallel_loop3A_631, %parallel_loop3A_632 : vector<16xf32>
        %parallel_loop3A_636 = arith.subf %parallel_loop3A_629, %parallel_loop3A_635 : vector<16xf32>
        %parallel_loop3A_637 = arith.addf %parallel_loop3A_600, %parallel_loop3A_594 : vector<16xf32>
        %parallel_loop3A_638 = arith.addf %parallel_loop3A_606, %parallel_loop3A_600 : vector<16xf32>
        %parallel_loop3A_639 = arith.constant 1.000000e+00 : f32
        %parallel_loop3A_640 = vector.broadcast %parallel_loop3A_639 : f32 to vector<16xf32>
        %parallel_loop3A_641 = arith.divf %parallel_loop3A_640, %parallel_loop3A_628 : vector<16xf32>
        %parallel_loop3A_642 = arith.constant 1.000000e+00 : f32
        %parallel_loop3A_643 = vector.broadcast %parallel_loop3A_642 : f32 to vector<16xf32>
        %parallel_loop3A_644 = arith.divf %parallel_loop3A_643, %parallel_loop3A_629 : vector<16xf32>
        %parallel_loop3A_645 = arith.constant 63 : i32
        %parallel_loop3A_646 = arith.andi %parallel_loop3A_578, %parallel_loop3A_645 : i32
        %parallel_loop3A_647 = vector.broadcast %parallel_loop3A_646 : i32 to vector<16xi32>
        %parallel_loop3A_648 = arith.addi %iota3A, %parallel_loop3A_647 : vector<16xi32>
        %parallel_loop3A_649 = arith.constant 6 : i32
        %parallel_loop3A_650 = arith.shrsi %parallel_loop3A_578, %parallel_loop3A_649 : i32
        %parallel_loop3A_651 = arith.sitofp %parallel_loop3A_650 : i32 to f32
        %parallel_loop3A_652 = arith.constant 3.200000e+01 : f32
        %parallel_loop3A_653 = arith.subf %parallel_loop3A_651, %parallel_loop3A_652 : f32
        %parallel_loop3A_654 = arith.sitofp %parallel_loop3A_648 : vector<16xi32> to vector<16xf32>
        %parallel_loop3A_655 = arith.constant 3.200000e+01 : f32
        %parallel_loop3A_656 = vector.broadcast %parallel_loop3A_655 : f32 to vector<16xf32>
        %parallel_loop3A_657 = arith.subf %parallel_loop3A_654, %parallel_loop3A_656 : vector<16xf32>
        %parallel_loop3A_658 = arith.constant 0 : i32
        %parallel_loop3A_659 = vector.broadcast %parallel_loop3A_658 : i32 to vector<16xi32>
        %parallel_loop3A_660 = arith.cmpi sgt, %parallel_loop3A_648, %parallel_loop3A_659 : vector<16xi32>
        %parallel_loop3A_661 = arith.constant 0.000000e+00 : f32
        %parallel_loop3A_662 = vector.broadcast %parallel_loop3A_661 : f32 to vector<16xf32>
        %parallel_loop3A_663 = arith.cmpf ogt, %parallel_loop3A_628, %parallel_loop3A_662 : vector<16xf32>
        %parallel_loop3A_664 = arith.andi %parallel_loop3A_663, %parallel_loop3A_660 : vector<16xi1>
        %parallel_loop3A_665 = arith.constant 0.000000e+00 : f32
        %parallel_loop3A_666 = vector.broadcast %parallel_loop3A_665 : f32 to vector<16xf32>
        %parallel_loop3A_667 = arith.cmpf ogt, %parallel_loop3A_629, %parallel_loop3A_666 : vector<16xf32>
        %parallel_loop3A_668 = arith.andi %parallel_loop3A_667, %parallel_loop3A_660 : vector<16xi1>
        %parallel_loop3A_669 = arith.mulf %parallel_loop3A_634, %parallel_loop3A_641 : vector<16xf32>
        %parallel_loop3A_670 = arith.subf %parallel_loop3A_657, %parallel_loop3A_669 : vector<16xf32>
        %parallel_loop3A_671 = arith.mulf %parallel_loop3A_670, %get3A_9 : vector<16xf32>
        %parallel_loop3A_672 = arith.constant 0.000000e+00 : f32
        %parallel_loop3A_673 = vector.broadcast %parallel_loop3A_672 : f32 to vector<16xf32>
        %parallel_loop3A_674 = arith.select %parallel_loop3A_664, %parallel_loop3A_671, %parallel_loop3A_673 : vector<16xi1>, vector<16xf32>
        %parallel_loop3A_675 = arith.index_cast %parallel_loop3A_580 : i32 to index
        %parallel_loop3A_676 = arith.index_cast %parallel_loop3A_582 : i32 to index
        %parallel_loop3A_677 = tpu.vector_load %arg13[%parallel_loop3A_675, %parallel_loop3A_676] {strides = array<i32>} : memref<32x128xf32, #tpu.memory_space<vmem>>, vector<16xf32>,
        tpu.vector_store %arg13[%parallel_loop3A_675, %parallel_loop3A_676], %parallel_loop3A_674 {strides = array<i32>} : memref<32x128xf32, #tpu.memory_space<vmem>>, vector<16xf32>,
        %parallel_loop3A_678 = arith.mulf %parallel_loop3A_637, %parallel_loop3A_641 : vector<16xf32>
        %parallel_loop3A_679 = vector.broadcast %parallel_loop3A_653 : f32 to vector<16xf32>
        %parallel_loop3A_680 = arith.subf %parallel_loop3A_679, %parallel_loop3A_678 : vector<16xf32>
        %parallel_loop3A_681 = arith.mulf %parallel_loop3A_680, %get3A_11 : vector<16xf32>
        %parallel_loop3A_682 = arith.constant 0.000000e+00 : f32
        %parallel_loop3A_683 = vector.broadcast %parallel_loop3A_682 : f32 to vector<16xf32>
        %parallel_loop3A_684 = arith.select %parallel_loop3A_664, %parallel_loop3A_681, %parallel_loop3A_683 : vector<16xi1>, vector<16xf32>
        %parallel_loop3A_685 = arith.index_cast %parallel_loop3A_580 : i32 to index
        %parallel_loop3A_686 = arith.index_cast %parallel_loop3A_582 : i32 to index
        %parallel_loop3A_687 = tpu.vector_load %arg14[%parallel_loop3A_685, %parallel_loop3A_686] {strides = array<i32>} : memref<32x128xf32, #tpu.memory_space<vmem>>, vector<16xf32>,
        tpu.vector_store %arg14[%parallel_loop3A_685, %parallel_loop3A_686], %parallel_loop3A_684 {strides = array<i32>} : memref<32x128xf32, #tpu.memory_space<vmem>>, vector<16xf32>,
        %parallel_loop3A_688 = arith.mulf %parallel_loop3A_625, %parallel_loop3A_641 : vector<16xf32>
        %parallel_loop3A_689 = vector.broadcast %sub3A_198 : f32 to vector<16xf32>
        %parallel_loop3A_690 = arith.subf %parallel_loop3A_689, %parallel_loop3A_688 : vector<16xf32>
        %parallel_loop3A_691 = arith.mulf %parallel_loop3A_690, %get3A_13 : vector<16xf32>
        %parallel_loop3A_692 = arith.constant 0.000000e+00 : f32
        %parallel_loop3A_693 = vector.broadcast %parallel_loop3A_692 : f32 to vector<16xf32>
        %parallel_loop3A_694 = arith.select %parallel_loop3A_664, %parallel_loop3A_691, %parallel_loop3A_693 : vector<16xi1>, vector<16xf32>
        %parallel_loop3A_695 = arith.index_cast %parallel_loop3A_580 : i32 to index
        %parallel_loop3A_696 = arith.index_cast %parallel_loop3A_582 : i32 to index
        %parallel_loop3A_697 = tpu.vector_load %arg15[%parallel_loop3A_695, %parallel_loop3A_696] {strides = array<i32>} : memref<32x128xf32, #tpu.memory_space<vmem>>, vector<16xf32>,
        tpu.vector_store %arg15[%parallel_loop3A_695, %parallel_loop3A_696], %parallel_loop3A_694 {strides = array<i32>} : memref<32x128xf32, #tpu.memory_space<vmem>>, vector<16xf32>,
        %parallel_loop3A_698 = arith.mulf %parallel_loop3A_636, %parallel_loop3A_644 : vector<16xf32>
        %parallel_loop3A_699 = arith.subf %parallel_loop3A_657, %parallel_loop3A_698 : vector<16xf32>
        %parallel_loop3A_700 = arith.mulf %parallel_loop3A_699, %get3A_9 : vector<16xf32>
        %parallel_loop3A_701 = arith.constant 0.000000e+00 : f32
        %parallel_loop3A_702 = vector.broadcast %parallel_loop3A_701 : f32 to vector<16xf32>
        %parallel_loop3A_703 = arith.select %parallel_loop3A_668, %parallel_loop3A_700, %parallel_loop3A_702 : vector<16xi1>, vector<16xf32>
        %parallel_loop3A_704 = arith.index_cast %parallel_loop3A_580 : i32 to index
        %parallel_loop3A_705 = arith.index_cast %parallel_loop3A_582 : i32 to index
        %parallel_loop3A_706 = tpu.vector_load %arg16[%parallel_loop3A_704, %parallel_loop3A_705] {strides = array<i32>} : memref<32x128xf32, #tpu.memory_space<vmem>>, vector<16xf32>,
        tpu.vector_store %arg16[%parallel_loop3A_704, %parallel_loop3A_705], %parallel_loop3A_703 {strides = array<i32>} : memref<32x128xf32, #tpu.memory_space<vmem>>, vector<16xf32>,
        %parallel_loop3A_707 = arith.mulf %parallel_loop3A_638, %parallel_loop3A_644 : vector<16xf32>
        %parallel_loop3A_708 = vector.broadcast %parallel_loop3A_653 : f32 to vector<16xf32>
        %parallel_loop3A_709 = arith.subf %parallel_loop3A_708, %parallel_loop3A_707 : vector<16xf32>
        %parallel_loop3A_710 = arith.mulf %parallel_loop3A_709, %get3A_11 : vector<16xf32>
        %parallel_loop3A_711 = arith.constant 0.000000e+00 : f32
        %parallel_loop3A_712 = vector.broadcast %parallel_loop3A_711 : f32 to vector<16xf32>
        %parallel_loop3A_713 = arith.select %parallel_loop3A_668, %parallel_loop3A_710, %parallel_loop3A_712 : vector<16xi1>, vector<16xf32>
        %parallel_loop3A_714 = arith.index_cast %parallel_loop3A_580 : i32 to index
        %parallel_loop3A_715 = arith.index_cast %parallel_loop3A_582 : i32 to index
        %parallel_loop3A_716 = tpu.vector_load %arg17[%parallel_loop3A_714, %parallel_loop3A_715] {strides = array<i32>} : memref<32x128xf32, #tpu.memory_space<vmem>>, vector<16xf32>,
        tpu.vector_store %arg17[%parallel_loop3A_714, %parallel_loop3A_715], %parallel_loop3A_713 {strides = array<i32>} : memref<32x128xf32, #tpu.memory_space<vmem>>, vector<16xf32>,
        %parallel_loop3A_717 = arith.mulf %parallel_loop3A_626, %parallel_loop3A_644 : vector<16xf32>
        %parallel_loop3A_718 = vector.broadcast %add3A_200 : f32 to vector<16xf32>
        %parallel_loop3A_719 = arith.subf %parallel_loop3A_718, %parallel_loop3A_717 : vector<16xf32>
        %parallel_loop3A_720 = arith.mulf %parallel_loop3A_719, %get3A_13 : vector<16xf32>
        %parallel_loop3A_721 = arith.constant 0.000000e+00 : f32
        %parallel_loop3A_722 = vector.broadcast %parallel_loop3A_721 : f32 to vector<16xf32>
        %parallel_loop3A_723 = arith.select %parallel_loop3A_668, %parallel_loop3A_720, %parallel_loop3A_722 : vector<16xi1>, vector<16xf32>
        %parallel_loop3A_724 = arith.index_cast %parallel_loop3A_580 : i32 to index
        %parallel_loop3A_725 = arith.index_cast %parallel_loop3A_582 : i32 to index
        %parallel_loop3A_726 = tpu.vector_load %arg18[%parallel_loop3A_724, %parallel_loop3A_725] {strides = array<i32>} : memref<32x128xf32, #tpu.memory_space<vmem>>, vector<16xf32>,
        tpu.vector_store %arg18[%parallel_loop3A_724, %parallel_loop3A_725], %parallel_loop3A_723 {strides = array<i32>} : memref<32x128xf32, #tpu.memory_space<vmem>>, vector<16xf32>,
      } {sc.loop_unroll_factor = 4 : i64, sc.parallel_access}
      %add3A_299 = arith.constant 3 : i32
      %add3A_300 = arith.addi %add3A_157, %add3A_299 : i32
      %mul3A_301 = arith.constant 32 : i32
      %mul3A_302 = arith.muli %add3A_300, %mul3A_301 : i32
      %dma_start3A_303 = arith.constant 0 : i32
      %dma_start3A_304 = tpu.memref_slice %arg2[%shift_right_arithmetic3A_6, %mul3A_302, %and3A_8, %dma_start3A_303] : memref<2x2048x8x128xf32, #tpu.memory_space<hbm>> -> memref<1x32x1x128xf32, #tpu.memory_space<hbm>>
      %dma_start3A_305 = tpu.memref_squeeze %dma_start3A_304 : memref<1x32x1x128xf32, #tpu.memory_space<hbm>> -> memref<32x128xf32, #tpu.memory_space<hbm>>
      %dma_start3A_306 = arith.constant 0 : i32
      %dma_start3A_307 = tpu.memref_slice %arg2[%shift_right_arithmetic3A_6, %mul3A_302, %and3A_8, %dma_start3A_306] : memref<2x2048x8x128xf32, #tpu.memory_space<hbm>> -> memref<1x32x1x128xf32, #tpu.memory_space<hbm>>
      %dma_start3A_308 = tpu.memref_squeeze %dma_start3A_307 : memref<1x32x1x128xf32, #tpu.memory_space<hbm>> -> memref<32x128xf32, #tpu.memory_space<hbm>>
      tpu.enqueue_dma source(%dma_start3A_308 : memref<32x128xf32, #tpu.memory_space<hbm>>) target(%arg5 : memref<32x128xf32, #tpu.memory_space<vmem>>) target_semaphore(%arg26 : memref<!tpu.dma_semaphore, #tpu.memory_space<semaphore_mem>>)
      %lt3A = arith.constant 7 : i32
      %lt3A_309 = arith.cmpi slt, %scan3A_153, %lt3A : i32
      %convert_element_type3A_310 = arith.extui %lt3A_309 : i1 to i32
      %cond3A_311 = arith.constant 0 : i32
      %cond3A_312 = arith.cmpi ne, %convert_element_type3A_310, %cond3A_311 : i32
      scf.if %cond3A_312 {
        %add3A_578 = arith.constant 4 : i32
        %add3A_579 = arith.addi %add3A_157, %add3A_578 : i32
        %mul3A_580 = arith.constant 32 : i32
        %mul3A_581 = arith.muli %add3A_579, %mul3A_580 : i32
        %dma_start3A_582 = arith.constant 0 : i32
        %dma_start3A_583 = tpu.memref_slice %arg2[%shift_right_arithmetic3A_6, %mul3A_581, %and3A_8, %dma_start3A_582] : memref<2x2048x8x128xf32, #tpu.memory_space<hbm>> -> memref<1x32x1x128xf32, #tpu.memory_space<hbm>>
        %dma_start3A_584 = tpu.memref_squeeze %dma_start3A_583 : memref<1x32x1x128xf32, #tpu.memory_space<hbm>> -> memref<32x128xf32, #tpu.memory_space<hbm>>
        %dma_start3A_585 = arith.constant 0 : i32
        %dma_start3A_586 = tpu.memref_slice %arg2[%shift_right_arithmetic3A_6, %mul3A_581, %and3A_8, %dma_start3A_585] : memref<2x2048x8x128xf32, #tpu.memory_space<hbm>> -> memref<1x32x1x128xf32, #tpu.memory_space<hbm>>
        %dma_start3A_587 = tpu.memref_squeeze %dma_start3A_586 : memref<1x32x1x128xf32, #tpu.memory_space<hbm>> -> memref<32x128xf32, #tpu.memory_space<hbm>>
        tpu.enqueue_dma source(%dma_start3A_587 : memref<32x128xf32, #tpu.memory_space<hbm>>) target(%arg6 : memref<32x128xf32, #tpu.memory_space<vmem>>) target_semaphore(%arg27 : memref<!tpu.dma_semaphore, #tpu.memory_space<semaphore_mem>>)
      } else {
      }
      %mul3A_313 = arith.constant 32 : i32
      %mul3A_314 = arith.muli %add3A_157, %mul3A_313 : i32
      %dma_start3A_315 = arith.constant 0 : i32
      %dma_start3A_316 = arith.constant 0 : i32
      %dma_start3A_317 = tpu.memref_slice %arg4[%dma_start3A_315, %shift_right_arithmetic3A_6, %mul3A_314, %and3A_8, %dma_start3A_316] : memref<3x2x2048x8x128xf32, #tpu.memory_space<hbm>> -> memref<1x1x32x1x128xf32, #tpu.memory_space<hbm>>
      %dma_start3A_318 = tpu.memref_squeeze %dma_start3A_317 : memref<1x1x32x1x128xf32, #tpu.memory_space<hbm>> -> memref<32x128xf32, #tpu.memory_space<hbm>>
      %dma_start3A_319 = arith.constant 0 : i32
      %dma_start3A_320 = tpu.memref_slice %arg4[%dma_start3A_315, %shift_right_arithmetic3A_6, %mul3A_314, %and3A_8, %dma_start3A_319] : memref<3x2x2048x8x128xf32, #tpu.memory_space<hbm>> -> memref<1x1x32x1x128xf32, #tpu.memory_space<hbm>>
      %dma_start3A_321 = tpu.memref_squeeze %dma_start3A_320 : memref<1x1x32x1x128xf32, #tpu.memory_space<hbm>> -> memref<32x128xf32, #tpu.memory_space<hbm>>
      tpu.enqueue_dma source(%arg13 : memref<32x128xf32, #tpu.memory_space<vmem>>) target(%dma_start3A_321 : memref<32x128xf32, #tpu.memory_space<hbm>>) target_semaphore(%arg30 : memref<!tpu.dma_semaphore, #tpu.memory_space<semaphore_mem>>)
      %mul3A_322 = arith.constant 32 : i32
      %mul3A_323 = arith.muli %add3A_157, %mul3A_322 : i32
      %dma_start3A_324 = arith.constant 1 : i32
      %dma_start3A_325 = arith.constant 0 : i32
      %dma_start3A_326 = tpu.memref_slice %arg4[%dma_start3A_324, %shift_right_arithmetic3A_6, %mul3A_323, %and3A_8, %dma_start3A_325] : memref<3x2x2048x8x128xf32, #tpu.memory_space<hbm>> -> memref<1x1x32x1x128xf32, #tpu.memory_space<hbm>>
      %dma_start3A_327 = tpu.memref_squeeze %dma_start3A_326 : memref<1x1x32x1x128xf32, #tpu.memory_space<hbm>> -> memref<32x128xf32, #tpu.memory_space<hbm>>
      %dma_start3A_328 = arith.constant 0 : i32
      %dma_start3A_329 = tpu.memref_slice %arg4[%dma_start3A_324, %shift_right_arithmetic3A_6, %mul3A_323, %and3A_8, %dma_start3A_328] : memref<3x2x2048x8x128xf32, #tpu.memory_space<hbm>> -> memref<1x1x32x1x128xf32, #tpu.memory_space<hbm>>
      %dma_start3A_330 = tpu.memref_squeeze %dma_start3A_329 : memref<1x1x32x1x128xf32, #tpu.memory_space<hbm>> -> memref<32x128xf32, #tpu.memory_space<hbm>>
      tpu.enqueue_dma source(%arg14 : memref<32x128xf32, #tpu.memory_space<vmem>>) target(%dma_start3A_330 : memref<32x128xf32, #tpu.memory_space<hbm>>) target_semaphore(%arg30 : memref<!tpu.dma_semaphore, #tpu.memory_space<semaphore_mem>>)
      %mul3A_331 = arith.constant 32 : i32
      %mul3A_332 = arith.muli %add3A_157, %mul3A_331 : i32
      %dma_start3A_333 = arith.constant 2 : i32
      %dma_start3A_334 = arith.constant 0 : i32
      %dma_start3A_335 = tpu.memref_slice %arg4[%dma_start3A_333, %shift_right_arithmetic3A_6, %mul3A_332, %and3A_8, %dma_start3A_334] : memref<3x2x2048x8x128xf32, #tpu.memory_space<hbm>> -> memref<1x1x32x1x128xf32, #tpu.memory_space<hbm>>
      %dma_start3A_336 = tpu.memref_squeeze %dma_start3A_335 : memref<1x1x32x1x128xf32, #tpu.memory_space<hbm>> -> memref<32x128xf32, #tpu.memory_space<hbm>>
      %dma_start3A_337 = arith.constant 0 : i32
      %dma_start3A_338 = tpu.memref_slice %arg4[%dma_start3A_333, %shift_right_arithmetic3A_6, %mul3A_332, %and3A_8, %dma_start3A_337] : memref<3x2x2048x8x128xf32, #tpu.memory_space<hbm>> -> memref<1x1x32x1x128xf32, #tpu.memory_space<hbm>>
      %dma_start3A_339 = tpu.memref_squeeze %dma_start3A_338 : memref<1x1x32x1x128xf32, #tpu.memory_space<hbm>> -> memref<32x128xf32, #tpu.memory_space<hbm>>
      tpu.enqueue_dma source(%arg15 : memref<32x128xf32, #tpu.memory_space<vmem>>) target(%dma_start3A_339 : memref<32x128xf32, #tpu.memory_space<hbm>>) target_semaphore(%arg30 : memref<!tpu.dma_semaphore, #tpu.memory_space<semaphore_mem>>)
      %add3A_340 = arith.constant 1 : i32
      %add3A_341 = arith.addi %add3A_157, %add3A_340 : i32
      %mul3A_342 = arith.constant 32 : i32
      %mul3A_343 = arith.muli %add3A_341, %mul3A_342 : i32
      %dma_start3A_344 = arith.constant 0 : i32
      %dma_start3A_345 = arith.constant 0 : i32
      %dma_start3A_346 = tpu.memref_slice %arg4[%dma_start3A_344, %shift_right_arithmetic3A_6, %mul3A_343, %and3A_8, %dma_start3A_345] : memref<3x2x2048x8x128xf32, #tpu.memory_space<hbm>> -> memref<1x1x32x1x128xf32, #tpu.memory_space<hbm>>
      %dma_start3A_347 = tpu.memref_squeeze %dma_start3A_346 : memref<1x1x32x1x128xf32, #tpu.memory_space<hbm>> -> memref<32x128xf32, #tpu.memory_space<hbm>>
      %dma_start3A_348 = arith.constant 0 : i32
      %dma_start3A_349 = tpu.memref_slice %arg4[%dma_start3A_344, %shift_right_arithmetic3A_6, %mul3A_343, %and3A_8, %dma_start3A_348] : memref<3x2x2048x8x128xf32, #tpu.memory_space<hbm>> -> memref<1x1x32x1x128xf32, #tpu.memory_space<hbm>>
      %dma_start3A_350 = tpu.memref_squeeze %dma_start3A_349 : memref<1x1x32x1x128xf32, #tpu.memory_space<hbm>> -> memref<32x128xf32, #tpu.memory_space<hbm>>
      tpu.enqueue_dma source(%arg16 : memref<32x128xf32, #tpu.memory_space<vmem>>) target(%dma_start3A_350 : memref<32x128xf32, #tpu.memory_space<hbm>>) target_semaphore(%arg30 : memref<!tpu.dma_semaphore, #tpu.memory_space<semaphore_mem>>)
      %add3A_351 = arith.constant 1 : i32
      %add3A_352 = arith.addi %add3A_157, %add3A_351 : i32
      %mul3A_353 = arith.constant 32 : i32
      %mul3A_354 = arith.muli %add3A_352, %mul3A_353 : i32
      %dma_start3A_355 = arith.constant 1 : i32
      %dma_start3A_356 = arith.constant 0 : i32
      %dma_start3A_357 = tpu.memref_slice %arg4[%dma_start3A_355, %shift_right_arithmetic3A_6, %mul3A_354, %and3A_8, %dma_start3A_356] : memref<3x2x2048x8x128xf32, #tpu.memory_space<hbm>> -> memref<1x1x32x1x128xf32, #tpu.memory_space<hbm>>
      %dma_start3A_358 = tpu.memref_squeeze %dma_start3A_357 : memref<1x1x32x1x128xf32, #tpu.memory_space<hbm>> -> memref<32x128xf32, #tpu.memory_space<hbm>>
      %dma_start3A_359 = arith.constant 0 : i32
      %dma_start3A_360 = tpu.memref_slice %arg4[%dma_start3A_355, %shift_right_arithmetic3A_6, %mul3A_354, %and3A_8, %dma_start3A_359] : memref<3x2x2048x8x128xf32, #tpu.memory_space<hbm>> -> memref<1x1x32x1x128xf32, #tpu.memory_space<hbm>>
      %dma_start3A_361 = tpu.memref_squeeze %dma_start3A_360 : memref<1x1x32x1x128xf32, #tpu.memory_space<hbm>> -> memref<32x128xf32, #tpu.memory_space<hbm>>
      tpu.enqueue_dma source(%arg17 : memref<32x128xf32, #tpu.memory_space<vmem>>) target(%dma_start3A_361 : memref<32x128xf32, #tpu.memory_space<hbm>>) target_semaphore(%arg30 : memref<!tpu.dma_semaphore, #tpu.memory_space<semaphore_mem>>)
      %add3A_362 = arith.constant 1 : i32
      %add3A_363 = arith.addi %add3A_157, %add3A_362 : i32
      %mul3A_364 = arith.constant 32 : i32
      %mul3A_365 = arith.muli %add3A_363, %mul3A_364 : i32
      %dma_start3A_366 = arith.constant 2 : i32
      %dma_start3A_367 = arith.constant 0 : i32
      %dma_start3A_368 = tpu.memref_slice %arg4[%dma_start3A_366, %shift_right_arithmetic3A_6, %mul3A_365, %and3A_8, %dma_start3A_367] : memref<3x2x2048x8x128xf32, #tpu.memory_space<hbm>> -> memref<1x1x32x1x128xf32, #tpu.memory_space<hbm>>
      %dma_start3A_369 = tpu.memref_squeeze %dma_start3A_368 : memref<1x1x32x1x128xf32, #tpu.memory_space<hbm>> -> memref<32x128xf32, #tpu.memory_space<hbm>>
      %dma_start3A_370 = arith.constant 0 : i32
      %dma_start3A_371 = tpu.memref_slice %arg4[%dma_start3A_366, %shift_right_arithmetic3A_6, %mul3A_365, %and3A_8, %dma_start3A_370] : memref<3x2x2048x8x128xf32, #tpu.memory_space<hbm>> -> memref<1x1x32x1x128xf32, #tpu.memory_space<hbm>>
      %dma_start3A_372 = tpu.memref_squeeze %dma_start3A_371 : memref<1x1x32x1x128xf32, #tpu.memory_space<hbm>> -> memref<32x128xf32, #tpu.memory_space<hbm>>
      tpu.enqueue_dma source(%arg18 : memref<32x128xf32, #tpu.memory_space<vmem>>) target(%dma_start3A_372 : memref<32x128xf32, #tpu.memory_space<hbm>>) target_semaphore(%arg30 : memref<!tpu.dma_semaphore, #tpu.memory_space<semaphore_mem>>)
      %add3A_373 = arith.constant 2 : i32
      %add3A_374 = arith.addi %add3A_157, %add3A_373 : i32
      %mul3A_375 = arith.constant 32 : i32
      %mul3A_376 = arith.muli %add3A_374, %mul3A_375 : i32
      %dma_wait3A_377 = arith.constant 0 : i32
      %dma_wait3A_378 = tpu.memref_slice %arg2[%shift_right_arithmetic3A_6, %mul3A_376, %and3A_8, %dma_wait3A_377] : memref<2x2048x8x128xf32, #tpu.memory_space<hbm>> -> memref<1x32x1x128xf32, #tpu.memory_space<hbm>>
      %dma_wait3A_379 = tpu.memref_squeeze %dma_wait3A_378 : memref<1x32x1x128xf32, #tpu.memory_space<hbm>> -> memref<32x128xf32, #tpu.memory_space<hbm>>
      %dma_wait3A_380 = arith.constant 0 : i32
      %dma_wait3A_381 = tpu.memref_slice %arg2[%shift_right_arithmetic3A_6, %mul3A_376, %and3A_8, %dma_wait3A_380] : memref<2x2048x8x128xf32, #tpu.memory_space<hbm>> -> memref<1x32x1x128xf32, #tpu.memory_space<hbm>>
      %dma_wait3A_382 = tpu.memref_squeeze %dma_wait3A_381 : memref<1x32x1x128xf32, #tpu.memory_space<hbm>> -> memref<32x128xf32, #tpu.memory_space<hbm>>
      tpu.wait_dma2 semaphore(%arg29 : memref<!tpu.dma_semaphore, #tpu.memory_space<semaphore_mem>>) src(%dma_wait3A_382 : memref<32x128xf32, #tpu.memory_space<hbm>>) dst(%arg8 : memref<32x128xf32, #tpu.memory_space<vmem>>)
      %parallel_loop3A_383 = arith.constant 0 : i32
      %parallel_loop3A_384 = arith.constant 4096 : i32
      %parallel_loop3A_385 = arith.constant 16 : i32
      scf.for %parallel_loop3A_578 = %parallel_loop3A_383 to %parallel_loop3A_384 step %parallel_loop3A_385  : i32 {
        %parallel_loop3A_579 = arith.constant 7 : i32
        %parallel_loop3A_580 = arith.shrsi %parallel_loop3A_578, %parallel_loop3A_579 : i32
        %parallel_loop3A_581 = arith.constant 127 : i32
        %parallel_loop3A_582 = arith.andi %parallel_loop3A_578, %parallel_loop3A_581 : i32
        %parallel_loop3A_583 = arith.index_cast %parallel_loop3A_580 : i32 to index
        %parallel_loop3A_584 = arith.index_cast %parallel_loop3A_582 : i32 to index
        %parallel_loop3A_585 = tpu.vector_load %arg8[%parallel_loop3A_583, %parallel_loop3A_584] {strides = array<i32>} : memref<32x128xf32, #tpu.memory_space<vmem>>, vector<16xf32>,
        %parallel_loop3A_586 = arith.constant 1 : i32
        %parallel_loop3A_587 = arith.subi %parallel_loop3A_578, %parallel_loop3A_586 : i32
        %parallel_loop3A_588 = vector.broadcast %parallel_loop3A_587 : i32 to vector<16xi32>
        %parallel_loop3A_589 = arith.addi %iota3A, %parallel_loop3A_588 : vector<16xi32>
        %parallel_loop3A_590 = arith.constant 0 : i32
        %parallel_loop3A_591 = vector.broadcast %parallel_loop3A_590 : i32 to vector<16xi32>
        %parallel_loop3A_592 = arith.maxsi %parallel_loop3A_589, %parallel_loop3A_591 : vector<16xi32>
        %parallel_loop3A_593 = arith.constant 7 : i32
        %parallel_loop3A_594 = vector.broadcast %parallel_loop3A_593 : i32 to vector<16xi32>
        %parallel_loop3A_595 = arith.shrsi %parallel_loop3A_592, %parallel_loop3A_594 : vector<16xi32>
        %parallel_loop3A_596 = arith.constant 127 : i32
        %parallel_loop3A_597 = vector.broadcast %parallel_loop3A_596 : i32 to vector<16xi32>
        %parallel_loop3A_598 = arith.andi %parallel_loop3A_592, %parallel_loop3A_597 : vector<16xi32>
        %parallel_loop3A_599 = tpu.vector_load_idx %arg8[%parallel_loop3A_595, %parallel_loop3A_598] : memref<32x128xf32, #tpu.memory_space<vmem>>[vector<16xi32>, vector<16xi32>], vector<16xf32>,
        %parallel_loop3A_600 = arith.addf %parallel_loop3A_585, %parallel_loop3A_599 : vector<16xf32>
        %parallel_loop3A_601 = arith.constant 7 : i32
        %parallel_loop3A_602 = arith.shrsi %parallel_loop3A_578, %parallel_loop3A_601 : i32
        %parallel_loop3A_603 = arith.constant 127 : i32
        %parallel_loop3A_604 = arith.andi %parallel_loop3A_578, %parallel_loop3A_603 : i32
        %parallel_loop3A_605 = arith.index_cast %parallel_loop3A_602 : i32 to index
        %parallel_loop3A_606 = arith.index_cast %parallel_loop3A_604 : i32 to index
        %parallel_loop3A_607 = tpu.vector_load %arg12[%parallel_loop3A_605, %parallel_loop3A_606] {strides = array<i32>} : memref<32x128xf32, #tpu.memory_space<vmem>>, vector<16xf32>,
        tpu.vector_store %arg12[%parallel_loop3A_605, %parallel_loop3A_606], %parallel_loop3A_600 {strides = array<i32>} : memref<32x128xf32, #tpu.memory_space<vmem>>, vector<16xf32>,
      } {sc.loop_unroll_factor = 8 : i64, sc.parallel_access}
      %add3A_386 = arith.constant 3 : i32
      %add3A_387 = arith.addi %add3A_157, %add3A_386 : i32
      %mul3A_388 = arith.constant 32 : i32
      %mul3A_389 = arith.muli %add3A_387, %mul3A_388 : i32
      %dma_wait3A_390 = arith.constant 0 : i32
      %dma_wait3A_391 = tpu.memref_slice %arg2[%shift_right_arithmetic3A_6, %mul3A_389, %and3A_8, %dma_wait3A_390] : memref<2x2048x8x128xf32, #tpu.memory_space<hbm>> -> memref<1x32x1x128xf32, #tpu.memory_space<hbm>>
      %dma_wait3A_392 = tpu.memref_squeeze %dma_wait3A_391 : memref<1x32x1x128xf32, #tpu.memory_space<hbm>> -> memref<32x128xf32, #tpu.memory_space<hbm>>
      %dma_wait3A_393 = arith.constant 0 : i32
      %dma_wait3A_394 = tpu.memref_slice %arg2[%shift_right_arithmetic3A_6, %mul3A_389, %and3A_8, %dma_wait3A_393] : memref<2x2048x8x128xf32, #tpu.memory_space<hbm>> -> memref<1x32x1x128xf32, #tpu.memory_space<hbm>>
      %dma_wait3A_395 = tpu.memref_squeeze %dma_wait3A_394 : memref<1x32x1x128xf32, #tpu.memory_space<hbm>> -> memref<32x128xf32, #tpu.memory_space<hbm>>
      tpu.wait_dma2 semaphore(%arg26 : memref<!tpu.dma_semaphore, #tpu.memory_space<semaphore_mem>>) src(%dma_wait3A_395 : memref<32x128xf32, #tpu.memory_space<hbm>>) dst(%arg5 : memref<32x128xf32, #tpu.memory_space<vmem>>)
      %parallel_loop3A_396 = arith.constant 0 : i32
      %parallel_loop3A_397 = arith.constant 4096 : i32
      %parallel_loop3A_398 = arith.constant 16 : i32
      scf.for %parallel_loop3A_578 = %parallel_loop3A_396 to %parallel_loop3A_397 step %parallel_loop3A_398  : i32 {
        %parallel_loop3A_579 = arith.constant 7 : i32
        %parallel_loop3A_580 = arith.shrsi %parallel_loop3A_578, %parallel_loop3A_579 : i32
        %parallel_loop3A_581 = arith.constant 127 : i32
        %parallel_loop3A_582 = arith.andi %parallel_loop3A_578, %parallel_loop3A_581 : i32
        %parallel_loop3A_583 = arith.index_cast %parallel_loop3A_580 : i32 to index
        %parallel_loop3A_584 = arith.index_cast %parallel_loop3A_582 : i32 to index
        %parallel_loop3A_585 = tpu.vector_load %arg5[%parallel_loop3A_583, %parallel_loop3A_584] {strides = array<i32>} : memref<32x128xf32, #tpu.memory_space<vmem>>, vector<16xf32>,
        %parallel_loop3A_586 = arith.constant 1 : i32
        %parallel_loop3A_587 = arith.subi %parallel_loop3A_578, %parallel_loop3A_586 : i32
        %parallel_loop3A_588 = vector.broadcast %parallel_loop3A_587 : i32 to vector<16xi32>
        %parallel_loop3A_589 = arith.addi %iota3A, %parallel_loop3A_588 : vector<16xi32>
        %parallel_loop3A_590 = arith.constant 0 : i32
        %parallel_loop3A_591 = vector.broadcast %parallel_loop3A_590 : i32 to vector<16xi32>
        %parallel_loop3A_592 = arith.maxsi %parallel_loop3A_589, %parallel_loop3A_591 : vector<16xi32>
        %parallel_loop3A_593 = arith.constant 7 : i32
        %parallel_loop3A_594 = vector.broadcast %parallel_loop3A_593 : i32 to vector<16xi32>
        %parallel_loop3A_595 = arith.shrsi %parallel_loop3A_592, %parallel_loop3A_594 : vector<16xi32>
        %parallel_loop3A_596 = arith.constant 127 : i32
        %parallel_loop3A_597 = vector.broadcast %parallel_loop3A_596 : i32 to vector<16xi32>
        %parallel_loop3A_598 = arith.andi %parallel_loop3A_592, %parallel_loop3A_597 : vector<16xi32>
        %parallel_loop3A_599 = tpu.vector_load_idx %arg5[%parallel_loop3A_595, %parallel_loop3A_598] : memref<32x128xf32, #tpu.memory_space<vmem>>[vector<16xi32>, vector<16xi32>], vector<16xf32>,
        %parallel_loop3A_600 = arith.addf %parallel_loop3A_585, %parallel_loop3A_599 : vector<16xf32>
        %parallel_loop3A_601 = arith.constant 7 : i32
        %parallel_loop3A_602 = arith.shrsi %parallel_loop3A_578, %parallel_loop3A_601 : i32
        %parallel_loop3A_603 = arith.constant 127 : i32
        %parallel_loop3A_604 = arith.andi %parallel_loop3A_578, %parallel_loop3A_603 : i32
        %parallel_loop3A_605 = arith.index_cast %parallel_loop3A_602 : i32 to index
        %parallel_loop3A_606 = arith.index_cast %parallel_loop3A_604 : i32 to index
        %parallel_loop3A_607 = tpu.vector_load %arg9[%parallel_loop3A_605, %parallel_loop3A_606] {strides = array<i32>} : memref<32x128xf32, #tpu.memory_space<vmem>>, vector<16xf32>,
        tpu.vector_store %arg9[%parallel_loop3A_605, %parallel_loop3A_606], %parallel_loop3A_600 {strides = array<i32>} : memref<32x128xf32, #tpu.memory_space<vmem>>, vector<16xf32>,
      } {sc.loop_unroll_factor = 8 : i64, sc.parallel_access}
      %gt3A_399 = arith.constant 0 : i32
      %gt3A_400 = arith.cmpi sgt, %scan3A_153, %gt3A_399 : i32
      %convert_element_type3A_401 = arith.extui %gt3A_400 : i1 to i32
      %cond3A_402 = arith.constant 0 : i32
      %cond3A_403 = arith.cmpi ne, %convert_element_type3A_401, %cond3A_402 : i32
      scf.if %cond3A_403 {
        %dma_wait3A_578 = arith.constant 0 : i32
        %dma_wait3A_579 = arith.constant 0 : i32
        %dma_wait3A_580 = arith.constant 0 : i32
        %dma_wait3A_581 = tpu.memref_slice %arg4[%dma_wait3A_578, %shift_right_arithmetic3A_6, %dma_wait3A_579, %and3A_8, %dma_wait3A_580] : memref<3x2x2048x8x128xf32, #tpu.memory_space<hbm>> -> memref<1x1x32x1x128xf32, #tpu.memory_space<hbm>>
        %dma_wait3A_582 = tpu.memref_squeeze %dma_wait3A_581 : memref<1x1x32x1x128xf32, #tpu.memory_space<hbm>> -> memref<32x128xf32, #tpu.memory_space<hbm>>
        %dma_wait3A_583 = arith.constant 0 : i32
        %dma_wait3A_584 = arith.constant 0 : i32
        %dma_wait3A_585 = tpu.memref_slice %arg4[%dma_wait3A_578, %shift_right_arithmetic3A_6, %dma_wait3A_583, %and3A_8, %dma_wait3A_584] : memref<3x2x2048x8x128xf32, #tpu.memory_space<hbm>> -> memref<1x1x32x1x128xf32, #tpu.memory_space<hbm>>
        %dma_wait3A_586 = tpu.memref_squeeze %dma_wait3A_585 : memref<1x1x32x1x128xf32, #tpu.memory_space<hbm>> -> memref<32x128xf32, #tpu.memory_space<hbm>>
        tpu.wait_dma2 semaphore(%arg31 : memref<!tpu.dma_semaphore, #tpu.memory_space<semaphore_mem>>) src(%arg19 : memref<32x128xf32, #tpu.memory_space<vmem>>) dst(%dma_wait3A_586 : memref<32x128xf32, #tpu.memory_space<hbm>>)
        %dma_wait3A_587 = arith.constant 1 : i32
        %dma_wait3A_588 = arith.constant 0 : i32
        %dma_wait3A_589 = arith.constant 0 : i32
        %dma_wait3A_590 = tpu.memref_slice %arg4[%dma_wait3A_587, %shift_right_arithmetic3A_6, %dma_wait3A_588, %and3A_8, %dma_wait3A_589] : memref<3x2x2048x8x128xf32, #tpu.memory_space<hbm>> -> memref<1x1x32x1x128xf32, #tpu.memory_space<hbm>>
        %dma_wait3A_591 = tpu.memref_squeeze %dma_wait3A_590 : memref<1x1x32x1x128xf32, #tpu.memory_space<hbm>> -> memref<32x128xf32, #tpu.memory_space<hbm>>
        %dma_wait3A_592 = arith.constant 0 : i32
        %dma_wait3A_593 = arith.constant 0 : i32
        %dma_wait3A_594 = tpu.memref_slice %arg4[%dma_wait3A_587, %shift_right_arithmetic3A_6, %dma_wait3A_592, %and3A_8, %dma_wait3A_593] : memref<3x2x2048x8x128xf32, #tpu.memory_space<hbm>> -> memref<1x1x32x1x128xf32, #tpu.memory_space<hbm>>
        %dma_wait3A_595 = tpu.memref_squeeze %dma_wait3A_594 : memref<1x1x32x1x128xf32, #tpu.memory_space<hbm>> -> memref<32x128xf32, #tpu.memory_space<hbm>>
        tpu.wait_dma2 semaphore(%arg31 : memref<!tpu.dma_semaphore, #tpu.memory_space<semaphore_mem>>) src(%arg20 : memref<32x128xf32, #tpu.memory_space<vmem>>) dst(%dma_wait3A_595 : memref<32x128xf32, #tpu.memory_space<hbm>>)
        %dma_wait3A_596 = arith.constant 2 : i32
        %dma_wait3A_597 = arith.constant 0 : i32
        %dma_wait3A_598 = arith.constant 0 : i32
        %dma_wait3A_599 = tpu.memref_slice %arg4[%dma_wait3A_596, %shift_right_arithmetic3A_6, %dma_wait3A_597, %and3A_8, %dma_wait3A_598] : memref<3x2x2048x8x128xf32, #tpu.memory_space<hbm>> -> memref<1x1x32x1x128xf32, #tpu.memory_space<hbm>>
        %dma_wait3A_600 = tpu.memref_squeeze %dma_wait3A_599 : memref<1x1x32x1x128xf32, #tpu.memory_space<hbm>> -> memref<32x128xf32, #tpu.memory_space<hbm>>
        %dma_wait3A_601 = arith.constant 0 : i32
        %dma_wait3A_602 = arith.constant 0 : i32
        %dma_wait3A_603 = tpu.memref_slice %arg4[%dma_wait3A_596, %shift_right_arithmetic3A_6, %dma_wait3A_601, %and3A_8, %dma_wait3A_602] : memref<3x2x2048x8x128xf32, #tpu.memory_space<hbm>> -> memref<1x1x32x1x128xf32, #tpu.memory_space<hbm>>
        %dma_wait3A_604 = tpu.memref_squeeze %dma_wait3A_603 : memref<1x1x32x1x128xf32, #tpu.memory_space<hbm>> -> memref<32x128xf32, #tpu.memory_space<hbm>>
        tpu.wait_dma2 semaphore(%arg31 : memref<!tpu.dma_semaphore, #tpu.memory_space<semaphore_mem>>) src(%arg21 : memref<32x128xf32, #tpu.memory_space<vmem>>) dst(%dma_wait3A_604 : memref<32x128xf32, #tpu.memory_space<hbm>>)
        %dma_wait3A_605 = arith.constant 0 : i32
        %dma_wait3A_606 = arith.constant 0 : i32
        %dma_wait3A_607 = arith.constant 0 : i32
        %dma_wait3A_608 = tpu.memref_slice %arg4[%dma_wait3A_605, %shift_right_arithmetic3A_6, %dma_wait3A_606, %and3A_8, %dma_wait3A_607] : memref<3x2x2048x8x128xf32, #tpu.memory_space<hbm>> -> memref<1x1x32x1x128xf32, #tpu.memory_space<hbm>>
        %dma_wait3A_609 = tpu.memref_squeeze %dma_wait3A_608 : memref<1x1x32x1x128xf32, #tpu.memory_space<hbm>> -> memref<32x128xf32, #tpu.memory_space<hbm>>
        %dma_wait3A_610 = arith.constant 0 : i32
        %dma_wait3A_611 = arith.constant 0 : i32
        %dma_wait3A_612 = tpu.memref_slice %arg4[%dma_wait3A_605, %shift_right_arithmetic3A_6, %dma_wait3A_610, %and3A_8, %dma_wait3A_611] : memref<3x2x2048x8x128xf32, #tpu.memory_space<hbm>> -> memref<1x1x32x1x128xf32, #tpu.memory_space<hbm>>
        %dma_wait3A_613 = tpu.memref_squeeze %dma_wait3A_612 : memref<1x1x32x1x128xf32, #tpu.memory_space<hbm>> -> memref<32x128xf32, #tpu.memory_space<hbm>>
        tpu.wait_dma2 semaphore(%arg31 : memref<!tpu.dma_semaphore, #tpu.memory_space<semaphore_mem>>) src(%arg22 : memref<32x128xf32, #tpu.memory_space<vmem>>) dst(%dma_wait3A_613 : memref<32x128xf32, #tpu.memory_space<hbm>>)
        %dma_wait3A_614 = arith.constant 1 : i32
        %dma_wait3A_615 = arith.constant 0 : i32
        %dma_wait3A_616 = arith.constant 0 : i32
        %dma_wait3A_617 = tpu.memref_slice %arg4[%dma_wait3A_614, %shift_right_arithmetic3A_6, %dma_wait3A_615, %and3A_8, %dma_wait3A_616] : memref<3x2x2048x8x128xf32, #tpu.memory_space<hbm>> -> memref<1x1x32x1x128xf32, #tpu.memory_space<hbm>>
        %dma_wait3A_618 = tpu.memref_squeeze %dma_wait3A_617 : memref<1x1x32x1x128xf32, #tpu.memory_space<hbm>> -> memref<32x128xf32, #tpu.memory_space<hbm>>
        %dma_wait3A_619 = arith.constant 0 : i32
        %dma_wait3A_620 = arith.constant 0 : i32
        %dma_wait3A_621 = tpu.memref_slice %arg4[%dma_wait3A_614, %shift_right_arithmetic3A_6, %dma_wait3A_619, %and3A_8, %dma_wait3A_620] : memref<3x2x2048x8x128xf32, #tpu.memory_space<hbm>> -> memref<1x1x32x1x128xf32, #tpu.memory_space<hbm>>
        %dma_wait3A_622 = tpu.memref_squeeze %dma_wait3A_621 : memref<1x1x32x1x128xf32, #tpu.memory_space<hbm>> -> memref<32x128xf32, #tpu.memory_space<hbm>>
        tpu.wait_dma2 semaphore(%arg31 : memref<!tpu.dma_semaphore, #tpu.memory_space<semaphore_mem>>) src(%arg23 : memref<32x128xf32, #tpu.memory_space<vmem>>) dst(%dma_wait3A_622 : memref<32x128xf32, #tpu.memory_space<hbm>>)
        %dma_wait3A_623 = arith.constant 2 : i32
        %dma_wait3A_624 = arith.constant 0 : i32
        %dma_wait3A_625 = arith.constant 0 : i32
        %dma_wait3A_626 = tpu.memref_slice %arg4[%dma_wait3A_623, %shift_right_arithmetic3A_6, %dma_wait3A_624, %and3A_8, %dma_wait3A_625] : memref<3x2x2048x8x128xf32, #tpu.memory_space<hbm>> -> memref<1x1x32x1x128xf32, #tpu.memory_space<hbm>>
        %dma_wait3A_627 = tpu.memref_squeeze %dma_wait3A_626 : memref<1x1x32x1x128xf32, #tpu.memory_space<hbm>> -> memref<32x128xf32, #tpu.memory_space<hbm>>
        %dma_wait3A_628 = arith.constant 0 : i32
        %dma_wait3A_629 = arith.constant 0 : i32
        %dma_wait3A_630 = tpu.memref_slice %arg4[%dma_wait3A_623, %shift_right_arithmetic3A_6, %dma_wait3A_628, %and3A_8, %dma_wait3A_629] : memref<3x2x2048x8x128xf32, #tpu.memory_space<hbm>> -> memref<1x1x32x1x128xf32, #tpu.memory_space<hbm>>
        %dma_wait3A_631 = tpu.memref_squeeze %dma_wait3A_630 : memref<1x1x32x1x128xf32, #tpu.memory_space<hbm>> -> memref<32x128xf32, #tpu.memory_space<hbm>>
        tpu.wait_dma2 semaphore(%arg31 : memref<!tpu.dma_semaphore, #tpu.memory_space<semaphore_mem>>) src(%arg24 : memref<32x128xf32, #tpu.memory_space<vmem>>) dst(%dma_wait3A_631 : memref<32x128xf32, #tpu.memory_space<hbm>>)
      } else {
      }
      %add3A_404 = arith.constant 2 : i32
      %add3A_405 = arith.addi %add3A_157, %add3A_404 : i32
      %convert_element_type3A_406 = arith.sitofp %add3A_405 : i32 to f32
      %sub3A_407 = arith.constant 3.200000e+01 : f32
      %sub3A_408 = arith.subf %convert_element_type3A_406, %sub3A_407 : f32
      %add3A_409 = arith.constant 1.000000e+00 : f32
      %add3A_410 = arith.addf %sub3A_408, %add3A_409 : f32
      %swap3A_411 = arith.constant 0 : i32
      %swap3A_412 = arith.index_cast %swap3A_411 : i32 to index
      %swap3A_413 = arith.constant 0 : index
      %swap3A_414 = tpu.vector_load %arg19[%swap3A_412, %swap3A_413] {strides = array<i32>} : memref<32x128xf32, #tpu.memory_space<vmem>>, vector<16xf32>,
      tpu.vector_store %arg19[%swap3A_412, %swap3A_413], %broadcast_in_dim3A_14 {strides = array<i32>} : memref<32x128xf32, #tpu.memory_space<vmem>>, vector<16xf32>,
      %swap3A_415 = arith.constant 0 : i32
      %swap3A_416 = arith.index_cast %swap3A_415 : i32 to index
      %swap3A_417 = arith.constant 0 : index
      %swap3A_418 = tpu.vector_load %arg20[%swap3A_416, %swap3A_417] {strides = array<i32>} : memref<32x128xf32, #tpu.memory_space<vmem>>, vector<16xf32>,
      tpu.vector_store %arg20[%swap3A_416, %swap3A_417], %broadcast_in_dim3A_14 {strides = array<i32>} : memref<32x128xf32, #tpu.memory_space<vmem>>, vector<16xf32>,
      %swap3A_419 = arith.constant 0 : i32
      %swap3A_420 = arith.index_cast %swap3A_419 : i32 to index
      %swap3A_421 = arith.constant 0 : index
      %swap3A_422 = tpu.vector_load %arg21[%swap3A_420, %swap3A_421] {strides = array<i32>} : memref<32x128xf32, #tpu.memory_space<vmem>>, vector<16xf32>,
      tpu.vector_store %arg21[%swap3A_420, %swap3A_421], %broadcast_in_dim3A_14 {strides = array<i32>} : memref<32x128xf32, #tpu.memory_space<vmem>>, vector<16xf32>,
      %swap3A_423 = arith.constant 0 : i32
      %swap3A_424 = arith.index_cast %swap3A_423 : i32 to index
      %swap3A_425 = arith.constant 0 : index
      %swap3A_426 = tpu.vector_load %arg22[%swap3A_424, %swap3A_425] {strides = array<i32>} : memref<32x128xf32, #tpu.memory_space<vmem>>, vector<16xf32>,
      tpu.vector_store %arg22[%swap3A_424, %swap3A_425], %broadcast_in_dim3A_14 {strides = array<i32>} : memref<32x128xf32, #tpu.memory_space<vmem>>, vector<16xf32>,
      %swap3A_427 = arith.constant 0 : i32
      %swap3A_428 = arith.index_cast %swap3A_427 : i32 to index
      %swap3A_429 = arith.constant 0 : index
      %swap3A_430 = tpu.vector_load %arg23[%swap3A_428, %swap3A_429] {strides = array<i32>} : memref<32x128xf32, #tpu.memory_space<vmem>>, vector<16xf32>,
      tpu.vector_store %arg23[%swap3A_428, %swap3A_429], %broadcast_in_dim3A_14 {strides = array<i32>} : memref<32x128xf32, #tpu.memory_space<vmem>>, vector<16xf32>,
      %swap3A_431 = arith.constant 0 : i32
      %swap3A_432 = arith.index_cast %swap3A_431 : i32 to index
      %swap3A_433 = arith.constant 0 : index
      %swap3A_434 = tpu.vector_load %arg24[%swap3A_432, %swap3A_433] {strides = array<i32>} : memref<32x128xf32, #tpu.memory_space<vmem>>, vector<16xf32>,
      tpu.vector_store %arg24[%swap3A_432, %swap3A_433], %broadcast_in_dim3A_14 {strides = array<i32>} : memref<32x128xf32, #tpu.memory_space<vmem>>, vector<16xf32>,
      %swap3A_435 = arith.constant 0 : i32
      %swap3A_436 = arith.index_cast %swap3A_435 : i32 to index
      %swap3A_437 = arith.constant 16 : index
      %swap3A_438 = tpu.vector_load %arg19[%swap3A_436, %swap3A_437] {strides = array<i32>} : memref<32x128xf32, #tpu.memory_space<vmem>>, vector<16xf32>,
      tpu.vector_store %arg19[%swap3A_436, %swap3A_437], %broadcast_in_dim3A_14 {strides = array<i32>} : memref<32x128xf32, #tpu.memory_space<vmem>>, vector<16xf32>,
      %swap3A_439 = arith.constant 0 : i32
      %swap3A_440 = arith.index_cast %swap3A_439 : i32 to index
      %swap3A_441 = arith.constant 16 : index
      %swap3A_442 = tpu.vector_load %arg20[%swap3A_440, %swap3A_441] {strides = array<i32>} : memref<32x128xf32, #tpu.memory_space<vmem>>, vector<16xf32>,
      tpu.vector_store %arg20[%swap3A_440, %swap3A_441], %broadcast_in_dim3A_14 {strides = array<i32>} : memref<32x128xf32, #tpu.memory_space<vmem>>, vector<16xf32>,
      %swap3A_443 = arith.constant 0 : i32
      %swap3A_444 = arith.index_cast %swap3A_443 : i32 to index
      %swap3A_445 = arith.constant 16 : index
      %swap3A_446 = tpu.vector_load %arg21[%swap3A_444, %swap3A_445] {strides = array<i32>} : memref<32x128xf32, #tpu.memory_space<vmem>>, vector<16xf32>,
      tpu.vector_store %arg21[%swap3A_444, %swap3A_445], %broadcast_in_dim3A_14 {strides = array<i32>} : memref<32x128xf32, #tpu.memory_space<vmem>>, vector<16xf32>,
      %swap3A_447 = arith.constant 0 : i32
      %swap3A_448 = arith.index_cast %swap3A_447 : i32 to index
      %swap3A_449 = arith.constant 16 : index
      %swap3A_450 = tpu.vector_load %arg22[%swap3A_448, %swap3A_449] {strides = array<i32>} : memref<32x128xf32, #tpu.memory_space<vmem>>, vector<16xf32>,
      tpu.vector_store %arg22[%swap3A_448, %swap3A_449], %broadcast_in_dim3A_14 {strides = array<i32>} : memref<32x128xf32, #tpu.memory_space<vmem>>, vector<16xf32>,
      %swap3A_451 = arith.constant 0 : i32
      %swap3A_452 = arith.index_cast %swap3A_451 : i32 to index
      %swap3A_453 = arith.constant 16 : index
      %swap3A_454 = tpu.vector_load %arg23[%swap3A_452, %swap3A_453] {strides = array<i32>} : memref<32x128xf32, #tpu.memory_space<vmem>>, vector<16xf32>,
      tpu.vector_store %arg23[%swap3A_452, %swap3A_453], %broadcast_in_dim3A_14 {strides = array<i32>} : memref<32x128xf32, #tpu.memory_space<vmem>>, vector<16xf32>,
      %swap3A_455 = arith.constant 0 : i32
      %swap3A_456 = arith.index_cast %swap3A_455 : i32 to index
      %swap3A_457 = arith.constant 16 : index
      %swap3A_458 = tpu.vector_load %arg24[%swap3A_456, %swap3A_457] {strides = array<i32>} : memref<32x128xf32, #tpu.memory_space<vmem>>, vector<16xf32>,
      tpu.vector_store %arg24[%swap3A_456, %swap3A_457], %broadcast_in_dim3A_14 {strides = array<i32>} : memref<32x128xf32, #tpu.memory_space<vmem>>, vector<16xf32>,
      %swap3A_459 = arith.constant 0 : i32
      %swap3A_460 = arith.index_cast %swap3A_459 : i32 to index
      %swap3A_461 = arith.constant 32 : index
      %swap3A_462 = tpu.vector_load %arg19[%swap3A_460, %swap3A_461] {strides = array<i32>} : memref<32x128xf32, #tpu.memory_space<vmem>>, vector<16xf32>,
      tpu.vector_store %arg19[%swap3A_460, %swap3A_461], %broadcast_in_dim3A_14 {strides = array<i32>} : memref<32x128xf32, #tpu.memory_space<vmem>>, vector<16xf32>,
      %swap3A_463 = arith.constant 0 : i32
      %swap3A_464 = arith.index_cast %swap3A_463 : i32 to index
      %swap3A_465 = arith.constant 32 : index
      %swap3A_466 = tpu.vector_load %arg20[%swap3A_464, %swap3A_465] {strides = array<i32>} : memref<32x128xf32, #tpu.memory_space<vmem>>, vector<16xf32>,
      tpu.vector_store %arg20[%swap3A_464, %swap3A_465], %broadcast_in_dim3A_14 {strides = array<i32>} : memref<32x128xf32, #tpu.memory_space<vmem>>, vector<16xf32>,
      %swap3A_467 = arith.constant 0 : i32
      %swap3A_468 = arith.index_cast %swap3A_467 : i32 to index
      %swap3A_469 = arith.constant 32 : index
      %swap3A_470 = tpu.vector_load %arg21[%swap3A_468, %swap3A_469] {strides = array<i32>} : memref<32x128xf32, #tpu.memory_space<vmem>>, vector<16xf32>,
      tpu.vector_store %arg21[%swap3A_468, %swap3A_469], %broadcast_in_dim3A_14 {strides = array<i32>} : memref<32x128xf32, #tpu.memory_space<vmem>>, vector<16xf32>,
      %swap3A_471 = arith.constant 0 : i32
      %swap3A_472 = arith.index_cast %swap3A_471 : i32 to index
      %swap3A_473 = arith.constant 32 : index
      %swap3A_474 = tpu.vector_load %arg22[%swap3A_472, %swap3A_473] {strides = array<i32>} : memref<32x128xf32, #tpu.memory_space<vmem>>, vector<16xf32>,
      tpu.vector_store %arg22[%swap3A_472, %swap3A_473], %broadcast_in_dim3A_14 {strides = array<i32>} : memref<32x128xf32, #tpu.memory_space<vmem>>, vector<16xf32>,
      %swap3A_475 = arith.constant 0 : i32
      %swap3A_476 = arith.index_cast %swap3A_475 : i32 to index
      %swap3A_477 = arith.constant 32 : index
      %swap3A_478 = tpu.vector_load %arg23[%swap3A_476, %swap3A_477] {strides = array<i32>} : memref<32x128xf32, #tpu.memory_space<vmem>>, vector<16xf32>,
      tpu.vector_store %arg23[%swap3A_476, %swap3A_477], %broadcast_in_dim3A_14 {strides = array<i32>} : memref<32x128xf32, #tpu.memory_space<vmem>>, vector<16xf32>,
      %swap3A_479 = arith.constant 0 : i32
      %swap3A_480 = arith.index_cast %swap3A_479 : i32 to index
      %swap3A_481 = arith.constant 32 : index
      %swap3A_482 = tpu.vector_load %arg24[%swap3A_480, %swap3A_481] {strides = array<i32>} : memref<32x128xf32, #tpu.memory_space<vmem>>, vector<16xf32>,
      tpu.vector_store %arg24[%swap3A_480, %swap3A_481], %broadcast_in_dim3A_14 {strides = array<i32>} : memref<32x128xf32, #tpu.memory_space<vmem>>, vector<16xf32>,
      %swap3A_483 = arith.constant 0 : i32
      %swap3A_484 = arith.index_cast %swap3A_483 : i32 to index
      %swap3A_485 = arith.constant 48 : index
      %swap3A_486 = tpu.vector_load %arg19[%swap3A_484, %swap3A_485] {strides = array<i32>} : memref<32x128xf32, #tpu.memory_space<vmem>>, vector<16xf32>,
      tpu.vector_store %arg19[%swap3A_484, %swap3A_485], %broadcast_in_dim3A_14 {strides = array<i32>} : memref<32x128xf32, #tpu.memory_space<vmem>>, vector<16xf32>,
      %swap3A_487 = arith.constant 0 : i32
      %swap3A_488 = arith.index_cast %swap3A_487 : i32 to index
      %swap3A_489 = arith.constant 48 : index
      %swap3A_490 = tpu.vector_load %arg20[%swap3A_488, %swap3A_489] {strides = array<i32>} : memref<32x128xf32, #tpu.memory_space<vmem>>, vector<16xf32>,
      tpu.vector_store %arg20[%swap3A_488, %swap3A_489], %broadcast_in_dim3A_14 {strides = array<i32>} : memref<32x128xf32, #tpu.memory_space<vmem>>, vector<16xf32>,
      %swap3A_491 = arith.constant 0 : i32
      %swap3A_492 = arith.index_cast %swap3A_491 : i32 to index
      %swap3A_493 = arith.constant 48 : index
      %swap3A_494 = tpu.vector_load %arg21[%swap3A_492, %swap3A_493] {strides = array<i32>} : memref<32x128xf32, #tpu.memory_space<vmem>>, vector<16xf32>,
      tpu.vector_store %arg21[%swap3A_492, %swap3A_493], %broadcast_in_dim3A_14 {strides = array<i32>} : memref<32x128xf32, #tpu.memory_space<vmem>>, vector<16xf32>,
      %swap3A_495 = arith.constant 0 : i32
      %swap3A_496 = arith.index_cast %swap3A_495 : i32 to index
      %swap3A_497 = arith.constant 48 : index
      %swap3A_498 = tpu.vector_load %arg22[%swap3A_496, %swap3A_497] {strides = array<i32>} : memref<32x128xf32, #tpu.memory_space<vmem>>, vector<16xf32>,
      tpu.vector_store %arg22[%swap3A_496, %swap3A_497], %broadcast_in_dim3A_14 {strides = array<i32>} : memref<32x128xf32, #tpu.memory_space<vmem>>, vector<16xf32>,
      %swap3A_499 = arith.constant 0 : i32
      %swap3A_500 = arith.index_cast %swap3A_499 : i32 to index
      %swap3A_501 = arith.constant 48 : index
      %swap3A_502 = tpu.vector_load %arg23[%swap3A_500, %swap3A_501] {strides = array<i32>} : memref<32x128xf32, #tpu.memory_space<vmem>>, vector<16xf32>,
      tpu.vector_store %arg23[%swap3A_500, %swap3A_501], %broadcast_in_dim3A_14 {strides = array<i32>} : memref<32x128xf32, #tpu.memory_space<vmem>>, vector<16xf32>,
      %swap3A_503 = arith.constant 0 : i32
      %swap3A_504 = arith.index_cast %swap3A_503 : i32 to index
      %swap3A_505 = arith.constant 48 : index
      %swap3A_506 = tpu.vector_load %arg24[%swap3A_504, %swap3A_505] {strides = array<i32>} : memref<32x128xf32, #tpu.memory_space<vmem>>, vector<16xf32>,
      tpu.vector_store %arg24[%swap3A_504, %swap3A_505], %broadcast_in_dim3A_14 {strides = array<i32>} : memref<32x128xf32, #tpu.memory_space<vmem>>, vector<16xf32>,
      %parallel_loop3A_507 = arith.constant 64 : i32
      %parallel_loop3A_508 = arith.constant 4096 : i32
      %parallel_loop3A_509 = arith.constant 16 : i32
      scf.for %parallel_loop3A_578 = %parallel_loop3A_507 to %parallel_loop3A_508 step %parallel_loop3A_509  : i32 {
        %parallel_loop3A_579 = arith.constant 7 : i32
        %parallel_loop3A_580 = arith.shrsi %parallel_loop3A_578, %parallel_loop3A_579 : i32
        %parallel_loop3A_581 = arith.constant 127 : i32
        %parallel_loop3A_582 = arith.andi %parallel_loop3A_578, %parallel_loop3A_581 : i32
        %parallel_loop3A_583 = arith.constant 64 : i32
        %parallel_loop3A_584 = arith.subi %parallel_loop3A_578, %parallel_loop3A_583 : i32
        %parallel_loop3A_585 = arith.constant 7 : i32
        %parallel_loop3A_586 = arith.shrsi %parallel_loop3A_584, %parallel_loop3A_585 : i32
        %parallel_loop3A_587 = arith.constant 127 : i32
        %parallel_loop3A_588 = arith.andi %parallel_loop3A_584, %parallel_loop3A_587 : i32
        %parallel_loop3A_589 = arith.index_cast %parallel_loop3A_580 : i32 to index
        %parallel_loop3A_590 = arith.index_cast %parallel_loop3A_582 : i32 to index
        %parallel_loop3A_591 = tpu.vector_load %arg11[%parallel_loop3A_589, %parallel_loop3A_590] {strides = array<i32>} : memref<32x128xf32, #tpu.memory_space<vmem>>, vector<16xf32>,
        %parallel_loop3A_592 = arith.index_cast %parallel_loop3A_586 : i32 to index
        %parallel_loop3A_593 = arith.index_cast %parallel_loop3A_588 : i32 to index
        %parallel_loop3A_594 = tpu.vector_load %arg11[%parallel_loop3A_592, %parallel_loop3A_593] {strides = array<i32>} : memref<32x128xf32, #tpu.memory_space<vmem>>, vector<16xf32>,
        %parallel_loop3A_595 = arith.index_cast %parallel_loop3A_580 : i32 to index
        %parallel_loop3A_596 = arith.index_cast %parallel_loop3A_582 : i32 to index
        %parallel_loop3A_597 = tpu.vector_load %arg12[%parallel_loop3A_595, %parallel_loop3A_596] {strides = array<i32>} : memref<32x128xf32, #tpu.memory_space<vmem>>, vector<16xf32>,
        %parallel_loop3A_598 = arith.index_cast %parallel_loop3A_586 : i32 to index
        %parallel_loop3A_599 = arith.index_cast %parallel_loop3A_588 : i32 to index
        %parallel_loop3A_600 = tpu.vector_load %arg12[%parallel_loop3A_598, %parallel_loop3A_599] {strides = array<i32>} : memref<32x128xf32, #tpu.memory_space<vmem>>, vector<16xf32>,
        %parallel_loop3A_601 = arith.index_cast %parallel_loop3A_580 : i32 to index
        %parallel_loop3A_602 = arith.index_cast %parallel_loop3A_582 : i32 to index
        %parallel_loop3A_603 = tpu.vector_load %arg9[%parallel_loop3A_601, %parallel_loop3A_602] {strides = array<i32>} : memref<32x128xf32, #tpu.memory_space<vmem>>, vector<16xf32>,
        %parallel_loop3A_604 = arith.index_cast %parallel_loop3A_586 : i32 to index
        %parallel_loop3A_605 = arith.index_cast %parallel_loop3A_588 : i32 to index
        %parallel_loop3A_606 = tpu.vector_load %arg9[%parallel_loop3A_604, %parallel_loop3A_605] {strides = array<i32>} : memref<32x128xf32, #tpu.memory_space<vmem>>, vector<16xf32>,
        %parallel_loop3A_607 = arith.index_cast %parallel_loop3A_580 : i32 to index
        %parallel_loop3A_608 = arith.index_cast %parallel_loop3A_582 : i32 to index
        %parallel_loop3A_609 = tpu.vector_load %arg7[%parallel_loop3A_607, %parallel_loop3A_608] {strides = array<i32>} : memref<32x128xf32, #tpu.memory_space<vmem>>, vector<16xf32>,
        %parallel_loop3A_610 = arith.index_cast %parallel_loop3A_586 : i32 to index
        %parallel_loop3A_611 = arith.index_cast %parallel_loop3A_588 : i32 to index
        %parallel_loop3A_612 = tpu.vector_load %arg7[%parallel_loop3A_610, %parallel_loop3A_611] {strides = array<i32>} : memref<32x128xf32, #tpu.memory_space<vmem>>, vector<16xf32>,
        %parallel_loop3A_613 = arith.index_cast %parallel_loop3A_580 : i32 to index
        %parallel_loop3A_614 = arith.index_cast %parallel_loop3A_582 : i32 to index
        %parallel_loop3A_615 = tpu.vector_load %arg8[%parallel_loop3A_613, %parallel_loop3A_614] {strides = array<i32>} : memref<32x128xf32, #tpu.memory_space<vmem>>, vector<16xf32>,
        %parallel_loop3A_616 = arith.index_cast %parallel_loop3A_586 : i32 to index
        %parallel_loop3A_617 = arith.index_cast %parallel_loop3A_588 : i32 to index
        %parallel_loop3A_618 = tpu.vector_load %arg8[%parallel_loop3A_616, %parallel_loop3A_617] {strides = array<i32>} : memref<32x128xf32, #tpu.memory_space<vmem>>, vector<16xf32>,
        %parallel_loop3A_619 = arith.index_cast %parallel_loop3A_580 : i32 to index
        %parallel_loop3A_620 = arith.index_cast %parallel_loop3A_582 : i32 to index
        %parallel_loop3A_621 = tpu.vector_load %arg5[%parallel_loop3A_619, %parallel_loop3A_620] {strides = array<i32>} : memref<32x128xf32, #tpu.memory_space<vmem>>, vector<16xf32>,
        %parallel_loop3A_622 = arith.index_cast %parallel_loop3A_586 : i32 to index
        %parallel_loop3A_623 = arith.index_cast %parallel_loop3A_588 : i32 to index
        %parallel_loop3A_624 = tpu.vector_load %arg5[%parallel_loop3A_622, %parallel_loop3A_623] {strides = array<i32>} : memref<32x128xf32, #tpu.memory_space<vmem>>, vector<16xf32>,
        %parallel_loop3A_625 = arith.addf %parallel_loop3A_591, %parallel_loop3A_594 : vector<16xf32>
        %parallel_loop3A_626 = arith.addf %parallel_loop3A_597, %parallel_loop3A_600 : vector<16xf32>
        %parallel_loop3A_627 = arith.addf %parallel_loop3A_603, %parallel_loop3A_606 : vector<16xf32>
        %parallel_loop3A_628 = arith.addf %parallel_loop3A_626, %parallel_loop3A_625 : vector<16xf32>
        %parallel_loop3A_629 = arith.addf %parallel_loop3A_627, %parallel_loop3A_626 : vector<16xf32>
        %parallel_loop3A_630 = arith.addf %parallel_loop3A_609, %parallel_loop3A_612 : vector<16xf32>
        %parallel_loop3A_631 = arith.addf %parallel_loop3A_615, %parallel_loop3A_618 : vector<16xf32>
        %parallel_loop3A_632 = arith.addf %parallel_loop3A_621, %parallel_loop3A_624 : vector<16xf32>
        %parallel_loop3A_633 = arith.addf %parallel_loop3A_630, %parallel_loop3A_631 : vector<16xf32>
        %parallel_loop3A_634 = arith.subf %parallel_loop3A_628, %parallel_loop3A_633 : vector<16xf32>
        %parallel_loop3A_635 = arith.addf %parallel_loop3A_631, %parallel_loop3A_632 : vector<16xf32>
        %parallel_loop3A_636 = arith.subf %parallel_loop3A_629, %parallel_loop3A_635 : vector<16xf32>
        %parallel_loop3A_637 = arith.addf %parallel_loop3A_600, %parallel_loop3A_594 : vector<16xf32>
        %parallel_loop3A_638 = arith.addf %parallel_loop3A_606, %parallel_loop3A_600 : vector<16xf32>
        %parallel_loop3A_639 = arith.constant 1.000000e+00 : f32
        %parallel_loop3A_640 = vector.broadcast %parallel_loop3A_639 : f32 to vector<16xf32>
        %parallel_loop3A_641 = arith.divf %parallel_loop3A_640, %parallel_loop3A_628 : vector<16xf32>
        %parallel_loop3A_642 = arith.constant 1.000000e+00 : f32
        %parallel_loop3A_643 = vector.broadcast %parallel_loop3A_642 : f32 to vector<16xf32>
        %parallel_loop3A_644 = arith.divf %parallel_loop3A_643, %parallel_loop3A_629 : vector<16xf32>
        %parallel_loop3A_645 = arith.constant 63 : i32
        %parallel_loop3A_646 = arith.andi %parallel_loop3A_578, %parallel_loop3A_645 : i32
        %parallel_loop3A_647 = vector.broadcast %parallel_loop3A_646 : i32 to vector<16xi32>
        %parallel_loop3A_648 = arith.addi %iota3A, %parallel_loop3A_647 : vector<16xi32>
        %parallel_loop3A_649 = arith.constant 6 : i32
        %parallel_loop3A_650 = arith.shrsi %parallel_loop3A_578, %parallel_loop3A_649 : i32
        %parallel_loop3A_651 = arith.sitofp %parallel_loop3A_650 : i32 to f32
        %parallel_loop3A_652 = arith.constant 3.200000e+01 : f32
        %parallel_loop3A_653 = arith.subf %parallel_loop3A_651, %parallel_loop3A_652 : f32
        %parallel_loop3A_654 = arith.sitofp %parallel_loop3A_648 : vector<16xi32> to vector<16xf32>
        %parallel_loop3A_655 = arith.constant 3.200000e+01 : f32
        %parallel_loop3A_656 = vector.broadcast %parallel_loop3A_655 : f32 to vector<16xf32>
        %parallel_loop3A_657 = arith.subf %parallel_loop3A_654, %parallel_loop3A_656 : vector<16xf32>
        %parallel_loop3A_658 = arith.constant 0 : i32
        %parallel_loop3A_659 = vector.broadcast %parallel_loop3A_658 : i32 to vector<16xi32>
        %parallel_loop3A_660 = arith.cmpi sgt, %parallel_loop3A_648, %parallel_loop3A_659 : vector<16xi32>
        %parallel_loop3A_661 = arith.constant 0.000000e+00 : f32
        %parallel_loop3A_662 = vector.broadcast %parallel_loop3A_661 : f32 to vector<16xf32>
        %parallel_loop3A_663 = arith.cmpf ogt, %parallel_loop3A_628, %parallel_loop3A_662 : vector<16xf32>
        %parallel_loop3A_664 = arith.andi %parallel_loop3A_663, %parallel_loop3A_660 : vector<16xi1>
        %parallel_loop3A_665 = arith.constant 0.000000e+00 : f32
        %parallel_loop3A_666 = vector.broadcast %parallel_loop3A_665 : f32 to vector<16xf32>
        %parallel_loop3A_667 = arith.cmpf ogt, %parallel_loop3A_629, %parallel_loop3A_666 : vector<16xf32>
        %parallel_loop3A_668 = arith.andi %parallel_loop3A_667, %parallel_loop3A_660 : vector<16xi1>
        %parallel_loop3A_669 = arith.mulf %parallel_loop3A_634, %parallel_loop3A_641 : vector<16xf32>
        %parallel_loop3A_670 = arith.subf %parallel_loop3A_657, %parallel_loop3A_669 : vector<16xf32>
        %parallel_loop3A_671 = arith.mulf %parallel_loop3A_670, %get3A_9 : vector<16xf32>
        %parallel_loop3A_672 = arith.constant 0.000000e+00 : f32
        %parallel_loop3A_673 = vector.broadcast %parallel_loop3A_672 : f32 to vector<16xf32>
        %parallel_loop3A_674 = arith.select %parallel_loop3A_664, %parallel_loop3A_671, %parallel_loop3A_673 : vector<16xi1>, vector<16xf32>
        %parallel_loop3A_675 = arith.index_cast %parallel_loop3A_580 : i32 to index
        %parallel_loop3A_676 = arith.index_cast %parallel_loop3A_582 : i32 to index
        %parallel_loop3A_677 = tpu.vector_load %arg19[%parallel_loop3A_675, %parallel_loop3A_676] {strides = array<i32>} : memref<32x128xf32, #tpu.memory_space<vmem>>, vector<16xf32>,
        tpu.vector_store %arg19[%parallel_loop3A_675, %parallel_loop3A_676], %parallel_loop3A_674 {strides = array<i32>} : memref<32x128xf32, #tpu.memory_space<vmem>>, vector<16xf32>,
        %parallel_loop3A_678 = arith.mulf %parallel_loop3A_637, %parallel_loop3A_641 : vector<16xf32>
        %parallel_loop3A_679 = vector.broadcast %parallel_loop3A_653 : f32 to vector<16xf32>
        %parallel_loop3A_680 = arith.subf %parallel_loop3A_679, %parallel_loop3A_678 : vector<16xf32>
        %parallel_loop3A_681 = arith.mulf %parallel_loop3A_680, %get3A_11 : vector<16xf32>
        %parallel_loop3A_682 = arith.constant 0.000000e+00 : f32
        %parallel_loop3A_683 = vector.broadcast %parallel_loop3A_682 : f32 to vector<16xf32>
        %parallel_loop3A_684 = arith.select %parallel_loop3A_664, %parallel_loop3A_681, %parallel_loop3A_683 : vector<16xi1>, vector<16xf32>
        %parallel_loop3A_685 = arith.index_cast %parallel_loop3A_580 : i32 to index
        %parallel_loop3A_686 = arith.index_cast %parallel_loop3A_582 : i32 to index
        %parallel_loop3A_687 = tpu.vector_load %arg20[%parallel_loop3A_685, %parallel_loop3A_686] {strides = array<i32>} : memref<32x128xf32, #tpu.memory_space<vmem>>, vector<16xf32>,
        tpu.vector_store %arg20[%parallel_loop3A_685, %parallel_loop3A_686], %parallel_loop3A_684 {strides = array<i32>} : memref<32x128xf32, #tpu.memory_space<vmem>>, vector<16xf32>,
        %parallel_loop3A_688 = arith.mulf %parallel_loop3A_625, %parallel_loop3A_641 : vector<16xf32>
        %parallel_loop3A_689 = vector.broadcast %sub3A_408 : f32 to vector<16xf32>
        %parallel_loop3A_690 = arith.subf %parallel_loop3A_689, %parallel_loop3A_688 : vector<16xf32>
        %parallel_loop3A_691 = arith.mulf %parallel_loop3A_690, %get3A_13 : vector<16xf32>
        %parallel_loop3A_692 = arith.constant 0.000000e+00 : f32
        %parallel_loop3A_693 = vector.broadcast %parallel_loop3A_692 : f32 to vector<16xf32>
        %parallel_loop3A_694 = arith.select %parallel_loop3A_664, %parallel_loop3A_691, %parallel_loop3A_693 : vector<16xi1>, vector<16xf32>
        %parallel_loop3A_695 = arith.index_cast %parallel_loop3A_580 : i32 to index
        %parallel_loop3A_696 = arith.index_cast %parallel_loop3A_582 : i32 to index
        %parallel_loop3A_697 = tpu.vector_load %arg21[%parallel_loop3A_695, %parallel_loop3A_696] {strides = array<i32>} : memref<32x128xf32, #tpu.memory_space<vmem>>, vector<16xf32>,
        tpu.vector_store %arg21[%parallel_loop3A_695, %parallel_loop3A_696], %parallel_loop3A_694 {strides = array<i32>} : memref<32x128xf32, #tpu.memory_space<vmem>>, vector<16xf32>,
        %parallel_loop3A_698 = arith.mulf %parallel_loop3A_636, %parallel_loop3A_644 : vector<16xf32>
        %parallel_loop3A_699 = arith.subf %parallel_loop3A_657, %parallel_loop3A_698 : vector<16xf32>
        %parallel_loop3A_700 = arith.mulf %parallel_loop3A_699, %get3A_9 : vector<16xf32>
        %parallel_loop3A_701 = arith.constant 0.000000e+00 : f32
        %parallel_loop3A_702 = vector.broadcast %parallel_loop3A_701 : f32 to vector<16xf32>
        %parallel_loop3A_703 = arith.select %parallel_loop3A_668, %parallel_loop3A_700, %parallel_loop3A_702 : vector<16xi1>, vector<16xf32>
        %parallel_loop3A_704 = arith.index_cast %parallel_loop3A_580 : i32 to index
        %parallel_loop3A_705 = arith.index_cast %parallel_loop3A_582 : i32 to index
        %parallel_loop3A_706 = tpu.vector_load %arg22[%parallel_loop3A_704, %parallel_loop3A_705] {strides = array<i32>} : memref<32x128xf32, #tpu.memory_space<vmem>>, vector<16xf32>,
        tpu.vector_store %arg22[%parallel_loop3A_704, %parallel_loop3A_705], %parallel_loop3A_703 {strides = array<i32>} : memref<32x128xf32, #tpu.memory_space<vmem>>, vector<16xf32>,
        %parallel_loop3A_707 = arith.mulf %parallel_loop3A_638, %parallel_loop3A_644 : vector<16xf32>
        %parallel_loop3A_708 = vector.broadcast %parallel_loop3A_653 : f32 to vector<16xf32>
        %parallel_loop3A_709 = arith.subf %parallel_loop3A_708, %parallel_loop3A_707 : vector<16xf32>
        %parallel_loop3A_710 = arith.mulf %parallel_loop3A_709, %get3A_11 : vector<16xf32>
        %parallel_loop3A_711 = arith.constant 0.000000e+00 : f32
        %parallel_loop3A_712 = vector.broadcast %parallel_loop3A_711 : f32 to vector<16xf32>
        %parallel_loop3A_713 = arith.select %parallel_loop3A_668, %parallel_loop3A_710, %parallel_loop3A_712 : vector<16xi1>, vector<16xf32>
        %parallel_loop3A_714 = arith.index_cast %parallel_loop3A_580 : i32 to index
        %parallel_loop3A_715 = arith.index_cast %parallel_loop3A_582 : i32 to index
        %parallel_loop3A_716 = tpu.vector_load %arg23[%parallel_loop3A_714, %parallel_loop3A_715] {strides = array<i32>} : memref<32x128xf32, #tpu.memory_space<vmem>>, vector<16xf32>,
        tpu.vector_store %arg23[%parallel_loop3A_714, %parallel_loop3A_715], %parallel_loop3A_713 {strides = array<i32>} : memref<32x128xf32, #tpu.memory_space<vmem>>, vector<16xf32>,
        %parallel_loop3A_717 = arith.mulf %parallel_loop3A_626, %parallel_loop3A_644 : vector<16xf32>
        %parallel_loop3A_718 = vector.broadcast %add3A_410 : f32 to vector<16xf32>
        %parallel_loop3A_719 = arith.subf %parallel_loop3A_718, %parallel_loop3A_717 : vector<16xf32>
        %parallel_loop3A_720 = arith.mulf %parallel_loop3A_719, %get3A_13 : vector<16xf32>
        %parallel_loop3A_721 = arith.constant 0.000000e+00 : f32
        %parallel_loop3A_722 = vector.broadcast %parallel_loop3A_721 : f32 to vector<16xf32>
        %parallel_loop3A_723 = arith.select %parallel_loop3A_668, %parallel_loop3A_720, %parallel_loop3A_722 : vector<16xi1>, vector<16xf32>
        %parallel_loop3A_724 = arith.index_cast %parallel_loop3A_580 : i32 to index
        %parallel_loop3A_725 = arith.index_cast %parallel_loop3A_582 : i32 to index
        %parallel_loop3A_726 = tpu.vector_load %arg24[%parallel_loop3A_724, %parallel_loop3A_725] {strides = array<i32>} : memref<32x128xf32, #tpu.memory_space<vmem>>, vector<16xf32>,
        tpu.vector_store %arg24[%parallel_loop3A_724, %parallel_loop3A_725], %parallel_loop3A_723 {strides = array<i32>} : memref<32x128xf32, #tpu.memory_space<vmem>>, vector<16xf32>,
      } {sc.loop_unroll_factor = 4 : i64, sc.parallel_access}
      %add3A_510 = arith.constant 2 : i32
      %add3A_511 = arith.addi %add3A_157, %add3A_510 : i32
      %mul3A_512 = arith.constant 32 : i32
      %mul3A_513 = arith.muli %add3A_511, %mul3A_512 : i32
      %dma_start3A_514 = arith.constant 0 : i32
      %dma_start3A_515 = arith.constant 0 : i32
      %dma_start3A_516 = tpu.memref_slice %arg4[%dma_start3A_514, %shift_right_arithmetic3A_6, %mul3A_513, %and3A_8, %dma_start3A_515] : memref<3x2x2048x8x128xf32, #tpu.memory_space<hbm>> -> memref<1x1x32x1x128xf32, #tpu.memory_space<hbm>>
      %dma_start3A_517 = tpu.memref_squeeze %dma_start3A_516 : memref<1x1x32x1x128xf32, #tpu.memory_space<hbm>> -> memref<32x128xf32, #tpu.memory_space<hbm>>
      %dma_start3A_518 = arith.constant 0 : i32
      %dma_start3A_519 = tpu.memref_slice %arg4[%dma_start3A_514, %shift_right_arithmetic3A_6, %mul3A_513, %and3A_8, %dma_start3A_518] : memref<3x2x2048x8x128xf32, #tpu.memory_space<hbm>> -> memref<1x1x32x1x128xf32, #tpu.memory_space<hbm>>
      %dma_start3A_520 = tpu.memref_squeeze %dma_start3A_519 : memref<1x1x32x1x128xf32, #tpu.memory_space<hbm>> -> memref<32x128xf32, #tpu.memory_space<hbm>>
      tpu.enqueue_dma source(%arg19 : memref<32x128xf32, #tpu.memory_space<vmem>>) target(%dma_start3A_520 : memref<32x128xf32, #tpu.memory_space<hbm>>) target_semaphore(%arg31 : memref<!tpu.dma_semaphore, #tpu.memory_space<semaphore_mem>>)
      %mul3A_521 = arith.constant 32 : i32
      %mul3A_522 = arith.muli %add3A_511, %mul3A_521 : i32
      %dma_start3A_523 = arith.constant 1 : i32
      %dma_start3A_524 = arith.constant 0 : i32
      %dma_start3A_525 = tpu.memref_slice %arg4[%dma_start3A_523, %shift_right_arithmetic3A_6, %mul3A_522, %and3A_8, %dma_start3A_524] : memref<3x2x2048x8x128xf32, #tpu.memory_space<hbm>> -> memref<1x1x32x1x128xf32, #tpu.memory_space<hbm>>
      %dma_start3A_526 = tpu.memref_squeeze %dma_start3A_525 : memref<1x1x32x1x128xf32, #tpu.memory_space<hbm>> -> memref<32x128xf32, #tpu.memory_space<hbm>>
      %dma_start3A_527 = arith.constant 0 : i32
      %dma_start3A_528 = tpu.memref_slice %arg4[%dma_start3A_523, %shift_right_arithmetic3A_6, %mul3A_522, %and3A_8, %dma_start3A_527] : memref<3x2x2048x8x128xf32, #tpu.memory_space<hbm>> -> memref<1x1x32x1x128xf32, #tpu.memory_space<hbm>>
      %dma_start3A_529 = tpu.memref_squeeze %dma_start3A_528 : memref<1x1x32x1x128xf32, #tpu.memory_space<hbm>> -> memref<32x128xf32, #tpu.memory_space<hbm>>
      tpu.enqueue_dma source(%arg20 : memref<32x128xf32, #tpu.memory_space<vmem>>) target(%dma_start3A_529 : memref<32x128xf32, #tpu.memory_space<hbm>>) target_semaphore(%arg31 : memref<!tpu.dma_semaphore, #tpu.memory_space<semaphore_mem>>)
      %mul3A_530 = arith.constant 32 : i32
      %mul3A_531 = arith.muli %add3A_511, %mul3A_530 : i32
      %dma_start3A_532 = arith.constant 2 : i32
      %dma_start3A_533 = arith.constant 0 : i32
      %dma_start3A_534 = tpu.memref_slice %arg4[%dma_start3A_532, %shift_right_arithmetic3A_6, %mul3A_531, %and3A_8, %dma_start3A_533] : memref<3x2x2048x8x128xf32, #tpu.memory_space<hbm>> -> memref<1x1x32x1x128xf32, #tpu.memory_space<hbm>>
      %dma_start3A_535 = tpu.memref_squeeze %dma_start3A_534 : memref<1x1x32x1x128xf32, #tpu.memory_space<hbm>> -> memref<32x128xf32, #tpu.memory_space<hbm>>
      %dma_start3A_536 = arith.constant 0 : i32
      %dma_start3A_537 = tpu.memref_slice %arg4[%dma_start3A_532, %shift_right_arithmetic3A_6, %mul3A_531, %and3A_8, %dma_start3A_536] : memref<3x2x2048x8x128xf32, #tpu.memory_space<hbm>> -> memref<1x1x32x1x128xf32, #tpu.memory_space<hbm>>
      %dma_start3A_538 = tpu.memref_squeeze %dma_start3A_537 : memref<1x1x32x1x128xf32, #tpu.memory_space<hbm>> -> memref<32x128xf32, #tpu.memory_space<hbm>>
      tpu.enqueue_dma source(%arg21 : memref<32x128xf32, #tpu.memory_space<vmem>>) target(%dma_start3A_538 : memref<32x128xf32, #tpu.memory_space<hbm>>) target_semaphore(%arg31 : memref<!tpu.dma_semaphore, #tpu.memory_space<semaphore_mem>>)
      %add3A_539 = arith.constant 1 : i32
      %add3A_540 = arith.addi %add3A_511, %add3A_539 : i32
      %mul3A_541 = arith.constant 32 : i32
      %mul3A_542 = arith.muli %add3A_540, %mul3A_541 : i32
      %dma_start3A_543 = arith.constant 0 : i32
      %dma_start3A_544 = arith.constant 0 : i32
      %dma_start3A_545 = tpu.memref_slice %arg4[%dma_start3A_543, %shift_right_arithmetic3A_6, %mul3A_542, %and3A_8, %dma_start3A_544] : memref<3x2x2048x8x128xf32, #tpu.memory_space<hbm>> -> memref<1x1x32x1x128xf32, #tpu.memory_space<hbm>>
      %dma_start3A_546 = tpu.memref_squeeze %dma_start3A_545 : memref<1x1x32x1x128xf32, #tpu.memory_space<hbm>> -> memref<32x128xf32, #tpu.memory_space<hbm>>
      %dma_start3A_547 = arith.constant 0 : i32
      %dma_start3A_548 = tpu.memref_slice %arg4[%dma_start3A_543, %shift_right_arithmetic3A_6, %mul3A_542, %and3A_8, %dma_start3A_547] : memref<3x2x2048x8x128xf32, #tpu.memory_space<hbm>> -> memref<1x1x32x1x128xf32, #tpu.memory_space<hbm>>
      %dma_start3A_549 = tpu.memref_squeeze %dma_start3A_548 : memref<1x1x32x1x128xf32, #tpu.memory_space<hbm>> -> memref<32x128xf32, #tpu.memory_space<hbm>>
      tpu.enqueue_dma source(%arg22 : memref<32x128xf32, #tpu.memory_space<vmem>>) target(%dma_start3A_549 : memref<32x128xf32, #tpu.memory_space<hbm>>) target_semaphore(%arg31 : memref<!tpu.dma_semaphore, #tpu.memory_space<semaphore_mem>>)
      %add3A_550 = arith.constant 1 : i32
      %add3A_551 = arith.addi %add3A_511, %add3A_550 : i32
      %mul3A_552 = arith.constant 32 : i32
      %mul3A_553 = arith.muli %add3A_551, %mul3A_552 : i32
      %dma_start3A_554 = arith.constant 1 : i32
      %dma_start3A_555 = arith.constant 0 : i32
      %dma_start3A_556 = tpu.memref_slice %arg4[%dma_start3A_554, %shift_right_arithmetic3A_6, %mul3A_553, %and3A_8, %dma_start3A_555] : memref<3x2x2048x8x128xf32, #tpu.memory_space<hbm>> -> memref<1x1x32x1x128xf32, #tpu.memory_space<hbm>>
      %dma_start3A_557 = tpu.memref_squeeze %dma_start3A_556 : memref<1x1x32x1x128xf32, #tpu.memory_space<hbm>> -> memref<32x128xf32, #tpu.memory_space<hbm>>
      %dma_start3A_558 = arith.constant 0 : i32
      %dma_start3A_559 = tpu.memref_slice %arg4[%dma_start3A_554, %shift_right_arithmetic3A_6, %mul3A_553, %and3A_8, %dma_start3A_558] : memref<3x2x2048x8x128xf32, #tpu.memory_space<hbm>> -> memref<1x1x32x1x128xf32, #tpu.memory_space<hbm>>
      %dma_start3A_560 = tpu.memref_squeeze %dma_start3A_559 : memref<1x1x32x1x128xf32, #tpu.memory_space<hbm>> -> memref<32x128xf32, #tpu.memory_space<hbm>>
      tpu.enqueue_dma source(%arg23 : memref<32x128xf32, #tpu.memory_space<vmem>>) target(%dma_start3A_560 : memref<32x128xf32, #tpu.memory_space<hbm>>) target_semaphore(%arg31 : memref<!tpu.dma_semaphore, #tpu.memory_space<semaphore_mem>>)
      %add3A_561 = arith.constant 1 : i32
      %add3A_562 = arith.addi %add3A_511, %add3A_561 : i32
      %mul3A_563 = arith.constant 32 : i32
      %mul3A_564 = arith.muli %add3A_562, %mul3A_563 : i32
      %dma_start3A_565 = arith.constant 2 : i32
      %dma_start3A_566 = arith.constant 0 : i32
      %dma_start3A_567 = tpu.memref_slice %arg4[%dma_start3A_565, %shift_right_arithmetic3A_6, %mul3A_564, %and3A_8, %dma_start3A_566] : memref<3x2x2048x8x128xf32, #tpu.memory_space<hbm>> -> memref<1x1x32x1x128xf32, #tpu.memory_space<hbm>>
      %dma_start3A_568 = tpu.memref_squeeze %dma_start3A_567 : memref<1x1x32x1x128xf32, #tpu.memory_space<hbm>> -> memref<32x128xf32, #tpu.memory_space<hbm>>
      %dma_start3A_569 = arith.constant 0 : i32
      %dma_start3A_570 = tpu.memref_slice %arg4[%dma_start3A_565, %shift_right_arithmetic3A_6, %mul3A_564, %and3A_8, %dma_start3A_569] : memref<3x2x2048x8x128xf32, #tpu.memory_space<hbm>> -> memref<1x1x32x1x128xf32, #tpu.memory_space<hbm>>
      %dma_start3A_571 = tpu.memref_squeeze %dma_start3A_570 : memref<1x1x32x1x128xf32, #tpu.memory_space<hbm>> -> memref<32x128xf32, #tpu.memory_space<hbm>>
      tpu.enqueue_dma source(%arg24 : memref<32x128xf32, #tpu.memory_space<vmem>>) target(%dma_start3A_571 : memref<32x128xf32, #tpu.memory_space<hbm>>) target_semaphore(%arg31 : memref<!tpu.dma_semaphore, #tpu.memory_space<semaphore_mem>>)
      %lt3A_572 = arith.constant 7 : i32
      %lt3A_573 = arith.cmpi slt, %scan3A_153, %lt3A_572 : i32
      %convert_element_type3A_574 = arith.extui %lt3A_573 : i1 to i32
      %cond3A_575 = arith.constant 0 : i32
      %cond3A_576 = arith.cmpi ne, %convert_element_type3A_574, %cond3A_575 : i32
      scf.if %cond3A_576 {
        %add3A_578 = arith.constant 5 : i32
        %add3A_579 = arith.addi %add3A_157, %add3A_578 : i32
        %mul3A_580 = arith.constant 32 : i32
        %mul3A_581 = arith.muli %add3A_579, %mul3A_580 : i32
        %dma_start3A_582 = arith.constant 0 : i32
        %dma_start3A_583 = tpu.memref_slice %arg2[%shift_right_arithmetic3A_6, %mul3A_581, %and3A_8, %dma_start3A_582] : memref<2x2048x8x128xf32, #tpu.memory_space<hbm>> -> memref<1x32x1x128xf32, #tpu.memory_space<hbm>>
        %dma_start3A_584 = tpu.memref_squeeze %dma_start3A_583 : memref<1x32x1x128xf32, #tpu.memory_space<hbm>> -> memref<32x128xf32, #tpu.memory_space<hbm>>
        %dma_start3A_585 = arith.constant 0 : i32
        %dma_start3A_586 = tpu.memref_slice %arg2[%shift_right_arithmetic3A_6, %mul3A_581, %and3A_8, %dma_start3A_585] : memref<2x2048x8x128xf32, #tpu.memory_space<hbm>> -> memref<1x32x1x128xf32, #tpu.memory_space<hbm>>
        %dma_start3A_587 = tpu.memref_squeeze %dma_start3A_586 : memref<1x32x1x128xf32, #tpu.memory_space<hbm>> -> memref<32x128xf32, #tpu.memory_space<hbm>>
        tpu.enqueue_dma source(%dma_start3A_587 : memref<32x128xf32, #tpu.memory_space<hbm>>) target(%arg7 : memref<32x128xf32, #tpu.memory_space<vmem>>) target_semaphore(%arg28 : memref<!tpu.dma_semaphore, #tpu.memory_space<semaphore_mem>>)
      } else {
      }
      %scan3A_577 = arith.constant 0 : i32
      scf.yield %scan3A_577 : i32
    }
    %scan3A_43 = arith.constant 8 : i32
    %dma_wait3A = arith.constant 0 : i32
    %dma_wait3A_44 = arith.constant 0 : i32
    %dma_wait3A_45 = arith.constant 0 : i32
    %dma_wait3A_46 = tpu.memref_slice %arg4[%dma_wait3A, %shift_right_arithmetic3A_6, %dma_wait3A_44, %and3A_8, %dma_wait3A_45] : memref<3x2x2048x8x128xf32, #tpu.memory_space<hbm>> -> memref<1x1x32x1x128xf32, #tpu.memory_space<hbm>>
    %dma_wait3A_47 = tpu.memref_squeeze %dma_wait3A_46 : memref<1x1x32x1x128xf32, #tpu.memory_space<hbm>> -> memref<32x128xf32, #tpu.memory_space<hbm>>
    %dma_wait3A_48 = arith.constant 0 : i32
    %dma_wait3A_49 = arith.constant 0 : i32
    %dma_wait3A_50 = tpu.memref_slice %arg4[%dma_wait3A, %shift_right_arithmetic3A_6, %dma_wait3A_48, %and3A_8, %dma_wait3A_49] : memref<3x2x2048x8x128xf32, #tpu.memory_space<hbm>> -> memref<1x1x32x1x128xf32, #tpu.memory_space<hbm>>
    %dma_wait3A_51 = tpu.memref_squeeze %dma_wait3A_50 : memref<1x1x32x1x128xf32, #tpu.memory_space<hbm>> -> memref<32x128xf32, #tpu.memory_space<hbm>>
    tpu.wait_dma2 semaphore(%arg30 : memref<!tpu.dma_semaphore, #tpu.memory_space<semaphore_mem>>) src(%arg13 : memref<32x128xf32, #tpu.memory_space<vmem>>) dst(%dma_wait3A_51 : memref<32x128xf32, #tpu.memory_space<hbm>>)
    %dma_wait3A_52 = arith.constant 1 : i32
    %dma_wait3A_53 = arith.constant 0 : i32
    %dma_wait3A_54 = arith.constant 0 : i32
    %dma_wait3A_55 = tpu.memref_slice %arg4[%dma_wait3A_52, %shift_right_arithmetic3A_6, %dma_wait3A_53, %and3A_8, %dma_wait3A_54] : memref<3x2x2048x8x128xf32, #tpu.memory_space<hbm>> -> memref<1x1x32x1x128xf32, #tpu.memory_space<hbm>>
    %dma_wait3A_56 = tpu.memref_squeeze %dma_wait3A_55 : memref<1x1x32x1x128xf32, #tpu.memory_space<hbm>> -> memref<32x128xf32, #tpu.memory_space<hbm>>
    %dma_wait3A_57 = arith.constant 0 : i32
    %dma_wait3A_58 = arith.constant 0 : i32
    %dma_wait3A_59 = tpu.memref_slice %arg4[%dma_wait3A_52, %shift_right_arithmetic3A_6, %dma_wait3A_57, %and3A_8, %dma_wait3A_58] : memref<3x2x2048x8x128xf32, #tpu.memory_space<hbm>> -> memref<1x1x32x1x128xf32, #tpu.memory_space<hbm>>
    %dma_wait3A_60 = tpu.memref_squeeze %dma_wait3A_59 : memref<1x1x32x1x128xf32, #tpu.memory_space<hbm>> -> memref<32x128xf32, #tpu.memory_space<hbm>>
    tpu.wait_dma2 semaphore(%arg30 : memref<!tpu.dma_semaphore, #tpu.memory_space<semaphore_mem>>) src(%arg14 : memref<32x128xf32, #tpu.memory_space<vmem>>) dst(%dma_wait3A_60 : memref<32x128xf32, #tpu.memory_space<hbm>>)
    %dma_wait3A_61 = arith.constant 2 : i32
    %dma_wait3A_62 = arith.constant 0 : i32
    %dma_wait3A_63 = arith.constant 0 : i32
    %dma_wait3A_64 = tpu.memref_slice %arg4[%dma_wait3A_61, %shift_right_arithmetic3A_6, %dma_wait3A_62, %and3A_8, %dma_wait3A_63] : memref<3x2x2048x8x128xf32, #tpu.memory_space<hbm>> -> memref<1x1x32x1x128xf32, #tpu.memory_space<hbm>>
    %dma_wait3A_65 = tpu.memref_squeeze %dma_wait3A_64 : memref<1x1x32x1x128xf32, #tpu.memory_space<hbm>> -> memref<32x128xf32, #tpu.memory_space<hbm>>
    %dma_wait3A_66 = arith.constant 0 : i32
    %dma_wait3A_67 = arith.constant 0 : i32
    %dma_wait3A_68 = tpu.memref_slice %arg4[%dma_wait3A_61, %shift_right_arithmetic3A_6, %dma_wait3A_66, %and3A_8, %dma_wait3A_67] : memref<3x2x2048x8x128xf32, #tpu.memory_space<hbm>> -> memref<1x1x32x1x128xf32, #tpu.memory_space<hbm>>
    %dma_wait3A_69 = tpu.memref_squeeze %dma_wait3A_68 : memref<1x1x32x1x128xf32, #tpu.memory_space<hbm>> -> memref<32x128xf32, #tpu.memory_space<hbm>>
    tpu.wait_dma2 semaphore(%arg30 : memref<!tpu.dma_semaphore, #tpu.memory_space<semaphore_mem>>) src(%arg15 : memref<32x128xf32, #tpu.memory_space<vmem>>) dst(%dma_wait3A_69 : memref<32x128xf32, #tpu.memory_space<hbm>>)
    %dma_wait3A_70 = arith.constant 0 : i32
    %dma_wait3A_71 = arith.constant 0 : i32
    %dma_wait3A_72 = arith.constant 0 : i32
    %dma_wait3A_73 = tpu.memref_slice %arg4[%dma_wait3A_70, %shift_right_arithmetic3A_6, %dma_wait3A_71, %and3A_8, %dma_wait3A_72] : memref<3x2x2048x8x128xf32, #tpu.memory_space<hbm>> -> memref<1x1x32x1x128xf32, #tpu.memory_space<hbm>>
    %dma_wait3A_74 = tpu.memref_squeeze %dma_wait3A_73 : memref<1x1x32x1x128xf32, #tpu.memory_space<hbm>> -> memref<32x128xf32, #tpu.memory_space<hbm>>
    %dma_wait3A_75 = arith.constant 0 : i32
    %dma_wait3A_76 = arith.constant 0 : i32
    %dma_wait3A_77 = tpu.memref_slice %arg4[%dma_wait3A_70, %shift_right_arithmetic3A_6, %dma_wait3A_75, %and3A_8, %dma_wait3A_76] : memref<3x2x2048x8x128xf32, #tpu.memory_space<hbm>> -> memref<1x1x32x1x128xf32, #tpu.memory_space<hbm>>
    %dma_wait3A_78 = tpu.memref_squeeze %dma_wait3A_77 : memref<1x1x32x1x128xf32, #tpu.memory_space<hbm>> -> memref<32x128xf32, #tpu.memory_space<hbm>>
    tpu.wait_dma2 semaphore(%arg30 : memref<!tpu.dma_semaphore, #tpu.memory_space<semaphore_mem>>) src(%arg16 : memref<32x128xf32, #tpu.memory_space<vmem>>) dst(%dma_wait3A_78 : memref<32x128xf32, #tpu.memory_space<hbm>>)
    %dma_wait3A_79 = arith.constant 1 : i32
    %dma_wait3A_80 = arith.constant 0 : i32
    %dma_wait3A_81 = arith.constant 0 : i32
    %dma_wait3A_82 = tpu.memref_slice %arg4[%dma_wait3A_79, %shift_right_arithmetic3A_6, %dma_wait3A_80, %and3A_8, %dma_wait3A_81] : memref<3x2x2048x8x128xf32, #tpu.memory_space<hbm>> -> memref<1x1x32x1x128xf32, #tpu.memory_space<hbm>>
    %dma_wait3A_83 = tpu.memref_squeeze %dma_wait3A_82 : memref<1x1x32x1x128xf32, #tpu.memory_space<hbm>> -> memref<32x128xf32, #tpu.memory_space<hbm>>
    %dma_wait3A_84 = arith.constant 0 : i32
    %dma_wait3A_85 = arith.constant 0 : i32
    %dma_wait3A_86 = tpu.memref_slice %arg4[%dma_wait3A_79, %shift_right_arithmetic3A_6, %dma_wait3A_84, %and3A_8, %dma_wait3A_85] : memref<3x2x2048x8x128xf32, #tpu.memory_space<hbm>> -> memref<1x1x32x1x128xf32, #tpu.memory_space<hbm>>
    %dma_wait3A_87 = tpu.memref_squeeze %dma_wait3A_86 : memref<1x1x32x1x128xf32, #tpu.memory_space<hbm>> -> memref<32x128xf32, #tpu.memory_space<hbm>>
    tpu.wait_dma2 semaphore(%arg30 : memref<!tpu.dma_semaphore, #tpu.memory_space<semaphore_mem>>) src(%arg17 : memref<32x128xf32, #tpu.memory_space<vmem>>) dst(%dma_wait3A_87 : memref<32x128xf32, #tpu.memory_space<hbm>>)
    %dma_wait3A_88 = arith.constant 2 : i32
    %dma_wait3A_89 = arith.constant 0 : i32
    %dma_wait3A_90 = arith.constant 0 : i32
    %dma_wait3A_91 = tpu.memref_slice %arg4[%dma_wait3A_88, %shift_right_arithmetic3A_6, %dma_wait3A_89, %and3A_8, %dma_wait3A_90] : memref<3x2x2048x8x128xf32, #tpu.memory_space<hbm>> -> memref<1x1x32x1x128xf32, #tpu.memory_space<hbm>>
    %dma_wait3A_92 = tpu.memref_squeeze %dma_wait3A_91 : memref<1x1x32x1x128xf32, #tpu.memory_space<hbm>> -> memref<32x128xf32, #tpu.memory_space<hbm>>
    %dma_wait3A_93 = arith.constant 0 : i32
    %dma_wait3A_94 = arith.constant 0 : i32
    %dma_wait3A_95 = tpu.memref_slice %arg4[%dma_wait3A_88, %shift_right_arithmetic3A_6, %dma_wait3A_93, %and3A_8, %dma_wait3A_94] : memref<3x2x2048x8x128xf32, #tpu.memory_space<hbm>> -> memref<1x1x32x1x128xf32, #tpu.memory_space<hbm>>
    %dma_wait3A_96 = tpu.memref_squeeze %dma_wait3A_95 : memref<1x1x32x1x128xf32, #tpu.memory_space<hbm>> -> memref<32x128xf32, #tpu.memory_space<hbm>>
    tpu.wait_dma2 semaphore(%arg30 : memref<!tpu.dma_semaphore, #tpu.memory_space<semaphore_mem>>) src(%arg18 : memref<32x128xf32, #tpu.memory_space<vmem>>) dst(%dma_wait3A_96 : memref<32x128xf32, #tpu.memory_space<hbm>>)
    %dma_wait3A_97 = arith.constant 0 : i32
    %dma_wait3A_98 = arith.constant 0 : i32
    %dma_wait3A_99 = arith.constant 0 : i32
    %dma_wait3A_100 = tpu.memref_slice %arg4[%dma_wait3A_97, %shift_right_arithmetic3A_6, %dma_wait3A_98, %and3A_8, %dma_wait3A_99] : memref<3x2x2048x8x128xf32, #tpu.memory_space<hbm>> -> memref<1x1x32x1x128xf32, #tpu.memory_space<hbm>>
    %dma_wait3A_101 = tpu.memref_squeeze %dma_wait3A_100 : memref<1x1x32x1x128xf32, #tpu.memory_space<hbm>> -> memref<32x128xf32, #tpu.memory_space<hbm>>
    %dma_wait3A_102 = arith.constant 0 : i32
    %dma_wait3A_103 = arith.constant 0 : i32
    %dma_wait3A_104 = tpu.memref_slice %arg4[%dma_wait3A_97, %shift_right_arithmetic3A_6, %dma_wait3A_102, %and3A_8, %dma_wait3A_103] : memref<3x2x2048x8x128xf32, #tpu.memory_space<hbm>> -> memref<1x1x32x1x128xf32, #tpu.memory_space<hbm>>
    %dma_wait3A_105 = tpu.memref_squeeze %dma_wait3A_104 : memref<1x1x32x1x128xf32, #tpu.memory_space<hbm>> -> memref<32x128xf32, #tpu.memory_space<hbm>>
    tpu.wait_dma2 semaphore(%arg31 : memref<!tpu.dma_semaphore, #tpu.memory_space<semaphore_mem>>) src(%arg19 : memref<32x128xf32, #tpu.memory_space<vmem>>) dst(%dma_wait3A_105 : memref<32x128xf32, #tpu.memory_space<hbm>>)
    %dma_wait3A_106 = arith.constant 1 : i32
    %dma_wait3A_107 = arith.constant 0 : i32
    %dma_wait3A_108 = arith.constant 0 : i32
    %dma_wait3A_109 = tpu.memref_slice %arg4[%dma_wait3A_106, %shift_right_arithmetic3A_6, %dma_wait3A_107, %and3A_8, %dma_wait3A_108] : memref<3x2x2048x8x128xf32, #tpu.memory_space<hbm>> -> memref<1x1x32x1x128xf32, #tpu.memory_space<hbm>>
    %dma_wait3A_110 = tpu.memref_squeeze %dma_wait3A_109 : memref<1x1x32x1x128xf32, #tpu.memory_space<hbm>> -> memref<32x128xf32, #tpu.memory_space<hbm>>
    %dma_wait3A_111 = arith.constant 0 : i32
    %dma_wait3A_112 = arith.constant 0 : i32
    %dma_wait3A_113 = tpu.memref_slice %arg4[%dma_wait3A_106, %shift_right_arithmetic3A_6, %dma_wait3A_111, %and3A_8, %dma_wait3A_112] : memref<3x2x2048x8x128xf32, #tpu.memory_space<hbm>> -> memref<1x1x32x1x128xf32, #tpu.memory_space<hbm>>
    %dma_wait3A_114 = tpu.memref_squeeze %dma_wait3A_113 : memref<1x1x32x1x128xf32, #tpu.memory_space<hbm>> -> memref<32x128xf32, #tpu.memory_space<hbm>>
    tpu.wait_dma2 semaphore(%arg31 : memref<!tpu.dma_semaphore, #tpu.memory_space<semaphore_mem>>) src(%arg20 : memref<32x128xf32, #tpu.memory_space<vmem>>) dst(%dma_wait3A_114 : memref<32x128xf32, #tpu.memory_space<hbm>>)
    %dma_wait3A_115 = arith.constant 2 : i32
    %dma_wait3A_116 = arith.constant 0 : i32
    %dma_wait3A_117 = arith.constant 0 : i32
    %dma_wait3A_118 = tpu.memref_slice %arg4[%dma_wait3A_115, %shift_right_arithmetic3A_6, %dma_wait3A_116, %and3A_8, %dma_wait3A_117] : memref<3x2x2048x8x128xf32, #tpu.memory_space<hbm>> -> memref<1x1x32x1x128xf32, #tpu.memory_space<hbm>>
    %dma_wait3A_119 = tpu.memref_squeeze %dma_wait3A_118 : memref<1x1x32x1x128xf32, #tpu.memory_space<hbm>> -> memref<32x128xf32, #tpu.memory_space<hbm>>
    %dma_wait3A_120 = arith.constant 0 : i32
    %dma_wait3A_121 = arith.constant 0 : i32
    %dma_wait3A_122 = tpu.memref_slice %arg4[%dma_wait3A_115, %shift_right_arithmetic3A_6, %dma_wait3A_120, %and3A_8, %dma_wait3A_121] : memref<3x2x2048x8x128xf32, #tpu.memory_space<hbm>> -> memref<1x1x32x1x128xf32, #tpu.memory_space<hbm>>
    %dma_wait3A_123 = tpu.memref_squeeze %dma_wait3A_122 : memref<1x1x32x1x128xf32, #tpu.memory_space<hbm>> -> memref<32x128xf32, #tpu.memory_space<hbm>>
    tpu.wait_dma2 semaphore(%arg31 : memref<!tpu.dma_semaphore, #tpu.memory_space<semaphore_mem>>) src(%arg21 : memref<32x128xf32, #tpu.memory_space<vmem>>) dst(%dma_wait3A_123 : memref<32x128xf32, #tpu.memory_space<hbm>>)
    %dma_wait3A_124 = arith.constant 0 : i32
    %dma_wait3A_125 = arith.constant 0 : i32
    %dma_wait3A_126 = arith.constant 0 : i32
    %dma_wait3A_127 = tpu.memref_slice %arg4[%dma_wait3A_124, %shift_right_arithmetic3A_6, %dma_wait3A_125, %and3A_8, %dma_wait3A_126] : memref<3x2x2048x8x128xf32, #tpu.memory_space<hbm>> -> memref<1x1x32x1x128xf32, #tpu.memory_space<hbm>>
    %dma_wait3A_128 = tpu.memref_squeeze %dma_wait3A_127 : memref<1x1x32x1x128xf32, #tpu.memory_space<hbm>> -> memref<32x128xf32, #tpu.memory_space<hbm>>
    %dma_wait3A_129 = arith.constant 0 : i32
    %dma_wait3A_130 = arith.constant 0 : i32
    %dma_wait3A_131 = tpu.memref_slice %arg4[%dma_wait3A_124, %shift_right_arithmetic3A_6, %dma_wait3A_129, %and3A_8, %dma_wait3A_130] : memref<3x2x2048x8x128xf32, #tpu.memory_space<hbm>> -> memref<1x1x32x1x128xf32, #tpu.memory_space<hbm>>
    %dma_wait3A_132 = tpu.memref_squeeze %dma_wait3A_131 : memref<1x1x32x1x128xf32, #tpu.memory_space<hbm>> -> memref<32x128xf32, #tpu.memory_space<hbm>>
    tpu.wait_dma2 semaphore(%arg31 : memref<!tpu.dma_semaphore, #tpu.memory_space<semaphore_mem>>) src(%arg22 : memref<32x128xf32, #tpu.memory_space<vmem>>) dst(%dma_wait3A_132 : memref<32x128xf32, #tpu.memory_space<hbm>>)
    %dma_wait3A_133 = arith.constant 1 : i32
    %dma_wait3A_134 = arith.constant 0 : i32
    %dma_wait3A_135 = arith.constant 0 : i32
    %dma_wait3A_136 = tpu.memref_slice %arg4[%dma_wait3A_133, %shift_right_arithmetic3A_6, %dma_wait3A_134, %and3A_8, %dma_wait3A_135] : memref<3x2x2048x8x128xf32, #tpu.memory_space<hbm>> -> memref<1x1x32x1x128xf32, #tpu.memory_space<hbm>>
    %dma_wait3A_137 = tpu.memref_squeeze %dma_wait3A_136 : memref<1x1x32x1x128xf32, #tpu.memory_space<hbm>> -> memref<32x128xf32, #tpu.memory_space<hbm>>
    %dma_wait3A_138 = arith.constant 0 : i32
    %dma_wait3A_139 = arith.constant 0 : i32
    %dma_wait3A_140 = tpu.memref_slice %arg4[%dma_wait3A_133, %shift_right_arithmetic3A_6, %dma_wait3A_138, %and3A_8, %dma_wait3A_139] : memref<3x2x2048x8x128xf32, #tpu.memory_space<hbm>> -> memref<1x1x32x1x128xf32, #tpu.memory_space<hbm>>
    %dma_wait3A_141 = tpu.memref_squeeze %dma_wait3A_140 : memref<1x1x32x1x128xf32, #tpu.memory_space<hbm>> -> memref<32x128xf32, #tpu.memory_space<hbm>>
    tpu.wait_dma2 semaphore(%arg31 : memref<!tpu.dma_semaphore, #tpu.memory_space<semaphore_mem>>) src(%arg23 : memref<32x128xf32, #tpu.memory_space<vmem>>) dst(%dma_wait3A_141 : memref<32x128xf32, #tpu.memory_space<hbm>>)
    %dma_wait3A_142 = arith.constant 2 : i32
    %dma_wait3A_143 = arith.constant 0 : i32
    %dma_wait3A_144 = arith.constant 0 : i32
    %dma_wait3A_145 = tpu.memref_slice %arg4[%dma_wait3A_142, %shift_right_arithmetic3A_6, %dma_wait3A_143, %and3A_8, %dma_wait3A_144] : memref<3x2x2048x8x128xf32, #tpu.memory_space<hbm>> -> memref<1x1x32x1x128xf32, #tpu.memory_space<hbm>>
    %dma_wait3A_146 = tpu.memref_squeeze %dma_wait3A_145 : memref<1x1x32x1x128xf32, #tpu.memory_space<hbm>> -> memref<32x128xf32, #tpu.memory_space<hbm>>
    %dma_wait3A_147 = arith.constant 0 : i32
    %dma_wait3A_148 = arith.constant 0 : i32
    %dma_wait3A_149 = tpu.memref_slice %arg4[%dma_wait3A_142, %shift_right_arithmetic3A_6, %dma_wait3A_147, %and3A_8, %dma_wait3A_148] : memref<3x2x2048x8x128xf32, #tpu.memory_space<hbm>> -> memref<1x1x32x1x128xf32, #tpu.memory_space<hbm>>
    %dma_wait3A_150 = tpu.memref_squeeze %dma_wait3A_149 : memref<1x1x32x1x128xf32, #tpu.memory_space<hbm>> -> memref<32x128xf32, #tpu.memory_space<hbm>>
    tpu.wait_dma2 semaphore(%arg31 : memref<!tpu.dma_semaphore, #tpu.memory_space<semaphore_mem>>) src(%arg24 : memref<32x128xf32, #tpu.memory_space<vmem>>) dst(%dma_wait3A_150 : memref<32x128xf32, #tpu.memory_space<hbm>>)
    %eq3A = arith.constant 0 : i32
    %eq3A_151 = arith.cmpi eq, %and3A_2, %eq3A : i32
    %convert_element_type3A = arith.extui %eq3A_151 : i1 to i32
    %cond3A = arith.constant 0 : i32
    %cond3A_152 = arith.cmpi ne, %convert_element_type3A, %cond3A : i32
    scf.if %cond3A_152 {
      %parallel_loop3A_153 = arith.constant 0 : i32
      %parallel_loop3A_154 = arith.constant 4096 : i32
      %parallel_loop3A_155 = arith.constant 16 : i32
      scf.for %parallel_loop3A_158 = %parallel_loop3A_153 to %parallel_loop3A_154 step %parallel_loop3A_155  : i32 {
        %parallel_loop3A_159 = arith.constant 7 : i32
        %parallel_loop3A_160 = arith.shrsi %parallel_loop3A_158, %parallel_loop3A_159 : i32
        %parallel_loop3A_161 = arith.constant 127 : i32
        %parallel_loop3A_162 = arith.andi %parallel_loop3A_158, %parallel_loop3A_161 : i32
        %parallel_loop3A_163 = arith.index_cast %parallel_loop3A_160 : i32 to index
        %parallel_loop3A_164 = arith.index_cast %parallel_loop3A_162 : i32 to index
        %parallel_loop3A_165 = tpu.vector_load %arg13[%parallel_loop3A_163, %parallel_loop3A_164] {strides = array<i32>} : memref<32x128xf32, #tpu.memory_space<vmem>>, vector<16xf32>,
        tpu.vector_store %arg13[%parallel_loop3A_163, %parallel_loop3A_164], %broadcast_in_dim3A_14 {strides = array<i32>} : memref<32x128xf32, #tpu.memory_space<vmem>>, vector<16xf32>,
        %parallel_loop3A_166 = arith.constant 7 : i32
        %parallel_loop3A_167 = arith.shrsi %parallel_loop3A_158, %parallel_loop3A_166 : i32
        %parallel_loop3A_168 = arith.constant 127 : i32
        %parallel_loop3A_169 = arith.andi %parallel_loop3A_158, %parallel_loop3A_168 : i32
        %parallel_loop3A_170 = arith.index_cast %parallel_loop3A_167 : i32 to index
        %parallel_loop3A_171 = arith.index_cast %parallel_loop3A_169 : i32 to index
        %parallel_loop3A_172 = tpu.vector_load %arg14[%parallel_loop3A_170, %parallel_loop3A_171] {strides = array<i32>} : memref<32x128xf32, #tpu.memory_space<vmem>>, vector<16xf32>,
        tpu.vector_store %arg14[%parallel_loop3A_170, %parallel_loop3A_171], %broadcast_in_dim3A_14 {strides = array<i32>} : memref<32x128xf32, #tpu.memory_space<vmem>>, vector<16xf32>,
        %parallel_loop3A_173 = arith.constant 7 : i32
        %parallel_loop3A_174 = arith.shrsi %parallel_loop3A_158, %parallel_loop3A_173 : i32
        %parallel_loop3A_175 = arith.constant 127 : i32
        %parallel_loop3A_176 = arith.andi %parallel_loop3A_158, %parallel_loop3A_175 : i32
        %parallel_loop3A_177 = arith.index_cast %parallel_loop3A_174 : i32 to index
        %parallel_loop3A_178 = arith.index_cast %parallel_loop3A_176 : i32 to index
        %parallel_loop3A_179 = tpu.vector_load %arg15[%parallel_loop3A_177, %parallel_loop3A_178] {strides = array<i32>} : memref<32x128xf32, #tpu.memory_space<vmem>>, vector<16xf32>,
        tpu.vector_store %arg15[%parallel_loop3A_177, %parallel_loop3A_178], %broadcast_in_dim3A_14 {strides = array<i32>} : memref<32x128xf32, #tpu.memory_space<vmem>>, vector<16xf32>,
      } {sc.loop_unroll_factor = 1 : i64, sc.parallel_access}
      %run_scoped3A = arith.constant 0 : i32
      "tpu.region"() ({
        %run_scoped3A_158 = tpu.sem_alloc : memref<!tpu.dma_semaphore, #tpu.memory_space<semaphore_mem>>
        %dma_start3A_159 = arith.constant 0 : i32
        %dma_start3A_160 = arith.constant 0 : i32
        %dma_start3A_161 = tpu.memref_slice %arg4[%run_scoped3A, %shift_right_arithmetic3A_6, %dma_start3A_159, %and3A_8, %dma_start3A_160] : memref<3x2x2048x8x128xf32, #tpu.memory_space<hbm>> -> memref<1x1x32x1x128xf32, #tpu.memory_space<hbm>>
        %dma_start3A_162 = tpu.memref_squeeze %dma_start3A_161 : memref<1x1x32x1x128xf32, #tpu.memory_space<hbm>> -> memref<32x128xf32, #tpu.memory_space<hbm>>
        %dma_start3A_163 = arith.constant 0 : i32
        %dma_start3A_164 = arith.constant 0 : i32
        %dma_start3A_165 = tpu.memref_slice %arg4[%run_scoped3A, %shift_right_arithmetic3A_6, %dma_start3A_163, %and3A_8, %dma_start3A_164] : memref<3x2x2048x8x128xf32, #tpu.memory_space<hbm>> -> memref<1x1x32x1x128xf32, #tpu.memory_space<hbm>>
        %dma_start3A_166 = tpu.memref_squeeze %dma_start3A_165 : memref<1x1x32x1x128xf32, #tpu.memory_space<hbm>> -> memref<32x128xf32, #tpu.memory_space<hbm>>
        tpu.enqueue_dma source(%arg13 : memref<32x128xf32, #tpu.memory_space<vmem>>) target(%dma_start3A_166 : memref<32x128xf32, #tpu.memory_space<hbm>>) target_semaphore(%run_scoped3A_158 : memref<!tpu.dma_semaphore, #tpu.memory_space<semaphore_mem>>)
        %dma_wait3A_167 = arith.constant 0 : i32
        %dma_wait3A_168 = arith.constant 0 : i32
        %dma_wait3A_169 = tpu.memref_slice %arg4[%run_scoped3A, %shift_right_arithmetic3A_6, %dma_wait3A_167, %and3A_8, %dma_wait3A_168] : memref<3x2x2048x8x128xf32, #tpu.memory_space<hbm>> -> memref<1x1x32x1x128xf32, #tpu.memory_space<hbm>>
        %dma_wait3A_170 = tpu.memref_squeeze %dma_wait3A_169 : memref<1x1x32x1x128xf32, #tpu.memory_space<hbm>> -> memref<32x128xf32, #tpu.memory_space<hbm>>
        %dma_wait3A_171 = arith.constant 0 : i32
        %dma_wait3A_172 = arith.constant 0 : i32
        %dma_wait3A_173 = tpu.memref_slice %arg4[%run_scoped3A, %shift_right_arithmetic3A_6, %dma_wait3A_171, %and3A_8, %dma_wait3A_172] : memref<3x2x2048x8x128xf32, #tpu.memory_space<hbm>> -> memref<1x1x32x1x128xf32, #tpu.memory_space<hbm>>
        %dma_wait3A_174 = tpu.memref_squeeze %dma_wait3A_173 : memref<1x1x32x1x128xf32, #tpu.memory_space<hbm>> -> memref<32x128xf32, #tpu.memory_space<hbm>>
        tpu.wait_dma2 semaphore(%run_scoped3A_158 : memref<!tpu.dma_semaphore, #tpu.memory_space<semaphore_mem>>) src(%arg13 : memref<32x128xf32, #tpu.memory_space<vmem>>) dst(%dma_wait3A_174 : memref<32x128xf32, #tpu.memory_space<hbm>>)
        tpu.yield
      }) : () -> ()
      %run_scoped3A_156 = arith.constant 1 : i32
      "tpu.region"() ({
        %run_scoped3A_158 = tpu.sem_alloc : memref<!tpu.dma_semaphore, #tpu.memory_space<semaphore_mem>>
        %dma_start3A_159 = arith.constant 0 : i32
        %dma_start3A_160 = arith.constant 0 : i32
        %dma_start3A_161 = tpu.memref_slice %arg4[%run_scoped3A_156, %shift_right_arithmetic3A_6, %dma_start3A_159, %and3A_8, %dma_start3A_160] : memref<3x2x2048x8x128xf32, #tpu.memory_space<hbm>> -> memref<1x1x32x1x128xf32, #tpu.memory_space<hbm>>
        %dma_start3A_162 = tpu.memref_squeeze %dma_start3A_161 : memref<1x1x32x1x128xf32, #tpu.memory_space<hbm>> -> memref<32x128xf32, #tpu.memory_space<hbm>>
        %dma_start3A_163 = arith.constant 0 : i32
        %dma_start3A_164 = arith.constant 0 : i32
        %dma_start3A_165 = tpu.memref_slice %arg4[%run_scoped3A_156, %shift_right_arithmetic3A_6, %dma_start3A_163, %and3A_8, %dma_start3A_164] : memref<3x2x2048x8x128xf32, #tpu.memory_space<hbm>> -> memref<1x1x32x1x128xf32, #tpu.memory_space<hbm>>
        %dma_start3A_166 = tpu.memref_squeeze %dma_start3A_165 : memref<1x1x32x1x128xf32, #tpu.memory_space<hbm>> -> memref<32x128xf32, #tpu.memory_space<hbm>>
        tpu.enqueue_dma source(%arg14 : memref<32x128xf32, #tpu.memory_space<vmem>>) target(%dma_start3A_166 : memref<32x128xf32, #tpu.memory_space<hbm>>) target_semaphore(%run_scoped3A_158 : memref<!tpu.dma_semaphore, #tpu.memory_space<semaphore_mem>>)
        %dma_wait3A_167 = arith.constant 0 : i32
        %dma_wait3A_168 = arith.constant 0 : i32
        %dma_wait3A_169 = tpu.memref_slice %arg4[%run_scoped3A_156, %shift_right_arithmetic3A_6, %dma_wait3A_167, %and3A_8, %dma_wait3A_168] : memref<3x2x2048x8x128xf32, #tpu.memory_space<hbm>> -> memref<1x1x32x1x128xf32, #tpu.memory_space<hbm>>
        %dma_wait3A_170 = tpu.memref_squeeze %dma_wait3A_169 : memref<1x1x32x1x128xf32, #tpu.memory_space<hbm>> -> memref<32x128xf32, #tpu.memory_space<hbm>>
        %dma_wait3A_171 = arith.constant 0 : i32
        %dma_wait3A_172 = arith.constant 0 : i32
        %dma_wait3A_173 = tpu.memref_slice %arg4[%run_scoped3A_156, %shift_right_arithmetic3A_6, %dma_wait3A_171, %and3A_8, %dma_wait3A_172] : memref<3x2x2048x8x128xf32, #tpu.memory_space<hbm>> -> memref<1x1x32x1x128xf32, #tpu.memory_space<hbm>>
        %dma_wait3A_174 = tpu.memref_squeeze %dma_wait3A_173 : memref<1x1x32x1x128xf32, #tpu.memory_space<hbm>> -> memref<32x128xf32, #tpu.memory_space<hbm>>
        tpu.wait_dma2 semaphore(%run_scoped3A_158 : memref<!tpu.dma_semaphore, #tpu.memory_space<semaphore_mem>>) src(%arg14 : memref<32x128xf32, #tpu.memory_space<vmem>>) dst(%dma_wait3A_174 : memref<32x128xf32, #tpu.memory_space<hbm>>)
        tpu.yield
      }) : () -> ()
      %run_scoped3A_157 = arith.constant 2 : i32
      "tpu.region"() ({
        %run_scoped3A_158 = tpu.sem_alloc : memref<!tpu.dma_semaphore, #tpu.memory_space<semaphore_mem>>
        %dma_start3A_159 = arith.constant 0 : i32
        %dma_start3A_160 = arith.constant 0 : i32
        %dma_start3A_161 = tpu.memref_slice %arg4[%run_scoped3A_157, %shift_right_arithmetic3A_6, %dma_start3A_159, %and3A_8, %dma_start3A_160] : memref<3x2x2048x8x128xf32, #tpu.memory_space<hbm>> -> memref<1x1x32x1x128xf32, #tpu.memory_space<hbm>>
        %dma_start3A_162 = tpu.memref_squeeze %dma_start3A_161 : memref<1x1x32x1x128xf32, #tpu.memory_space<hbm>> -> memref<32x128xf32, #tpu.memory_space<hbm>>
        %dma_start3A_163 = arith.constant 0 : i32
        %dma_start3A_164 = arith.constant 0 : i32
        %dma_start3A_165 = tpu.memref_slice %arg4[%run_scoped3A_157, %shift_right_arithmetic3A_6, %dma_start3A_163, %and3A_8, %dma_start3A_164] : memref<3x2x2048x8x128xf32, #tpu.memory_space<hbm>> -> memref<1x1x32x1x128xf32, #tpu.memory_space<hbm>>
        %dma_start3A_166 = tpu.memref_squeeze %dma_start3A_165 : memref<1x1x32x1x128xf32, #tpu.memory_space<hbm>> -> memref<32x128xf32, #tpu.memory_space<hbm>>
        tpu.enqueue_dma source(%arg15 : memref<32x128xf32, #tpu.memory_space<vmem>>) target(%dma_start3A_166 : memref<32x128xf32, #tpu.memory_space<hbm>>) target_semaphore(%run_scoped3A_158 : memref<!tpu.dma_semaphore, #tpu.memory_space<semaphore_mem>>)
        %dma_wait3A_167 = arith.constant 0 : i32
        %dma_wait3A_168 = arith.constant 0 : i32
        %dma_wait3A_169 = tpu.memref_slice %arg4[%run_scoped3A_157, %shift_right_arithmetic3A_6, %dma_wait3A_167, %and3A_8, %dma_wait3A_168] : memref<3x2x2048x8x128xf32, #tpu.memory_space<hbm>> -> memref<1x1x32x1x128xf32, #tpu.memory_space<hbm>>
        %dma_wait3A_170 = tpu.memref_squeeze %dma_wait3A_169 : memref<1x1x32x1x128xf32, #tpu.memory_space<hbm>> -> memref<32x128xf32, #tpu.memory_space<hbm>>
        %dma_wait3A_171 = arith.constant 0 : i32
        %dma_wait3A_172 = arith.constant 0 : i32
        %dma_wait3A_173 = tpu.memref_slice %arg4[%run_scoped3A_157, %shift_right_arithmetic3A_6, %dma_wait3A_171, %and3A_8, %dma_wait3A_172] : memref<3x2x2048x8x128xf32, #tpu.memory_space<hbm>> -> memref<1x1x32x1x128xf32, #tpu.memory_space<hbm>>
        %dma_wait3A_174 = tpu.memref_squeeze %dma_wait3A_173 : memref<1x1x32x1x128xf32, #tpu.memory_space<hbm>> -> memref<32x128xf32, #tpu.memory_space<hbm>>
        tpu.wait_dma2 semaphore(%run_scoped3A_158 : memref<!tpu.dma_semaphore, #tpu.memory_space<semaphore_mem>>) src(%arg15 : memref<32x128xf32, #tpu.memory_space<vmem>>) dst(%dma_wait3A_174 : memref<32x128xf32, #tpu.memory_space<hbm>>)
        tpu.yield
      }) : () -> ()
    } else {
    }
    return
  }
}

</mosaic_0001>

<sc_bundles>
// kernel: kernel.3.cloned.1.call-start
scs
__scs_entry_jumppad:
0x0: {  	(pc) =	sbr.rel $0x88, $3  }
0x1: {  	(tag) =	ssettag $0x0;
	lr =	simm.s32 $0x1  }
0x2: {  	[smem:$0x3F9F] =	sst lr;
	_ =	strace $0xD0000000  }
0x3: {  	_ = 	snop  }
0x4: {  	_ = 	snop  }
0x5: {  	_ = 	snop  }
0x6: {  	_ = 	snop  }
0x7: {  	_ = 	snop  }
__scs_overlays_trampoline_lowered:
0x8: {  	[smem:$0x3FAE] =	sst s0  }
0x9: {  	[smem:$0x3FAF] =	sst s1  }
0xa: {  	[smem:$0x3FB0] =	sst s2  }
0xb: {  	[smem:$0x3FB1] =	sst s3  }
0xc: {  	[smem:$0x3FB2] =	sst s4  }
0xd: {  	[smem:$0x3FB3] =	sst s5  }
0xe: {  	[smem:$0x3FB4] =	sst s6  }
0xf: {  	[smem:$0x3FB5] =	sst s7  }
0x10: {  	[smem:$0x3FB6] =	sst s8  }
0x11: {  	[smem:$0x3FB7] =	sst s9;
	s0 =	simm.s32 @!p0 $0x0  }
0x12: {  	s1 =	sld [smem:$0x3F9D];
	s0 =	simm.s32 @p0 $0x1  }
0x13: {  	[smem:$0x3FB8] =	sst s0;
	s0 =	simm.s32 @!p1 $0x0  }
0x14: {  	s2 =	sld [smem:$0x3F9C];
	s0 =	simm.s32 @p1 $0x1  }
0x15: {  	[smem:$0x3FB9] =	sst s0;
	s0 =	simm.s32 @!p2 $0x0  }
0x16: {  	s3 =	sld [smem:$0x3FDB];
	s0 =	simm.s32 @p2 $0x1  }
0x17: {  	s4 =	simm.s32 $0x1BF5;
	[smem:$0x3FBB] =	sst s0  }
0x18: {  	s0 =	sld [smem:$0x3F9E];
	_ =	swait.ge [sflag:s4], $0x0  }
0x19: {  	s7 =	sld [smem:$0x3F9F]  }
0x1a: {  	s8 =	sadd.s32 $0xFFFFE003, lr  }
0x1b: {  	s9 =	sadd.s32 $0xFFFFFEF7, lr;
	s5 =	simm.s32 $0xFFFFFFFF;
	p2 =	slt.u32 s8, $0xFFFFF086  }
0x1c: {  	p1 =	slt.u32 s9, $0xF7A;
	s5 =	simm.s32 @!p2 $0x0  }
0x1d: {  	s5 =	simm.s32 @p1 $0x1;
	p0 =	seq.s32 s7, s2  }
0x1e: {  	s7 =	smul.u32 @!p0 $0xF7A, s2;
	p2 =	seq.s32 @!p0 s5, $0x0  }
0x1f: {  	s9 =	smul.u32 $0xF7A, s1;
	s8 =	simm.s32 @!p0 $0x1BF5;
	p2 =	por !p2, p0  }
0x20: {  	[sflag:s8] =	ssyncset.s32 @!p0 $0xFFFFF086;
	s6 =	sadd.s32 @!p0 s3, s7;
	s7 =	simm.s32 @!p0 $0x108  }
0x21: {  	s3 =	sadd.s32 s3, s9;
	s6 =	sadd.s32 @!p0 $0x88, s6;
	s7 =	simm.s32 @p2 $0x1082  }
0x22: {  	[simem:s7], [sflag:s8] =	dma.local @!p0 [hbm:s6], $0xF7A  }
0x23: {  	s9 =	sor.u32 $0xD0000000, s2;
	s6 =	simm.s32 $0x108;
	_ =	swait.ge @!p0 [sflag:s8], $0x0  }
0x24: {  	s3 =	sadd.s32 $0x88, s3;
	s6 =	simm.s32 @!p1 $0x1082;
	[sflag:s4] =	ssyncset.s32 $0xFFFFF086  }
0x25: {  	[simem:s6], [sflag:s4] =	dma.local [hbm:s3], $0xF7A  }
0x26: {  	[smem:$0x3F9F] =	sst s1;
	(tag) =	ssettag s2;
	_ =	strace s9  }
0x27: {  	s1 =	sld [smem:$0x3FAF]  }
0x28: {  	s2 =	sld [smem:$0x3FB0]  }
0x29: {  	s4 =	sld [smem:$0x3FB2]  }
0x2a: {  	p0 =	seq.s32 s5, $0x0;
	s5 =	sld [smem:$0x3FB3]  }
0x2b: {  	s6 =	sld [smem:$0x3FB4]  }
0x2c: {  	s7 =	sld [smem:$0x3FB5]  }
0x2d: {  	s3 =	simm.s32 $0x108;
	s8 =	sld [smem:$0x3FB6]  }
0x2e: {  	s3 =	simm.s32 @!p0 $0x1082;
	s9 =	sld [smem:$0x3FB7]  }
0x2f: {  	lr =	sadd.s32 s0, s3;
	s0 =	sld [smem:$0x3FAE]  }
0x30: {  	s3 =	sld [smem:$0x3FB1]  }
0x31: {  	[smem:$0x3FBA] =	sst s10  }
0x32: {  	s10 =	sld [smem:$0x3FB8];
	_ =	sdelay $0x3  }
0x33: {  	p0 =	seq.s32 s10, $0x1;
	s10 =	sld [smem:$0x3FBA];
	_ =	sdelay $0x3  }
0x34: {  	[smem:$0x3FBA] =	sst s10  }
0x35: {  	s10 =	sld [smem:$0x3FB9];
	_ =	sdelay $0x3  }
0x36: {  	p1 =	seq.s32 s10, $0x1;
	s10 =	sld [smem:$0x3FBA];
	_ =	sdelay $0x3  }
0x37: {  	[smem:$0x3FBA] =	sst s10  }
0x38: {  	s10 =	sld [smem:$0x3FBB]  }
0x39: {  	_ = 	snop;
	(pc) =	sbr.ind lr, $3  }
0x3a: {  	_ = 	snop  }
0x3b: {  	_ = 	snop  }
0x3c: {  	p2 =	seq.s32 s10, $0x1;
	s10 =	sld [smem:$0x3FBA]  }
0x3d: {  	_ =	shalt  }
0x3e: {  	_ =	shalt  }
0x3f: {  	_ =	shalt  }
0x40: {  	_ =	shalt  }
0x41: {  	_ =	shalt  }
0x42: {  	_ =	shalt  }
0x43: {  	_ =	shalt  }
0x44: {  	_ =	shalt  }
0x45: {  	_ =	shalt  }
0x46: {  	_ =	shalt  }
0x47: {  	_ =	shalt  }
0x48: {  	_ =	shalt  }
0x49: {  	_ =	shalt  }
0x4a: {  	_ =	shalt  }
0x4b: {  	_ =	shalt  }
0x4c: {  	_ =	shalt  }
0x4d: {  	_ =	shalt  }
0x4e: {  	_ =	shalt  }
0x4f: {  	_ =	shalt  }
0x50: {  	_ =	shalt  }
0x51: {  	_ =	shalt  }
0x52: {  	_ =	shalt  }
0x53: {  	_ =	shalt  }
0x54: {  	_ =	shalt  }
0x55: {  	_ =	shalt  }
0x56: {  	_ =	shalt  }
0x57: {  	_ =	shalt  }
0x58: {  	_ =	shalt  }
0x59: {  	_ =	shalt  }
0x5a: {  	_ =	shalt  }
0x5b: {  	_ =	shalt  }
0x5c: {  	_ =	shalt  }
0x5d: {  	_ =	shalt  }
0x5e: {  	_ =	shalt  }
0x5f: {  	_ =	shalt  }
0x60: {  	_ =	shalt  }
0x61: {  	_ =	shalt  }
0x62: {  	_ =	shalt  }
0x63: {  	_ =	shalt  }
0x64: {  	_ =	shalt  }
0x65: {  	_ =	shalt  }
0x66: {  	_ =	shalt  }
0x67: {  	_ =	shalt  }
0x68: {  	_ =	shalt  }
0x69: {  	_ =	shalt  }
0x6a: {  	_ =	shalt  }
0x6b: {  	_ =	shalt  }
0x6c: {  	_ =	shalt  }
0x6d: {  	_ =	shalt  }
0x6e: {  	_ =	shalt  }
0x6f: {  	_ =	shalt  }
0x70: {  	_ =	shalt  }
0x71: {  	_ =	shalt  }
0x72: {  	_ =	shalt  }
0x73: {  	_ =	shalt  }
0x74: {  	_ =	shalt  }
0x75: {  	_ =	shalt  }
0x76: {  	_ =	shalt  }
0x77: {  	_ =	shalt  }
0x78: {  	_ =	shalt  }
0x79: {  	_ =	shalt  }
0x7a: {  	_ =	shalt  }
0x7b: {  	_ =	shalt  }
0x7c: {  	_ =	shalt  }
0x7d: {  	_ =	shalt  }
0x7e: {  	_ =	shalt  }
0x7f: {  	_ =	shalt  }
0x80: {  	_ =	shalt  }
0x81: {  	_ =	shalt  }
0x82: {  	_ =	shalt  }
0x83: {  	_ =	shalt  }
0x84: {  	_ =	shalt  }
0x85: {  	_ =	shalt  }
0x86: {  	_ =	shalt  }
0x87: {  	_ =	shalt  }
.Lfunc_end0:
.L_simem_size_0:
called_computation_lowered:
.L_overlay_start_0:
0x88: {  	s2 =	sld [smem:$0x3FD9]  }
0x89: {  	s3 =	sld [smem:$0x3FFE];
	_ =	sdelay $0x1  }
0x8a: {  	s1 =	srdreg.scid  }
0x8b: {  	s0 =	sand.u32 $0x1, s1  }
0x8c: {  	s17 =	sshll.u32 s0, $0xA;
	s2 =	sadd.s32 s3, s2  }
0x8d: {  	s2 =	sadd.s32 s2, s17  }
0x8e: {  	[smem:$0x3FC6] =	sst s2  }
0x8f: {  	_ = 	snop  }
0x90: {  	s2 =	sld [smem:$0x3FC9]  }
0x91: {  	s18 =	sld [smem:$0x3FD0];
	(tm) =	ssettm $0x1  }
0x92: {  	s4 =	sld [smem:$0x3FFB];
	_ =	sdelay $0x3  }
0x93: {  	_ =	strace s4  }
0x94: {  	s4 =	sld [smem:$0x3FFC];
	_ =	sdelay $0x3  }
0x95: {  	_ =	strace s4  }
0x96: {  	s4 =	sld [smem:$0x3FFD];
	_ =	sdelay $0x3  }
0x97: {  	_ =	strace s4  }
0x98: {  	_ =	strace $0x8FFFFFFF  }
0x99: {  	s19 =	sld [smem:$0x3FDB];
	_ =	sdelay $0x1  }
0x9a: {  	s5 =	simm.s32 $_scs_section_size  }
0x9b: {  	s6 =	simm.s32 $_size__tile_overlayer_lowered;
	s7 =	simm.s32 $_tile_overlayer_lowered  }
0x9c: {  	s22 =	simm.s32 $0x1BFF;
	s21 =	sshll.u32 s7, $0x1;
	s4 =	sadd.s32 s5, s19  }
0x9d: {  	s8 =	simm.s32 $0x0;
	s20 =	sshll.u32 s6, $0x1;
	s6 =	sadd.s32 s21, s4  }
0x9e: {  	[timem:s8], [sflag:s22] =	dma.local [hbm:s6], s20  }
0x9f: {  	_ =	swait.ge [sflag:s22], s20  }
0xa0: {  	s5 =	ssub.s32 $0x0, s20;
	[sflag:s22] =	ssyncset.done $0x0  }
0xa1: {  	[sflag:s22] =	ssyncadd.s32 s5;
	_ =	sdelay $0x1  }
0xa2: {  	s23 =	simm.s32 $0x1B8B  }
0xa3: {  	_ =	swait.ge [sflag:s23], $0x1  }
0xa4: {  	[sflag:s23] =	ssyncset.done $0x0  }
0xa5: {  	s25 =	simm.s32 $0x1B8E;
	s24 =	sld [smem:$0x3FFE];
	[sflag:s23] =	ssyncadd.s32 $0xFFFFFFFF  }
0xa6: {  	s26 =	simm.s32 $execute0_lowered;
	[smem:$0x3FD2] =	sst s25  }
0xa7: {  	s6 =	sshll.u32 s26, $0x1;
	_ =	strace $0x80000046;
	[dreg:$0x1] =	wrdreg $0xFFFFFFFF  }
0xa8: {  	s28 =	simm.s32 $_size_execute0_lowered;
	s4 =	sadd.s32 s4, s6;
	[dreg:$0x0] =	wrdreg $0x0  }
0xa9: {  	s6 =	sshll.u32 s28, $0x1;
	[dreg:$0x2] =	wrdreg s4  }
0xaa: {  	[dreg:$0x3] =	wrdreg s6  }
0xab: {  	[dreg:$0x4] =	wrdreg $0xC0  }
0xac: {  	_ =	task [dreg:s8], $0x5FFFF  }
0xad: {  	[dreg:$0x1] =	wrdreg $0xFFFFFFFF  }
0xae: {  	[dreg:$0x0] =	wrdreg $0x60  }
0xaf: {  	[dreg:$0x2] =	wrdreg s2  }
0xb0: {  	[dreg:$0x3] =	wrdreg s24  }
0xb1: {  	[dreg:$0x4] =	wrdreg s18  }
0xb2: {  	[dreg:$0x5] =	wrdreg $0x9  }
0xb3: {  	_ =	task.clear_ibuf [dreg:s8], $0x6FFFF;
	_ =	strace $0x90000046  }
0xb4: {  	s29 =	simm.s32 $0x9;
	_ =	strace $0x80000048  }
0xb5: {  	_ =	swait.ge [sflag:s29], $0x1  }
0xb6: {  	[sflag:s29] =	ssyncadd.s32 $0xFFFFFFFF  }
0xb7: {  	_ =	strace $0x90000048  }
0xb8: {  	_ =	sfence  }
0xb9: {  	s30 =	sld [smem:$0x0];
	_ =	sdelay $0x2  }
0xba: {  	s31 =	sshll.u32 s1, $0xD;
	s1 =	sshrl.u32 s1, $0x2  }
0xbb: {  	s3 =	sand.u32 $0x4000, s31;
	s1 =	sadd.s32 s1, s30  }
0xbc: {  	s0 =	sor.u32 s3, s0;
	s1 =	sshll.u32 s1, $0x11  }
0xbd: {  	s0 =	sor.u32 s1, s0  }
0xbe: {  	s0 =	sadd.s32 $0x8F2B, s0  }
0xbf: {  	[sflag:s0] =	ssyncadd.remote.s32 $0x1  }
0xc0: {  	_ =	sfence.sel $0xFFFF  }
0xc1: {  	[dreg:$0x0] =	wrdreg $0xFFFFFFFF;
	(pc) =	sbr.abs _section_cstart, $3  }
0xc2: {  	[dreg:$0x1] =	wrdreg $0xFFFFFFFF  }
0xc3: {  	_ =	task.clear_ibuf [dreg:s8], $0x2FFFF;
	_ =	strace $0x9FFFFFFF  }
0xc4: {  	(tm) =	ssettm $0x7FFFFFFF  }
0xc5: {  	_ =	shalt  }
tec
execute0_lowered:
.L_overlay_start_1:
0x0: {  	(tag) =	ssettag $0x1  }
0x1: {  	v0 =	vimm.f32 $-1.700000000e+01  }
0x2: {  	vm15 =	vcmask $0x300;
	vm14 =	vcmask $0x704;
	vm13 =	vcmask $0xB08  }
0x3: {  	vm12 =	vcmask $0xF0C;
	vm11 =	vcmask $0x1310;
	vm10 =	vcmask $0x1714  }
0x4: {  	vm9 =	vcmask $0x1B18;
	vm8 =	vcmask $0x1F1C;
	vm7 =	vcmask $0x2320  }
0x5: {  	vm6 =	vcmask $0x2724;
	vm5 =	vcmask $0x2B28;
	vm4 =	vcmask $0x2F2C  }
0x6: {  	s0 =	rddreg [dreg:$0x0];
	vm3 =	vcmask $0x3330;
	vm1 =	vcmask $0x3734;
	vm2 =	vcmask $0x3B38  }
0x7: {  	s4 =	rddreg [dreg:$0x1];
	vm0 =	vcmask $0x3F04;
	v3 =	vimm.f32 $-1.000000000e+00;
	v4 =	vimm.f32 $1.500000000e+01  }
0x8: {  	s2 =	rddreg [dreg:$0x2];
	s3 =	simm.s32 $0x0;
	v5 =	vimm.f32 $3.100000000e+01;
	v0 =	vsel vm15, $0xC2000000, v0;
	v3 =	vsel vm15, $0xC1800000, v3  }
0x9: {  	s1 =	srdreg.scid;
	s7 =	stileid.u32;
	s19 =	simm.s32 $0x80;
	v4 =	vsel vm15, $0x0, v4;
	v5 =	vsel vm15, $0x41800000, v5;
	v0 =	vsel vm14, $0xC1F80000, v0  }
0xa: {  	s20 =	simm.s32 $0x400;
	s21 =	simm.s32 $0x1000;
	s28 =	simm.s32 $0x9000;
	v3 =	vsel vm14, $0xC1700000, v3;
	v4 =	vsel vm14, $0x3F800000, v4;
	v5 =	vsel vm14, $0x41880000, v5  }
0xb: {  	s29 =	simm.s32 $0xA000;
	s17 =	simm.s32 $0x1;
	[smem:$0x7FF] =	sst s3;
	v0 =	vsel vm13, $0xC1F00000, v0;
	v3 =	vsel vm13, $0xC1600000, v3;
	v4 =	vsel vm13, $0x40000000, v4  }
0xc: {  	s1 =	sand.u32 $0x1, s1;
	s4 =	sadd.s32 $0x400, s4;
	s5 =	sshll.u32 s7, $0x7;
	v5 =	vsel vm13, $0x41900000, v5;
	v0 =	vsel vm12, $0xC1E80000, v0;
	v3 =	vsel vm12, $0xC1500000, v3  }
0xd: {  	s7 =	sshll.u32 s7, $0x12;
	_ =	strace $0x80000047;
	[dreg:$0x4] =	wrdreg s4;
	v4 =	vsel vm12, $0x40400000, v4;
	v5 =	vsel vm12, $0x41980000, v5;
	v0 =	vsel vm11, $0xC1E00000, v0  }
0xe: {  	s22 =	ssub.s32 $0x2, s1;
	s6 =	sshll.u32 s1, $0x5;
	s8 =	sand.u32 $0x200000, s7;
	v3 =	vsel vm11, $0xC1400000, v3;
	v4 =	vsel vm11, $0x40800000, v4;
	v5 =	vsel vm11, $0x41A00000, v5  }
0xf: {  	s5 =	sand.u32 $0x380, s5;
	s10 =	sshll.u32 s1, $0x14;
	p0 =	sne.s32 s1, $0x0;
	v0 =	vsel vm10, $0xC1D80000, v0;
	v3 =	vsel vm10, $0xC1300000, v3;
	v4 =	vsel vm10, $0x40A00000, v4  }
0x10: {  	s23 =	smax.u32 s6, $0x1;
	s7 =	sor.u32 s8, s5;
	s11 =	sshrl.u32 s22, $0x1;
	v5 =	vsel vm10, $0x41A80000, v5;
	v0 =	vsel vm9, $0xC1D00000, v0;
	v3 =	vsel vm9, $0xC1200000, v3  }
0x11: {  	s8 =	sor.u32 s8, s10;
	s9 =	sshll.u32 s23, $0xF;
	s4 =	ssub.s32 s22, s11;
	v4 =	vsel vm9, $0x40C00000, v4;
	v5 =	vsel vm9, $0x41B00000, v5;
	v0 =	vsel vm8, $0xC1C80000, v0  }
0x12: {  	s5 =	sor.u32 s5, s8;
	s25 =	sor.u32 s10, s7;
	s30 =	sshrl.u32 s7, $0x3;
	v3 =	vsel vm8, $0xC1100000, v3;
	v4 =	vsel vm8, $0x40E00000, v4;
	v5 =	vsel vm8, $0x41B80000, v5  }
0x13: {  	s11 =	sor.u32 $0x20000, s7;
	s12 =	sor.u32 $0x28000, s7;
	s22 =	simm.s32 $0x2000;
	v0 =	vsel vm7, $0xC1C00000, v0;
	v3 =	vsel vm7, $0xC1000000, v3;
	v4 =	vsel vm7, $0x41000000, v4  }
0x14: {  	s23 =	simm.s32 $0x3000;
	s9 =	sor.u32 s9, s7;
	s5 =	sshrl.u32 s5, $0x3;
	v5 =	vsel vm7, $0x41C00000, v5;
	v0 =	vsel vm6, $0xC1B80000, v0;
	v3 =	vsel vm6, $0xC0E00000, v3  }
0x15: {  	s4 =	smax.u32 s4, $0x1;
	s9 =	sadd.s32 $0xFFFF8000, s9;
	s5 =	sadd.s32 s5, s0;
	v4 =	vsel vm6, $0x41100000, v4;
	v5 =	vsel vm6, $0x41C80000, v5;
	v0 =	vsel vm5, $0xC1B00000, v0  }
0x16: {  	[dreg:$0xb] =	wrdreg s4;
	s24 =	sshrl.u32 s9, $0x3;
	s5 =	sadd.s32 $0x1000, s5;
	v3 =	vsel vm5, $0xC0C00000, v3;
	v4 =	vsel vm5, $0x41200000, v4;
	v5 =	vsel vm5, $0x41D00000, v5  }
0x17: {  	s26 =	sshrl.u32 s25, $0x3;
	s8 =	sadd.s32 s0, s24;
	[dreg:$0x7] =	wrdreg s5;
	v0 =	vsel vm4, $0xC1A80000, v0;
	v3 =	vsel vm4, $0xC0A00000, v3;
	v4 =	vsel vm4, $0x41300000, v4  }
.Ltmp0:
0x18: {  	s5 =	sadd.s32 s2, s30;
	[dreg:$0x5] =	wrdreg s8;
	v5 =	vsel vm4, $0x41D80000, v5;
	v1 =	vsel vm3, $0xC1A00000, v0;
	v0 =	vlaneseq.u32;
	(pc) =	sbr.rel .LBB2_1-.Ltmp0, $4  }
0x19: {  	s25 =	simm.s32 $0x3;
	s8 =	sadd.s32 s0, s26;
	[dreg:$0x8] =	wrdreg s5;
	v3 =	vsel vm3, $0xC0800000, v3;
	v4 =	vsel vm3, $0x41400000, v4;
	v5 =	vsel vm3, $0x41E00000, v5  }
0x1a: {  	s4 =	simm.s32 $0x4;
	s31 =	sadd.s32 $0x80000, s5;
	[dreg:$0x6] =	wrdreg s8;
	v2 =	vsel vm1, $0xC1980000, v1;
	v1 =	vimm.f32 $0.0e+00;
	v3 =	vsel vm1, $0xC0400000, v3  }
0x1b: {  	s24 =	simm.s32 $0x2;
	s5 =	sadd.s32 $0x100000, s5;
	[dreg:$0x9] =	wrdreg s31;
	v4 =	vsel vm1, $0x41500000, v4;
	v5 =	vsel vm1, $0x41E80000, v5;
	v2 =	vsel vm2, $0xC1900000, v2  }
0x1c: {  	s26 =	simm.s32 $0x8000;
	[dreg:$0xa] =	wrdreg s5;
	s5 =	simm.s32 $0x0;
	v3 =	vsel vm2, $0xC0000000, v3;
	v4 =	vsel vm2, $0x41600000, v4;
	v5 =	vsel vm2, $0x41F00000, v5  }
.LBB2_22:
0x1d: {  	s5 =	sadd.s32 $0x1, s5;
	s1 =	rddreg [dreg:$0xb]  }
0x1e: {  	p1 =	sne.s32 s5, s1  }
.Ltmp1:
0x1f: {  	_ = 	snop;
	(pc) =	sbr.rel @!p1 .LBB2_23-.Ltmp1, $1  }
0x20: {  	_ =	sdelay $0x3  }
.LBB2_1:
0x21: {  	[dreg:$0xc] =	wrdreg s5  }
0x22: {  	s1 =	rddreg [dreg:$0x4];
	s9 =	simm.s32 $0x14000;
	s10 =	simm.s32 $0x7  }
0x23: {  	[tilespmem:s9], [sflag:$0x7] =	stream.linear.gather [hbm4b:s1+s3], $0x30, $0x38;
	[tilespmem:$0x14030] =	vst v63  }
0x24: {  	_ =	swait.ge [sflag:s10], $0x30  }
0x25: {  	[sflag:s10] =	ssyncset.done $0x0  }
0x26: {  	[sflag:s10] =	ssyncadd.s32 $0xFFFFFFD0  }
0x27: {  	s14 =	simm.s32 $0xF;
	v6 =	vld [tilespmem:$0x14000]  }
0x28: {  	s15 =	simm.s32 $0x1F;
	s16 =	simm.s32 $0x2F;
	v9 =	vadd.s32 s14, v0;
	s13 =	rddreg [dreg:$0x5];
	v7 =	vld [tilespmem:$0x14010]  }
0x29: {  	v10 =	vadd.s32 s15, v0;
	v8 =	vld [tilespmem:$0x14020];
	[tilespmem:s3], [sflag:$0x7] =	stream.strided.gather [hbm4b:s13+s19], $0x1000, s20, s19, $0x38  }
0x2a: {  	s18 =	simm.s32 $0x3F;
	v11 =	vadd.s32 s16, v0;
	_ =	swait.ge [sflag:s10], $0x1000  }
0x2b: {  	s30 =	simm.s32 $0x4F;
	v12 =	vadd.s32 s18, v0;
	[sflag:s10] =	ssyncset.done $0x0  }
0x2c: {  	s31 =	simm.s32 $0xFFFFFFFF;
	s8 =	simm.s32 $0x5F;
	v13 =	vadd.s32 s30, v0;
	[sflag:s10] =	ssyncadd.s32 $0xFFFFF000  }
0x2d: {  	v14 =	vadd.s32 s31, v0;
	v15 =	vadd.s32 s8, v0;
	s9 =	simm.s32 $0x6F;
	v9 =	vld.idx.msk [tilespmem:v9+s3+$0x0], $0xffff  }
0x2e: {  	vm1 =	vgt.s32 v14, $0x0;
	v16 =	vadd.s32 s9, v0;
	v10 =	vld.idx.msk [tilespmem:v10+s3+$0x0], $0xffff  }
0x2f: {  	v14 =	vnsel vm1, $0x0, v14;
	v17 =	vld.idx.msk [tilespmem:v11+s3+$0x0], $0xffff  }
0x30: {  	v18 =	vld.idx.msk [tilespmem:v12+s3+$0x0], $0xffff  }
0x31: {  	v13 =	vld.idx.msk [tilespmem:v13+s3+$0x0], $0xffff  }
0x32: {  	v19 =	vld.idx.msk [tilespmem:v15+s3+$0x0], $0xffff  }
0x33: {  	v16 =	vld.idx.msk [tilespmem:v16+s3+$0x0], $0xffff  }
0x34: {  	s10 =	simm.s32 $0x40;
	v11 =	vld.idx.msk [tilespmem:v14+s3+$0x0], $0xffff  }
0x35: {  	v12 =	vld [tilespmem:s10+$0xFFFFFFC0]  }
0x36: {  	v14 =	vld [tilespmem:s10+$0xFFFFFFD0]  }
0x37: {  	s13 =	simm.s32 $0x8F;
	v20 =	vld [tilespmem:s10+$0xFFFFFFE0]  }
0x38: {  	s14 =	simm.s32 $0x9F;
	v15 =	vadd.s32 s13, v0;
	v21 =	vld [tilespmem:s10+$0xFFFFFFF0]  }
0x39: {  	s15 =	simm.s32 $0xAF;
	v22 =	vadd.s32 s14, v0;
	v23 =	vld [tilespmem:s10+$0x0]  }
0x3a: {  	s16 =	simm.s32 $0xBF;
	v24 =	vadd.s32 s15, v0;
	v25 =	vld [tilespmem:s10+$0x10]  }
0x3b: {  	s18 =	simm.s32 $0xCF;
	v26 =	vadd.s32 s16, v0;
	v27 =	vld [tilespmem:s10+$0x20]  }
0x3c: {  	s30 =	simm.s32 $0xDF;
	v28 =	vadd.s32 s18, v0;
	v29 =	vld [tilespmem:s10+$0x30];
	v12 =	vadd.f32 v11, v12  }
0x3d: {  	s8 =	simm.s32 $0x7F;
	s1 =	simm.s32 $0x4040;
	v31 =	vadd.s32 s30, v0;
	v11 =	vld.idx.msk [tilespmem:v15+s3+$0x0], $0xffff;
	v9 =	vadd.f32 v9, v14  }
0x3e: {  	s31 =	simm.s32 $0xEF;
	v30 =	vadd.s32 s8, v0;
	v15 =	vld.idx.msk [tilespmem:v22+s3+$0x0], $0xffff;
	v10 =	vadd.f32 v10, v20;
	[tilespmem:s1+$0xFFFFFFC0] =	vst v12  }
0x3f: {  	vm1 =	vgt.s32 v30, $0x0;
	v14 =	vadd.s32 s31, v0;
	v18 =	vadd.f32 v18, v23;
	v12 =	vld.idx.msk [tilespmem:v24+s3+$0x0], $0xffff;
	[tilespmem:s1+$0xFFFFFFD0] =	vst v9  }
0x40: {  	v20 =	vnsel vm1, $0x0, v30;
	v17 =	vadd.f32 v17, v21;
	v9 =	vld.idx.msk [tilespmem:v26+s3+$0x0], $0xffff;
	[tilespmem:s1+$0xFFFFFFE0] =	vst v10  }
0x41: {  	v10 =	vld.idx.msk [tilespmem:v28+s3+$0x0], $0xffff;
	[tilespmem:s1+$0x0] =	vst v18;
	v18 =	vadd.f32 v19, v27  }
0x42: {  	s5 =	simm.s32 $0xC0;
	[tilespmem:s1+$0xFFFFFFF0] =	vst v17;
	v17 =	vadd.f32 v13, v25;
	v13 =	vld.idx.msk [tilespmem:v31+s3+$0x0], $0xffff  }
0x43: {  	[tilespmem:s1+$0x20] =	vst v18;
	v18 =	vld [tilespmem:s5+$0xFFFFFFC0]  }
0x44: {  	[tilespmem:s1+$0x10] =	vst v17;
	v17 =	vadd.f32 v16, v29;
	v14 =	vld.idx.msk [tilespmem:v14+s3+$0x0], $0xffff  }
0x45: {  	v16 =	vld.idx.msk [tilespmem:v20+s3+$0x0], $0xffff  }
0x46: {  	s8 =	simm.s32 $0x80;
	[tilespmem:s1+$0x30] =	vst v17;
	v17 =	vld [tilespmem:s5+$0xFFFFFFD0]  }
.LBB2_2:
0x47: {  	s10 =	sadd.s32 $0x8F, s8;
	v19 =	vld [tilespmem:s5+$0xFFFFFFE0];
	s13 =	smov.u32 s8  }
0x48: {  	v20 =	vadd.s32 s10, v0;
	s10 =	sadd.s32 $0x9F, s8;
	v21 =	vld [tilespmem:s5+$0xFFFFFFF0]  }
0x49: {  	v22 =	vadd.s32 s10, v0;
	s10 =	sadd.s32 $0xAF, s8;
	v23 =	vld [tilespmem:s5+$0x0]  }
0x4a: {  	v24 =	vadd.s32 s10, v0;
	s10 =	sadd.s32 $0xBF, s8;
	v16 =	vadd.f32 v16, v18;
	v18 =	vld [tilespmem:s5+$0x10]  }
0x4b: {  	s1 =	sadd.s32 $0x80, s1;
	v25 =	vadd.s32 s10, v0;
	s10 =	sadd.s32 $0xCF, s8;
	v17 =	vadd.f32 v11, v17;
	v26 =	vld [tilespmem:s5+$0x20]  }
0x4c: {  	s14 =	sadd.s32 $0x7F, s13;
	s8 =	sadd.s32 $0x80, s8;
	v27 =	vadd.s32 s10, v0;
	s10 =	sadd.s32 $0xDF, s13;
	[tilespmem:s1+$0xFFFFFFC0] =	vst v16;
	v16 =	vadd.f32 v15, v19;
	v19 =	vld [tilespmem:s5+$0x30]  }
0x4d: {  	v28 =	vadd.s32 s14, v0;
	p1 =	slt.u32 s8, $0xF80;
	v11 =	vld.idx.msk [tilespmem:v20+s3+$0x0], $0xffff;
	v20 =	vadd.s32 s10, v0;
	s10 =	sadd.s32 $0xEF, s13;
	[tilespmem:s1+$0xFFFFFFD0] =	vst v17;
	v17 =	vadd.f32 v12, v21  }
0x4e: {  	vm1 =	vgt.s32 v28, $0x0;
	v15 =	vld.idx.msk [tilespmem:v22+s3+$0x0], $0xffff;
	v21 =	vadd.s32 s10, v0;
	[tilespmem:s1+$0xFFFFFFE0] =	vst v16;
	v16 =	vadd.f32 v9, v23  }
0x4f: {  	v22 =	vnsel vm1, $0x0, v28;
	v12 =	vld.idx.msk [tilespmem:v24+s3+$0x0], $0xffff;
	[tilespmem:s1+$0xFFFFFFF0] =	vst v17;
	v17 =	vadd.f32 v10, v18  }
0x50: {  	v9 =	vld.idx.msk [tilespmem:v25+s3+$0x0], $0xffff;
	[tilespmem:s1+$0x0] =	vst v16;
	v16 =	vadd.f32 v13, v26  }
0x51: {  	v10 =	vld.idx.msk [tilespmem:v27+s3+$0x0], $0xffff;
	[tilespmem:s1+$0x10] =	vst v17;
	v17 =	vadd.f32 v14, v19  }
.Ltmp2:
0x52: {  	v13 =	vld.idx.msk [tilespmem:v20+s3+$0x0], $0xffff;
	[tilespmem:s1+$0x20] =	vst v16;
	(pc) =	sbr.rel @p1 .LBB2_2-.Ltmp2, $4  }
0x53: {  	v14 =	vld.idx.msk [tilespmem:v21+s3+$0x0], $0xffff;
	[tilespmem:s1+$0x30] =	vst v17  }
0x54: {  	s5 =	sadd.s32 $0x80, s5;
	v16 =	vld.idx.msk [tilespmem:v22+s3+$0x0], $0xffff  }
0x55: {  	v18 =	vld [tilespmem:s5+$0xFFFFFFC0]  }
0x56: {  	v17 =	vld [tilespmem:s5+$0xFFFFFFD0]  }
0x57: {  	v19 =	vld [tilespmem:s5+$0xFFFFFFE0]  }
0x58: {  	v21 =	vld [tilespmem:s5+$0x0]  }
0x59: {  	v61 =	vld [tilespmem:s5+$0x10]  }
0x5a: {  	v20 =	vld [tilespmem:s5+$0xFFFFFFF0];
	v16 =	vadd.f32 v16, v18  }
0x5b: {  	v62 =	vld [tilespmem:s5+$0x20];
	s1 =	sadd.s32 $0x80, s1;
	v11 =	vadd.f32 v11, v17  }
0x5c: {  	v63 =	vld [tilespmem:s5+$0x30];
	[tilespmem:s1+$0xFFFFFFC0] =	vst v16;
	v15 =	vadd.f32 v15, v19  }
0x5d: {  	v9 =	vadd.f32 v9, v21;
	[tilespmem:s1+$0xFFFFFFD0] =	vst v11  }
0x5e: {  	v10 =	vadd.f32 v10, v61;
	[tilespmem:s1+$0xFFFFFFE0] =	vst v15  }
0x5f: {  	v11 =	vadd.f32 v12, v20;
	[tilespmem:s1+$0x0] =	vst v9  }
0x60: {  	v9 =	vadd.f32 v13, v62;
	[tilespmem:s1+$0x10] =	vst v10  }
0x61: {  	v10 =	vadd.f32 v14, v63;
	[tilespmem:s1+$0xFFFFFFF0] =	vst v11  }
0x62: {  	[tilespmem:s1+$0x20] =	vst v9  }
0x63: {  	[tilespmem:s1+$0x30] =	vst v10  }
0x64: {  	s1 =	rddreg [dreg:$0x6]  }
0x65: {  	[tilespmem:s21], [sflag:$0x2] =	stream.strided.gather [hbm4b:s1+s19], $0x1000, s20, s19, $0x38;
	[tilespmem:$0x14030] =	vst v63  }
0x66: {  	s18 =	simm.s32 $0x0;
	s31 =	rddreg [dreg:$0x7]  }
0x67: {  	[tilespmem:s22], [sflag:$0x3] =	stream.strided.gather [hbm4b:s31+s19], $0x1000, s20, s19, $0x38;
	[tilespmem:$0x14030] =	vst v63  }
.LBB2_4:
0x68: {  	s1 =	sshll.u32 s18, $0x2  }
0x69: {  	s30 =	sadd.s32 s6, s1  }
0x6a: {  	s10 =	sshll.u32 s30, $0xF  }
0x6b: {  	s16 =	sadd.s32 s10, s7  }
0x6c: {  	s1 =	sadd.s32 $0x10000, s16  }
0x6d: {  	s16 =	sshrl.u32 s1, $0x3  }
0x6e: {  	s1 =	sadd.s32 s0, s16  }
0x6f: {  	[tilespmem:s23], [sflag:$0x4] =	stream.strided.gather [hbm4b:s1+s19], $0x1000, s20, s19, $0x38;
	[tilespmem:$0x14030] =	vst v63  }
0x70: {  	s31 =	simm.s32 $0xF;
	_ =	swait.ge [sflag:s24], $0x1000  }
0x71: {  	s5 =	simm.s32 $0x1F;
	v9 =	vadd.s32 s31, v0;
	[sflag:s24] =	ssyncset.done $0x0  }
0x72: {  	s8 =	simm.s32 $0x2F;
	v10 =	vadd.s32 s5, v0;
	[sflag:s24] =	ssyncadd.s32 $0xFFFFF000  }
0x73: {  	s9 =	simm.s32 $0x3F;
	v11 =	vadd.s32 s8, v0;
	_ =	swait.ge [sflag:s25], $0x1000  }
0x74: {  	s13 =	simm.s32 $0x4F;
	v12 =	vadd.s32 s9, v0;
	[sflag:s25] =	ssyncset.done $0x0  }
0x75: {  	s14 =	simm.s32 $0x5F;
	s5 =	simm.s32 $0xFFFFFFFF;
	v13 =	vadd.s32 s13, v0;
	[sflag:s25] =	ssyncadd.s32 $0xFFFFF000  }
0x76: {  	s15 =	simm.s32 $0x6F;
	v14 =	vadd.s32 s14, v0;
	v15 =	vadd.s32 s5, v0;
	v23 =	vld.idx.msk [tilespmem:v9+s21+$0x0], $0xffff  }
0x77: {  	v16 =	vadd.s32 s15, v0;
	vm1 =	vgt.s32 v15, $0x0;
	v24 =	vld.idx.msk [tilespmem:v10+s21+$0x0], $0xffff  }
0x78: {  	v15 =	vnsel vm1, $0x0, v15;
	v25 =	vld.idx.msk [tilespmem:v11+s21+$0x0], $0xffff  }
0x79: {  	v26 =	vld.idx.msk [tilespmem:v12+s21+$0x0], $0xffff  }
0x7a: {  	v29 =	vld.idx.msk [tilespmem:v13+s21+$0x0], $0xffff  }
0x7b: {  	v30 =	vld.idx.msk [tilespmem:v14+s21+$0x0], $0xffff  }
0x7c: {  	v32 =	vld.idx.msk [tilespmem:v16+s21+$0x0], $0xffff  }
0x7d: {  	s1 =	simm.s32 $0x1040;
	v22 =	vld.idx.msk [tilespmem:v15+s21+$0x0], $0xffff  }
0x7e: {  	v27 =	vld [tilespmem:s1+$0xFFFFFFC0]  }
0x7f: {  	v28 =	vld [tilespmem:s1+$0xFFFFFFD0]  }
0x80: {  	s8 =	simm.s32 $0x9F;
	v33 =	vld [tilespmem:s1+$0xFFFFFFE0]  }
0x81: {  	s31 =	simm.s32 $0x8F;
	v18 =	vadd.s32 s8, v0;
	v34 =	vld [tilespmem:s1+$0xFFFFFFF0]  }
0x82: {  	s9 =	simm.s32 $0xAF;
	v17 =	vadd.s32 s31, v0;
	v35 =	vld [tilespmem:s1+$0x0]  }
0x83: {  	s13 =	simm.s32 $0xBF;
	v19 =	vadd.s32 s9, v0;
	v36 =	vld [tilespmem:s1+$0x10]  }
0x84: {  	s14 =	simm.s32 $0xCF;
	v20 =	vadd.s32 s13, v0;
	v37 =	vld [tilespmem:s1+$0x20]  }
0x85: {  	v21 =	vadd.s32 s14, v0;
	v38 =	vld [tilespmem:s1+$0x30]  }
0x86: {  	s8 =	simm.s32 $0x7F;
	v31 =	vld.idx.msk [tilespmem:v18+s21+$0x0], $0xffff;
	v39 =	vadd.f32 v22, v27  }
0x87: {  	s15 =	simm.s32 $0xDF;
	v40 =	vadd.s32 s8, v0;
	s1 =	simm.s32 $0x5040;
	v27 =	vld.idx.msk [tilespmem:v17+s21+$0x0], $0xffff;
	v41 =	vadd.f32 v23, v28  }
0x88: {  	vm1 =	vgt.s32 v40, $0x0;
	v22 =	vadd.s32 s15, v0;
	v33 =	vadd.f32 v24, v33;
	v28 =	vld.idx.msk [tilespmem:v19+s21+$0x0], $0xffff;
	[tilespmem:s1+$0xFFFFFFC0] =	vst v39  }
0x89: {  	s31 =	simm.s32 $0xEF;
	v24 =	vnsel vm1, $0x0, v40;
	v34 =	vadd.f32 v25, v34;
	v25 =	vld.idx.msk [tilespmem:v20+s21+$0x0], $0xffff;
	[tilespmem:s1+$0xFFFFFFD0] =	vst v41  }
0x8a: {  	s5 =	simm.s32 $0x10C0;
	v23 =	vadd.s32 s31, v0;
	v60 =	vadd.f32 v26, v35;
	v26 =	vld.idx.msk [tilespmem:v21+s21+$0x0], $0xffff;
	[tilespmem:s1+$0xFFFFFFE0] =	vst v33  }
0x8b: {  	v61 =	vadd.f32 v29, v36;
	[tilespmem:s1+$0xFFFFFFF0] =	vst v34;
	v34 =	vld [tilespmem:s5+$0xFFFFFFC0]  }
0x8c: {  	v62 =	vadd.f32 v30, v37;
	[tilespmem:s1+$0x0] =	vst v60;
	v33 =	vld [tilespmem:s5+$0xFFFFFFD0]  }
0x8d: {  	v63 =	vadd.f32 v32, v38;
	[tilespmem:s1+$0x10] =	vst v61;
	v29 =	vld.idx.msk [tilespmem:v22+s21+$0x0], $0xffff  }
0x8e: {  	[tilespmem:s1+$0x20] =	vst v62;
	v32 =	vld.idx.msk [tilespmem:v24+s21+$0x0], $0xffff  }
0x8f: {  	s8 =	simm.s32 $0x80;
	[tilespmem:s1+$0x30] =	vst v63;
	v30 =	vld.idx.msk [tilespmem:v23+s21+$0x0], $0xffff  }
.LBB2_5:
0x90: {  	s13 =	sadd.s32 $0x8F, s8;
	v35 =	vld [tilespmem:s5+$0xFFFFFFE0];
	s14 =	smov.u32 s8  }
0x91: {  	v36 =	vadd.s32 s13, v0;
	s13 =	sadd.s32 $0x9F, s8;
	v37 =	vld [tilespmem:s5+$0xFFFFFFF0]  }
0x92: {  	v38 =	vadd.s32 s13, v0;
	s13 =	sadd.s32 $0xAF, s8;
	v39 =	vld [tilespmem:s5+$0x0]  }
0x93: {  	v40 =	vadd.s32 s13, v0;
	s13 =	sadd.s32 $0xBF, s8;
	v32 =	vadd.f32 v32, v34;
	v34 =	vld [tilespmem:s5+$0x10]  }
0x94: {  	s1 =	sadd.s32 $0x80, s1;
	v41 =	vadd.s32 s13, v0;
	s13 =	sadd.s32 $0xCF, s8;
	v33 =	vadd.f32 v27, v33;
	v42 =	vld [tilespmem:s5+$0x20]  }
0x95: {  	s15 =	sadd.s32 $0x7F, s14;
	s8 =	sadd.s32 $0x80, s8;
	v43 =	vadd.s32 s13, v0;
	s13 =	sadd.s32 $0xDF, s14;
	[tilespmem:s1+$0xFFFFFFC0] =	vst v32;
	v32 =	vadd.f32 v31, v35;
	v35 =	vld [tilespmem:s5+$0x30]  }
0x96: {  	v44 =	vadd.s32 s15, v0;
	p1 =	slt.u32 s8, $0xF80;
	v27 =	vld.idx.msk [tilespmem:v36+s21+$0x0], $0xffff;
	v36 =	vadd.s32 s13, v0;
	s13 =	sadd.s32 $0xEF, s14;
	[tilespmem:s1+$0xFFFFFFD0] =	vst v33;
	v33 =	vadd.f32 v28, v37  }
0x97: {  	vm1 =	vgt.s32 v44, $0x0;
	v31 =	vld.idx.msk [tilespmem:v38+s21+$0x0], $0xffff;
	v37 =	vadd.s32 s13, v0;
	[tilespmem:s1+$0xFFFFFFE0] =	vst v32;
	v32 =	vadd.f32 v25, v39  }
0x98: {  	v38 =	vnsel vm1, $0x0, v44;
	v28 =	vld.idx.msk [tilespmem:v40+s21+$0x0], $0xffff;
	[tilespmem:s1+$0xFFFFFFF0] =	vst v33;
	v33 =	vadd.f32 v26, v34  }
0x99: {  	v25 =	vld.idx.msk [tilespmem:v41+s21+$0x0], $0xffff;
	[tilespmem:s1+$0x0] =	vst v32;
	v32 =	vadd.f32 v29, v42  }
0x9a: {  	v26 =	vld.idx.msk [tilespmem:v43+s21+$0x0], $0xffff;
	[tilespmem:s1+$0x10] =	vst v33;
	v33 =	vadd.f32 v30, v35  }
.Ltmp3:
0x9b: {  	v29 =	vld.idx.msk [tilespmem:v36+s21+$0x0], $0xffff;
	[tilespmem:s1+$0x20] =	vst v32;
	(pc) =	sbr.rel @p1 .LBB2_5-.Ltmp3, $4  }
0x9c: {  	v30 =	vld.idx.msk [tilespmem:v37+s21+$0x0], $0xffff;
	[tilespmem:s1+$0x30] =	vst v33  }
0x9d: {  	s5 =	sadd.s32 $0x80, s5;
	v32 =	vld.idx.msk [tilespmem:v38+s21+$0x0], $0xffff  }
0x9e: {  	v34 =	vld [tilespmem:s5+$0xFFFFFFC0]  }
0x9f: {  	v33 =	vld [tilespmem:s5+$0xFFFFFFD0]  }
0xa0: {  	v35 =	vld [tilespmem:s5+$0xFFFFFFE0]  }
0xa1: {  	v36 =	vld [tilespmem:s5+$0xFFFFFFF0]  }
0xa2: {  	v37 =	vld [tilespmem:s5+$0x0]  }
0xa3: {  	v53 =	vld [tilespmem:s5+$0x10];
	v32 =	vadd.f32 v32, v34  }
0xa4: {  	v54 =	vld [tilespmem:s5+$0x20];
	s1 =	sadd.s32 $0x80, s1;
	v27 =	vadd.f32 v27, v33  }
0xa5: {  	v55 =	vld [tilespmem:s5+$0x30];
	[tilespmem:s1+$0xFFFFFFC0] =	vst v32;
	v31 =	vadd.f32 v31, v35  }
0xa6: {  	v56 =	vadd.f32 v28, v36;
	[tilespmem:s1+$0xFFFFFFD0] =	vst v27  }
0xa7: {  	v25 =	vadd.f32 v25, v37;
	[tilespmem:s1+$0xFFFFFFE0] =	vst v31  }
0xa8: {  	v26 =	vadd.f32 v26, v53;
	[tilespmem:s1+$0xFFFFFFF0] =	vst v56  }
0xa9: {  	v57 =	vadd.f32 v29, v54;
	[tilespmem:s1+$0x0] =	vst v25  }
0xaa: {  	v58 =	vadd.f32 v30, v55;
	[tilespmem:s1+$0x10] =	vst v26  }
0xab: {  	[tilespmem:s1+$0x20] =	vst v57  }
0xac: {  	[tilespmem:s1+$0x30] =	vst v58  }
0xad: {  	v9 =	vld.idx.msk [tilespmem:v9+s22+$0x0], $0xffff  }
0xae: {  	v10 =	vld.idx.msk [tilespmem:v10+s22+$0x0], $0xffff  }
0xaf: {  	v25 =	vld.idx.msk [tilespmem:v11+s22+$0x0], $0xffff  }
0xb0: {  	v12 =	vld.idx.msk [tilespmem:v12+s22+$0x0], $0xffff  }
0xb1: {  	v13 =	vld.idx.msk [tilespmem:v13+s22+$0x0], $0xffff  }
0xb2: {  	v26 =	vld.idx.msk [tilespmem:v14+s22+$0x0], $0xffff  }
0xb3: {  	v16 =	vld.idx.msk [tilespmem:v16+s22+$0x0], $0xffff  }
0xb4: {  	s31 =	simm.s32 $0x2040;
	v11 =	vld.idx.msk [tilespmem:v15+s22+$0x0], $0xffff  }
0xb5: {  	v14 =	vld [tilespmem:s31+$0xFFFFFFC0]  }
0xb6: {  	v27 =	vld [tilespmem:s31+$0xFFFFFFD0]  }
0xb7: {  	v59 =	vld [tilespmem:s31+$0xFFFFFFE0]  }
0xb8: {  	v60 =	vld [tilespmem:s31+$0xFFFFFFF0]  }
0xb9: {  	v61 =	vld [tilespmem:s31+$0x0]  }
0xba: {  	v31 =	vld [tilespmem:s31+$0x10]  }
0xbb: {  	v62 =	vld [tilespmem:s31+$0x20]  }
0xbc: {  	v63 =	vld [tilespmem:s31+$0x30]  }
0xbd: {  	v15 =	vld.idx.msk [tilespmem:v17+s22+$0x0], $0xffff;
	v11 =	vadd.f32 v11, v14  }
0xbe: {  	s1 =	simm.s32 $0x6040;
	v9 =	vadd.f32 v9, v27;
	v14 =	vld.idx.msk [tilespmem:v18+s22+$0x0], $0xffff  }
0xbf: {  	v10 =	vadd.f32 v10, v59;
	v18 =	vadd.f32 v12, v61;
	v12 =	vld.idx.msk [tilespmem:v22+s22+$0x0], $0xffff;
	[tilespmem:s1+$0xFFFFFFC0] =	vst v11  }
0xc0: {  	v17 =	vadd.f32 v25, v60;
	v11 =	vld.idx.msk [tilespmem:v19+s22+$0x0], $0xffff;
	[tilespmem:s1+$0xFFFFFFD0] =	vst v9  }
0xc1: {  	v9 =	vld.idx.msk [tilespmem:v20+s22+$0x0], $0xffff;
	[tilespmem:s1+$0xFFFFFFE0] =	vst v10  }
0xc2: {  	v10 =	vld.idx.msk [tilespmem:v21+s22+$0x0], $0xffff;
	[tilespmem:s1+$0xFFFFFFF0] =	vst v17;
	v17 =	vadd.f32 v13, v31  }
0xc3: {  	[tilespmem:s1+$0x0] =	vst v18;
	v18 =	vadd.f32 v26, v62;
	v13 =	vld.idx.msk [tilespmem:v23+s22+$0x0], $0xffff  }
0xc4: {  	s5 =	simm.s32 $0x20C0;
	[tilespmem:s1+$0x10] =	vst v17;
	v17 =	vadd.f32 v16, v63;
	v16 =	vld.idx.msk [tilespmem:v24+s22+$0x0], $0xffff  }
0xc5: {  	[tilespmem:s1+$0x20] =	vst v18;
	v18 =	vld [tilespmem:s5+$0xFFFFFFC0]  }
0xc6: {  	s8 =	simm.s32 $0x80;
	[tilespmem:s1+$0x30] =	vst v17;
	v17 =	vld [tilespmem:s5+$0xFFFFFFD0]  }
.LBB2_7:
0xc7: {  	s13 =	sadd.s32 $0x8F, s8;
	v19 =	vld [tilespmem:s5+$0xFFFFFFE0];
	s14 =	smov.u32 s8  }
0xc8: {  	v20 =	vadd.s32 s13, v0;
	s13 =	sadd.s32 $0x9F, s8;
	v21 =	vld [tilespmem:s5+$0xFFFFFFF0]  }
0xc9: {  	v22 =	vadd.s32 s13, v0;
	s13 =	sadd.s32 $0xAF, s8;
	v23 =	vld [tilespmem:s5+$0x0]  }
0xca: {  	v24 =	vadd.s32 s13, v0;
	s13 =	sadd.s32 $0xBF, s8;
	v16 =	vadd.f32 v16, v18;
	v18 =	vld [tilespmem:s5+$0x10]  }
0xcb: {  	s1 =	sadd.s32 $0x80, s1;
	v25 =	vadd.s32 s13, v0;
	s13 =	sadd.s32 $0xCF, s8;
	v17 =	vadd.f32 v15, v17;
	v26 =	vld [tilespmem:s5+$0x20]  }
0xcc: {  	s15 =	sadd.s32 $0x7F, s14;
	s8 =	sadd.s32 $0x80, s8;
	v27 =	vadd.s32 s13, v0;
	s13 =	sadd.s32 $0xDF, s14;
	[tilespmem:s1+$0xFFFFFFC0] =	vst v16;
	v16 =	vadd.f32 v14, v19;
	v19 =	vld [tilespmem:s5+$0x30]  }
0xcd: {  	v28 =	vadd.s32 s15, v0;
	p1 =	slt.u32 s8, $0xF80;
	v15 =	vld.idx.msk [tilespmem:v20+s22+$0x0], $0xffff;
	v20 =	vadd.s32 s13, v0;
	s13 =	sadd.s32 $0xEF, s14;
	[tilespmem:s1+$0xFFFFFFD0] =	vst v17;
	v17 =	vadd.f32 v11, v21  }
0xce: {  	vm1 =	vgt.s32 v28, $0x0;
	v14 =	vld.idx.msk [tilespmem:v22+s22+$0x0], $0xffff;
	v21 =	vadd.s32 s13, v0;
	[tilespmem:s1+$0xFFFFFFE0] =	vst v16;
	v16 =	vadd.f32 v9, v23  }
0xcf: {  	v22 =	vnsel vm1, $0x0, v28;
	v11 =	vld.idx.msk [tilespmem:v24+s22+$0x0], $0xffff;
	[tilespmem:s1+$0xFFFFFFF0] =	vst v17;
	v17 =	vadd.f32 v10, v18  }
0xd0: {  	v9 =	vld.idx.msk [tilespmem:v25+s22+$0x0], $0xffff;
	[tilespmem:s1+$0x0] =	vst v16;
	v16 =	vadd.f32 v12, v26  }
0xd1: {  	v10 =	vld.idx.msk [tilespmem:v27+s22+$0x0], $0xffff;
	[tilespmem:s1+$0x10] =	vst v17;
	v17 =	vadd.f32 v13, v19  }
.Ltmp4:
0xd2: {  	v12 =	vld.idx.msk [tilespmem:v20+s22+$0x0], $0xffff;
	[tilespmem:s1+$0x20] =	vst v16;
	(pc) =	sbr.rel @p1 .LBB2_7-.Ltmp4, $4  }
0xd3: {  	v13 =	vld.idx.msk [tilespmem:v21+s22+$0x0], $0xffff;
	[tilespmem:s1+$0x30] =	vst v17  }
0xd4: {  	s5 =	sadd.s32 $0x80, s5;
	v16 =	vld.idx.msk [tilespmem:v22+s22+$0x0], $0xffff  }
0xd5: {  	v18 =	vld [tilespmem:s5+$0xFFFFFFC0]  }
0xd6: {  	v17 =	vld [tilespmem:s5+$0xFFFFFFD0]  }
0xd7: {  	v19 =	vld [tilespmem:s5+$0xFFFFFFE0]  }
0xd8: {  	v20 =	vld [tilespmem:s5+$0xFFFFFFF0]  }
0xd9: {  	v21 =	vld [tilespmem:s5+$0x0]  }
0xda: {  	v16 =	vadd.f32 v16, v18;
	v18 =	vld [tilespmem:s5+$0x10]  }
0xdb: {  	s1 =	sadd.s32 $0x80, s1;
	v15 =	vadd.f32 v15, v17;
	v17 =	vld [tilespmem:s5+$0x20]  }
0xdc: {  	[tilespmem:s1+$0xFFFFFFC0] =	vst v16;
	v14 =	vadd.f32 v14, v19;
	v16 =	vld [tilespmem:s5+$0x30]  }
0xdd: {  	v11 =	vadd.f32 v11, v20;
	[tilespmem:s1+$0xFFFFFFD0] =	vst v15  }
0xde: {  	v9 =	vadd.f32 v9, v21;
	[tilespmem:s1+$0xFFFFFFE0] =	vst v14  }
0xdf: {  	[tilespmem:s1+$0xFFFFFFF0] =	vst v11;
	v10 =	vadd.f32 v10, v18  }
0xe0: {  	[tilespmem:s1+$0x0] =	vst v9;
	v9 =	vadd.f32 v12, v17  }
0xe1: {  	[tilespmem:s1+$0x10] =	vst v10;
	v10 =	vadd.f32 v13, v16  }
0xe2: {  	p1 =	seq.s32 s18, $0x0;
	[tilespmem:s1+$0x20] =	vst v9  }
0xe3: {  	[tilespmem:s1+$0x30] =	vst v10;
	s1 =	simm.s32 @!p1 $0x5  }
0xe4: {  	_ =	swait.ge @!p1 [sflag:s1], $0x1000  }
0xe5: {  	[sflag:s1] =	ssyncset.done @!p1 $0x0  }
0xe6: {  	[sflag:s1] =	ssyncadd.s32 @!p1 $0xFFFFF000  }
0xe7: {  	_ =	swait.ge @!p1 [sflag:s1], $0x1000  }
0xe8: {  	[sflag:s1] =	ssyncset.done @!p1 $0x0  }
0xe9: {  	[sflag:s1] =	ssyncadd.s32 @!p1 $0xFFFFF000  }
0xea: {  	_ =	swait.ge @!p1 [sflag:s1], $0x1000  }
0xeb: {  	[sflag:s1] =	ssyncset.done @!p1 $0x0  }
0xec: {  	[sflag:s1] =	ssyncadd.s32 @!p1 $0xFFFFF000  }
0xed: {  	_ =	swait.ge @!p1 [sflag:s1], $0x1000  }
0xee: {  	[sflag:s1] =	ssyncset.done @!p1 $0x0  }
0xef: {  	[sflag:s1] =	ssyncadd.s32 @!p1 $0xFFFFF000  }
0xf0: {  	_ =	swait.ge @!p1 [sflag:s1], $0x1000  }
0xf1: {  	[sflag:s1] =	ssyncset.done @!p1 $0x0  }
0xf2: {  	[sflag:s1] =	ssyncadd.s32 @!p1 $0xFFFFF000  }
0xf3: {  	_ =	swait.ge @!p1 [sflag:s1], $0x1000  }
0xf4: {  	[sflag:s1] =	ssyncset.done @!p1 $0x0  }
0xf5: {  	[sflag:s1] =	ssyncadd.s32 @!p1 $0xFFFFF000  }
0xf6: {  	[tilespmem:$0x8000] =	vst v1  }
0xf7: {  	[tilespmem:$0x9000] =	vst v1  }
0xf8: {  	[tilespmem:$0xA000] =	vst v1  }
0xf9: {  	[tilespmem:$0xB000] =	vst v1  }
0xfa: {  	[tilespmem:$0xC000] =	vst v1  }
0xfb: {  	[tilespmem:$0xD000] =	vst v1  }
0xfc: {  	[tilespmem:$0x8010] =	vst v1  }
0xfd: {  	[tilespmem:$0x9010] =	vst v1  }
0xfe: {  	[tilespmem:$0xA010] =	vst v1  }
0xff: {  	[tilespmem:$0xB010] =	vst v1  }
0x100: {  	[tilespmem:$0xC010] =	vst v1  }
0x101: {  	[tilespmem:$0xD010] =	vst v1  }
0x102: {  	[tilespmem:$0x8020] =	vst v1  }
0x103: {  	[tilespmem:$0x9020] =	vst v1  }
0x104: {  	[tilespmem:$0xA020] =	vst v1  }
0x105: {  	[tilespmem:$0xB020] =	vst v1  }
0x106: {  	[tilespmem:$0xC020] =	vst v1  }
0x107: {  	[tilespmem:$0xD020] =	vst v1  }
0x108: {  	[tilespmem:$0x8030] =	vst v1  }
0x109: {  	[tilespmem:$0x9030] =	vst v1  }
0x10a: {  	[tilespmem:$0xA030] =	vst v1  }
0x10b: {  	[tilespmem:$0xB030] =	vst v1  }
0x10c: {  	[tilespmem:$0xC030] =	vst v1  }
0x10d: {  	s1 =	simm.s32 $0x0;
	[tilespmem:$0xD030] =	vst v1  }
0x10e: {  	v9 =	vld [tilespmem:s1+$0x5070]  }
0x10f: {  	v15 =	vld [tilespmem:s1+$0x5030]  }
0x110: {  	v10 =	vld [tilespmem:s1+$0x6070]  }
0x111: {  	v12 =	vld [tilespmem:s1+$0x6030]  }
0x112: {  	v13 =	vld [tilespmem:s1+$0x4040]  }
0x113: {  	v14 =	vld [tilespmem:s1+$0x4000]  }
0x114: {  	v16 =	vld [tilespmem:s1+$0x5040]  }
0x115: {  	v17 =	vld [tilespmem:s1+$0x5000]  }
0x116: {  	v18 =	vld [tilespmem:s1+$0x6040]  }
0x117: {  	v20 =	vld [tilespmem:s1+$0x6000]  }
0x118: {  	v21 =	vld [tilespmem:s1+$0x4050]  }
0x119: {  	v22 =	vld [tilespmem:s1+$0x4010]  }
0x11a: {  	v23 =	vld [tilespmem:s1+$0x5050]  }
0x11b: {  	v28 =	vld [tilespmem:s1+$0x4060]  }
0x11c: {  	v29 =	vld [tilespmem:s1+$0x4020]  }
0x11d: {  	v30 =	vld [tilespmem:s1+$0x5020]  }
0x11e: {  	v31 =	vld [tilespmem:s1+$0x6060]  }
0x11f: {  	v33 =	vld [tilespmem:s1+$0x6020]  }
0x120: {  	v37 =	vld [tilespmem:s1+$0x40]  }
0x121: {  	v39 =	vld [tilespmem:s1+$0x0]  }
0x122: {  	v41 =	vld [tilespmem:s1+$0x1040];
	v19 =	vadd.f32 v15, v9;
	v9 =	vadd.f32 v12, v10  }
0x123: {  	v42 =	vld [tilespmem:s1+$0x1000];
	v24 =	vadd.f32 v14, v13  }
0x124: {  	v53 =	vld [tilespmem:s1+$0x50];
	v25 =	vadd.f32 v17, v16;
	v11 =	vadd.f32 v9, v19  }
0x125: {  	v54 =	vld [tilespmem:s1+$0x10];
	v18 =	vadd.f32 v20, v18;
	v12 =	vadd.f32 v12, v15  }
0x126: {  	v13 =	vld [tilespmem:s1+$0x5010];
	v14 =	vadd.f32 v17, v14;
	v17 =	vadd.f32 v20, v17;
	(erf) = vrcp.f32 v11  }
0x127: {  	s8 =	sadd.s32 $0xFFFFFFE1, s30;
	v27 =	vld [tilespmem:s1+$0x6010];
	v20 =	vadd.f32 v22, v21;
	v26 =	vadd.f32 v25, v24  }
0x128: {  	s14 =	sadd.s32 $0xFFFFFFE0, s30;
	s8 =	scvt.s32.f32 s8;
	v16 =	vld [tilespmem:s1+$0x6050];
	v28 =	vadd.f32 v29, v28;
	v29 =	vadd.f32 v30, v29  }
0x129: {  	s5 =	scvt.s32.f32 s14;
	v31 =	vadd.f32 v33, v31;
	v37 =	vadd.f32 v39, v37;
	(erf) = vrcp.f32 v26  }
0x12a: {  	v10 =	vmov s8;
	v21 =	vld [tilespmem:s1+$0x5060];
	v41 =	vadd.f32 v42, v41;
	v18 =	vadd.f32 v18, v25  }
0x12b: {  	v39 =	vadd.f32 v54, v53;
	v9 =	vmov s5;
	v23 =	vadd.f32 v13, v23  }
0x12c: {  	v56 =	vadd.f32 v41, v37;
	v22 =	vadd.f32 v13, v22;
	(erf) = vrcp.f32 v18  }
0x12d: {  	vm1 =	vgt.f32 v26, $0.0e+00;
	v16 =	vadd.f32 v27, v16;
	v32 =	vadd.f32 v23, v20  }
0x12e: {  	v35 =	vld [tilespmem:s1+$0x4070];
	vm3 =	vmand vm1, vm0;
	vm1 =	vgt.f32 v18, $0.0e+00;
	v27 =	vadd.f32 v27, v13  }
0x12f: {  	v36 =	vld [tilespmem:s1+$0x4030];
	v38 =	vadd.f32 v30, v21;
	v34 =	vadd.f32 v16, v23;
	v13 =	vpop (erf);
	(erf) = vrcp.f32 v32  }
0x130: {  	v30 =	vadd.f32 v33, v30;
	v26 =	vsub.f32 v26, v56;
	vm2 =	vmand vm1, vm0  }
0x131: {  	s14 =	simm.s32 $0x1;
	vm1 =	vgt.f32 v11, $0.0e+00;
	v16 =	vmul.f32 v13, v19;
	(erf) = vrcp.f32 v34  }
0x132: {  	s15 =	scvt.s32.f32 s14;
	vm5 =	vgt.f32 v32, $0.0e+00;
	vm4 =	vgt.f32 v34, $0.0e+00;
	v12 =	vmul.f32 v13, v12;
	v40 =	vpop (erf)  }
0x133: {  	v63 =	vld [tilespmem:s1+$0x2040];
	v43 =	vmul.f32 v40, v14;
	v21 =	vsub.f32 v10, v16;
	v16 =	vadd.f32 v38, v28  }
0x134: {  	v52 =	vld [tilespmem:s1+$0x2000];
	s5 =	sadd.f32 $-3.200000000e+01, s15;
	v14 =	vadd.f32 v31, v38;
	v31 =	vadd.f32 v36, v35;
	v24 =	vmul.f32 v40, v24  }
0x135: {  	v55 =	vld [tilespmem:s1+$0x1050];
	v36 =	vadd.f32 v15, v36;
	v44 =	vpop (erf);
	v26 =	vmul.f32 v26, v40;
	(erf) = vrcp.f32 v16  }
0x136: {  	v47 =	vld [tilespmem:s1+$0x1010];
	v12 =	vsub.f32 s5, v12;
	v17 =	vmul.f32 v44, v17;
	v25 =	vmul.f32 v44, v25  }
0x137: {  	v53 =	vld [tilespmem:s1+$0x70];
	v15 =	vadd.f32 v19, v31;
	v19 =	vsub.f32 s5, v43;
	(erf) = vrcp.f32 v14  }
0x138: {  	v54 =	vld [tilespmem:s1+$0x30];
	v24 =	vsub.f32 v9, v24;
	v26 =	vsub.f32 v2, v26;
	v21 =	vmul.f32 v21, v8;
	v45 =	vpop (erf)  }
0x139: {  	v57 =	vld [tilespmem:s1+$0x2050];
	v46 =	vsub.f32 s5, v17;
	(erf) = vrcp.f32 v15;
	v17 =	vmul.f32 v45, v22  }
0x13a: {  	v58 =	vld [tilespmem:s1+$0x2010];
	v25 =	vsub.f32 v10, v25;
	v20 =	vmul.f32 v45, v20;
	v48 =	vpop (erf);
	v22 =	vadd.f32 v52, v63  }
0x13b: {  	v59 =	vld [tilespmem:s1+$0x60];
	v21 =	vnsel vm1, $0x0, v21;
	v27 =	vmul.f32 v48, v27;
	v49 =	vsub.f32 s5, v17  }
0x13c: {  	v22 =	vadd.f32 v22, v41;
	v17 =	vmul.f32 v19, v7;
	v33 =	vsub.f32 v9, v20;
	v20 =	vld [tilespmem:s1+$0x20]  }
0x13d: {  	v60 =	vld [tilespmem:s1+$0x1060];
	v19 =	vmul.f32 v24, v8;
	v24 =	vadd.f32 v47, v55;
	v41 =	vadd.f32 v54, v53  }
0x13e: {  	v23 =	vmul.f32 v48, v23;
	v40 =	vsub.f32 s5, v27;
	v27 =	vld [tilespmem:s1+$0x1020];
	v22 =	vsub.f32 v18, v22;
	v43 =	vpop (erf)  }
0x13f: {  	v62 =	vld [tilespmem:s1+$0x2060];
	v18 =	vmul.f32 v46, v7;
	v61 =	vadd.f32 v24, v39;
	v29 =	vmul.f32 v43, v29  }
0x140: {  	v56 =	vld [tilespmem:s1+$0x1030];
	v46 =	vpop (erf);
	v52 =	vmul.f32 v43, v28;
	v44 =	vmul.f32 v22, v44;
	v22 =	vadd.f32 v58, v57  }
0x141: {  	v63 =	vld [tilespmem:s1+$0x2020];
	v30 =	vmul.f32 v46, v30;
	v32 =	vsub.f32 v32, v61;
	v28 =	vadd.f32 v20, v59  }
0x142: {  	[tilespmem:s1+$0xD070] =	vst v21;
	v55 =	vld [tilespmem:s1+$0x1070];
	v38 =	vmul.f32 v46, v38;
	v35 =	vsub.f32 v9, v52;
	v21 =	vpop (erf);
	v24 =	vadd.f32 v22, v24  }
0x143: {  	v22 =	vmul.f32 v26, v6;
	v20 =	vmul.f32 v21, v31;
	v31 =	vadd.f32 v27, v60  }
0x144: {  	v26 =	vsub.f32 v2, v44;
	v32 =	vmul.f32 v32, v45;
	v24 =	vsub.f32 v34, v24  }
0x145: {  	v59 =	vld [tilespmem:s1+$0x2070];
	v50 =	vmul.f32 v21, v36;
	v27 =	vsub.f32 v10, v23;
	v58 =	vadd.f32 v31, v28  }
0x146: {  	v28 =	vsub.f32 s5, v29;
	v29 =	vld [tilespmem:s1+$0x2030];
	v57 =	vmul.f32 v24, v48;
	v24 =	vadd.f32 v63, v62  }
0x147: {  	v23 =	vmul.f32 v26, v6;
	v34 =	vadd.f32 v56, v55;
	v60 =	vsub.f32 v16, v58  }
0x148: {  	v32 =	vsub.f32 v3, v32;
	v26 =	vmul.f32 v25, v8;
	v31 =	vadd.f32 v24, v31  }
0x149: {  	v63 =	vadd.f32 v34, v41;
	v42 =	vsub.f32 v3, v57;
	v61 =	vmul.f32 v60, v43  }
0x14a: {  	v24 =	vmul.f32 v32, v6;
	v32 =	vsub.f32 s5, v30;
	v31 =	vsub.f32 v14, v31  }
0x14b: {  	v25 =	vmul.f32 v49, v7;
	v30 =	vadd.f32 v29, v59;
	v37 =	vsub.f32 v4, v61  }
0x14c: {  	v62 =	vmul.f32 v31, v46;
	v31 =	vmul.f32 v33, v8;
	v33 =	vsub.f32 v10, v38  }
0x14d: {  	v29 =	vmul.f32 v42, v6;
	v38 =	vsub.f32 v15, v63;
	v39 =	vadd.f32 v30, v34  }
0x14e: {  	s31 =	simm.s32 $0x40;
	s15 =	simm.s32 $0x100;
	v30 =	vmul.f32 v40, v7;
	v34 =	vsub.f32 s5, v50;
	v36 =	vsub.f32 v4, v62  }
.LBB2_9:
0x14f: {  	s13 =	sshra.s32 s15, $0x2;
	v11 =	vsub.f32 v11, v39;
	v21 =	vmul.f32 v38, v21;
	v38 =	vsub.f32 v9, v20  }
0x150: {  	v27 =	vmul.f32 v27, v8;
	vm8 =	vgt.f32 v16, $0.0e+00;
	v16 =	vmul.f32 v37, v6;
	v39 =	vld [tilespmem:s13+$0x5070]  }
0x151: {  	v28 =	vmul.f32 v28, v7;
	v20 =	vld [tilespmem:s13+$0x5030];
	v21 =	vsub.f32 v5, v21;
	v11 =	vmul.f32 v11, v13  }
0x152: {  	s31 =	sadd.s32 $0x40, s31;
	vm7 =	vgt.f32 v14, $0.0e+00;
	v14 =	vmul.f32 v35, v8;
	v35 =	vmul.f32 v36, v6;
	v13 =	vld [tilespmem:s13+$0x6070]  }
0x153: {  	v32 =	vmul.f32 v32, v7;
	v33 =	vmul.f32 v33, v8;
	p2 =	slt.u32 s31, $0xFC0;
	v36 =	vld [tilespmem:s13+$0x6030];
	v11 =	vsub.f32 v5, v11  }
0x154: {  	vm6 =	vgt.f32 v15, $0.0e+00;
	v34 =	vmul.f32 v34, v7;
	v21 =	vmul.f32 v21, v6;
	v37 =	vld [tilespmem:s13+$0x4040]  }
0x155: {  	v15 =	vnsel vm3, $0x0, v22;
	v22 =	vmul.f32 v38, v8;
	v40 =	vld [tilespmem:s13+$0x4000];
	v38 =	vmul.f32 v11, v6  }
0x156: {  	v12 =	vmul.f32 v12, v7;
	v11 =	vnsel vm3, $0x0, v17;
	v17 =	vnsel vm3, $0x0, v19;
	v41 =	vld [tilespmem:s13+$0x5040];
	[tilespmem:s1+$0x8040] =	vst v15  }
0x157: {  	v18 =	vnsel vm2, $0x0, v18;
	v19 =	vld [tilespmem:s13+$0x5000];
	[tilespmem:s1+$0x9040] =	vst v11;
	v11 =	vnsel vm2, $0x0, v23;
	v23 =	vnsel vm2, $0x0, v26  }
0x158: {  	v15 =	vadd.f32 v20, v39;
	v26 =	vld [tilespmem:s13+$0x6040];
	v13 =	vadd.f32 v36, v13;
	[tilespmem:s1+$0xA040] =	vst v17;
	v17 =	vnsel vm5, $0x0, v24  }
0x159: {  	v25 =	vnsel vm5, $0x0, v25;
	v31 =	vnsel vm5, $0x0, v31;
	v36 =	vadd.f32 v36, v20;
	v24 =	vld [tilespmem:s13+$0x6000];
	[tilespmem:s1+$0xB040] =	vst v11  }
0x15a: {  	v37 =	vadd.f32 v40, v37;
	v39 =	vld [tilespmem:s13+$0x4050];
	v11 =	vadd.f32 v13, v15;
	[tilespmem:s1+$0xC040] =	vst v18;
	v13 =	vnsel vm4, $0x0, v29  }
0x15b: {  	v27 =	vnsel vm4, $0x0, v27;
	v16 =	vnsel vm8, $0x0, v16;
	v29 =	vld [tilespmem:s13+$0x4010];
	[tilespmem:s1+$0xD040] =	vst v23;
	v23 =	vnsel vm4, $0x0, v30  }
0x15c: {  	v30 =	vadd.f32 v19, v41;
	v40 =	vadd.f32 v19, v40;
	v41 =	vld [tilespmem:s13+$0x5050];
	(erf) = vrcp.f32 v11;
	[tilespmem:s1+$0x8050] =	vst v17  }
0x15d: {  	v14 =	vnsel vm8, $0x0, v14;
	v17 =	vld [tilespmem:s13+$0x5010];
	[tilespmem:s1+$0x9050] =	vst v25;
	v25 =	vnsel vm8, $0x0, v28;
	v28 =	vnsel vm7, $0x0, v35  }
0x15e: {  	v26 =	vadd.f32 v24, v26;
	v18 =	vadd.f32 v30, v37;
	v35 =	vld [tilespmem:s13+$0x6050];
	[tilespmem:s1+$0xA050] =	vst v31;
	v31 =	vnsel vm7, $0x0, v32  }
0x15f: {  	v19 =	vadd.f32 v24, v19;
	v32 =	vnsel vm7, $0x0, v33;
	v33 =	vnsel vm6, $0x0, v21;
	v24 =	vld [tilespmem:s13+$0x6010];
	[tilespmem:s1+$0xB050] =	vst v13  }
0x160: {  	v21 =	vadd.f32 v26, v30;
	v26 =	vadd.f32 v29, v39;
	v39 =	vld [tilespmem:s13+$0x4060];
	(erf) = vrcp.f32 v18;
	[tilespmem:s1+$0xC050] =	vst v23  }
0x161: {  	vm2 =	vgt.f32 v18, $0.0e+00;
	v23 =	vld [tilespmem:s13+$0x4020];
	[tilespmem:s1+$0xD050] =	vst v27;
	v27 =	vnsel vm6, $0x0, v34;
	v34 =	vnsel vm6, $0x0, v22  }
0x162: {  	v41 =	vadd.f32 v17, v41;
	v29 =	vadd.f32 v17, v29;
	v42 =	vld [tilespmem:s13+$0x5060];
	(erf) = vrcp.f32 v21;
	[tilespmem:s1+$0x8060] =	vst v16  }
0x163: {  	vm3 =	vmand vm2, vm0;
	vm2 =	vgt.f32 v21, $0.0e+00;
	v43 =	vld [tilespmem:s13+$0x5020];
	[tilespmem:s1+$0x9060] =	vst v25;
	v25 =	vnsel vm1, $0x0, v38  }
0x164: {  	s14 =	sadd.s32 $0x1, s14;
	vm2 =	vmand vm2, vm0;
	v16 =	vadd.f32 v24, v35;
	v22 =	vadd.f32 v41, v26;
	v35 =	vld [tilespmem:s13+$0x6060];
	[tilespmem:s1+$0xA060] =	vst v14  }
0x165: {  	s5 =	scvt.s32.f32 s14;
	v17 =	vadd.f32 v24, v17;
	v24 =	vnsel vm1, $0x0, v12;
	v14 =	vld [tilespmem:s13+$0x6020];
	v13 =	vpop (erf);
	[tilespmem:s1+$0xB060] =	vst v28  }
0x166: {  	v28 =	vadd.f32 v16, v41;
	v38 =	vadd.f32 v23, v39;
	v39 =	vld [tilespmem:s13+$0x4070];
	v12 =	vmul.f32 v13, v15;
	[tilespmem:s1+$0xC060] =	vst v31  }
0x167: {  	s5 =	sadd.f32 $-3.200000000e+01, s5;
	vm5 =	vgt.f32 v22, $0.0e+00;
	v16 =	vmul.f32 v13, v36;
	v31 =	vld [tilespmem:s13+$0x4030];
	(erf) = vrcp.f32 v22;
	[tilespmem:s1+$0xD060] =	vst v32  }
0x168: {  	v32 =	vld [tilespmem:s13+$0x40];
	v36 =	vadd.f32 v43, v42;
	v42 =	vsub.f32 v10, v12;
	(erf) = vrcp.f32 v28;
	[tilespmem:s1+$0x8070] =	vst v33  }
0x169: {  	vm4 =	vgt.f32 v28, $0.0e+00;
	v23 =	vadd.f32 v43, v23;
	v12 =	vsub.f32 s5, v16;
	v33 =	vld [tilespmem:s13+$0x0];
	v44 =	vpop (erf);
	[tilespmem:s1+$0x9070] =	vst v27  }
0x16a: {  	v27 =	vld [tilespmem:s13+$0x1040];
	v35 =	vadd.f32 v14, v35;
	v16 =	vadd.f32 v36, v38;
	v42 =	vmul.f32 v42, v8;
	[tilespmem:s1+$0xA070] =	vst v34  }
0x16b: {  	vm1 =	vgt.f32 v11, $0.0e+00;
	v40 =	vmul.f32 v44, v40;
	v43 =	vadd.f32 v14, v43;
	v34 =	vld [tilespmem:s13+$0x1000];
	v45 =	vpop (erf);
	[tilespmem:s1+$0xB070] =	vst v25  }
0x16c: {  	v25 =	vld [tilespmem:s13+$0x2040];
	v14 =	vadd.f32 v35, v36;
	v35 =	vadd.f32 v31, v39;
	v39 =	vnsel vm1, $0x0, v42;
	[tilespmem:s1+$0xC070] =	vst v24;
	s1 =	smov.u32 s13  }
0x16d: {  	v37 =	vmul.f32 v44, v37;
	v20 =	vadd.f32 v20, v31;
	v24 =	vld [tilespmem:s1+$0x2000];
	[tilespmem:s1+$0xD070] =	vst v39;
	(erf) = vrcp.f32 v16  }
0x16e: {  	v31 =	vadd.f32 v33, v32;
	v32 =	vld [tilespmem:s1+$0x50];
	v15 =	vadd.f32 v15, v35;
	(erf) = vrcp.f32 v14  }
0x16f: {  	v19 =	vmul.f32 v45, v19;
	v30 =	vmul.f32 v45, v30;
	v33 =	vsub.f32 s5, v40;
	v39 =	vld [tilespmem:s1+$0x10]  }
0x170: {  	v27 =	vadd.f32 v34, v27;
	v34 =	vsub.f32 v9, v37;
	v37 =	vld [tilespmem:s1+$0x1050];
	v40 =	vpop (erf);
	(erf) = vrcp.f32 v15  }
0x171: {  	v42 =	vsub.f32 s5, v19;
	v46 =	vld [tilespmem:s1+$0x1010];
	v19 =	vmul.f32 v40, v29;
	v26 =	vmul.f32 v40, v26;
	v29 =	vpop (erf)  }
0x172: {  	v24 =	vadd.f32 v24, v25;
	v25 =	vadd.f32 v27, v31;
	v31 =	vld [tilespmem:s1+$0x2050];
	v47 =	vmul.f32 v29, v17  }
0x173: {  	v30 =	vsub.f32 v10, v30;
	v41 =	vmul.f32 v29, v41;
	v48 =	vld [tilespmem:s1+$0x2010];
	v49 =	vsub.f32 s5, v19  }
0x174: {  	v17 =	vmul.f32 v33, v7;
	v24 =	vadd.f32 v24, v27;
	v27 =	vadd.f32 v39, v32;
	v32 =	vld [tilespmem:s1+$0x60]  }
0x175: {  	v19 =	vmul.f32 v34, v8;
	v33 =	vsub.f32 v9, v26;
	v25 =	vsub.f32 v18, v25;
	v26 =	vld [tilespmem:s1+$0x20]  }
0x176: {  	v18 =	vmul.f32 v42, v7;
	v50 =	vsub.f32 v21, v24;
	v24 =	vadd.f32 v46, v37;
	v34 =	vld [tilespmem:s1+$0x1060];
	v37 =	vpop (erf)  }
0x177: {  	v42 =	vsub.f32 s5, v47;
	v25 =	vmul.f32 v25, v44;
	v39 =	vld [tilespmem:s1+$0x1020];
	v44 =	vmul.f32 v37, v23;
	v46 =	vpop (erf)  }
0x178: {  	v23 =	vmul.f32 v50, v45;
	v31 =	vadd.f32 v48, v31;
	v27 =	vadd.f32 v24, v27;
	v45 =	vld [tilespmem:s1+$0x2060]  }
0x179: {  	v38 =	vmul.f32 v37, v38;
	v25 =	vsub.f32 v2, v25;
	v43 =	vmul.f32 v46, v43;
	v47 =	vld [tilespmem:s1+$0x2020];
	v21 =	vpop (erf)  }
0x17a: {  	v36 =	vmul.f32 v46, v36;
	v24 =	vadd.f32 v31, v24;
	v26 =	vadd.f32 v26, v32;
	v31 =	vld [tilespmem:s1+$0x70]  }
0x17b: {  	v27 =	vsub.f32 v22, v27;
	v48 =	vmul.f32 v21, v20;
	v20 =	vmul.f32 v21, v35;
	v32 =	vld [tilespmem:s1+$0x30]  }
0x17c: {  	v22 =	vmul.f32 v25, v6;
	v24 =	vsub.f32 v28, v24;
	v25 =	vadd.f32 v39, v34;
	v34 =	vld [tilespmem:s1+$0x1070]  }
0x17d: {  	v23 =	vsub.f32 v2, v23;
	v28 =	vmul.f32 v27, v40;
	v27 =	vsub.f32 v10, v41;
	v35 =	vld [tilespmem:s1+$0x1030]  }
0x17e: {  	v29 =	vmul.f32 v24, v29;
	v24 =	vadd.f32 v47, v45;
	v39 =	vadd.f32 v25, v26;
	v40 =	vld [tilespmem:s1+$0x2070]  }
0x17f: {  	v23 =	vmul.f32 v23, v6;
	v41 =	vsub.f32 v3, v28;
	v28 =	vsub.f32 s5, v44;
	v44 =	vld [tilespmem:s1+$0x2030]  }
0x180: {  	v26 =	vmul.f32 v30, v8;
	v30 =	vadd.f32 v24, v25;
	v31 =	vadd.f32 v32, v31  }
0x181: {  	v24 =	vmul.f32 v41, v6;
	v29 =	vsub.f32 v3, v29;
	v32 =	vsub.f32 v16, v39  }
0x182: {  	v25 =	vmul.f32 v49, v7;
	v30 =	vsub.f32 v14, v30;
	v34 =	vadd.f32 v35, v34  }
.Ltmp5:
0x183: {  	v37 =	vmul.f32 v32, v37;
	v35 =	vsub.f32 v9, v38;
	v32 =	vsub.f32 s5, v43;
	(pc) =	sbr.rel @p2 .LBB2_9-.Ltmp5, $4  }
0x184: {  	v41 =	vmul.f32 v30, v46;
	v30 =	vadd.f32 v44, v40;
	v38 =	vadd.f32 v34, v31  }
0x185: {  	v31 =	vmul.f32 v33, v8;
	v37 =	vsub.f32 v4, v37;
	v33 =	vsub.f32 v10, v36  }
0x186: {  	v29 =	vmul.f32 v29, v6;
	v38 =	vsub.f32 v15, v38;
	v39 =	vadd.f32 v30, v34  }
0x187: {  	s15 =	sadd.s32 $0x100, s15;
	v30 =	vmul.f32 v42, v7;
	v36 =	vsub.f32 v4, v41;
	v34 =	vsub.f32 s5, v48  }
0x188: {  	v10 =	vnsel vm3, $0x0, v22  }
0x189: {  	[tilespmem:s1+$0x8040] =	vst v10;
	v10 =	vnsel vm3, $0x0, v17  }
0x18a: {  	v17 =	vnsel vm3, $0x0, v19;
	[tilespmem:s1+$0x9040] =	vst v10  }
0x18b: {  	v52 =	vnsel vm4, $0x0, v30;
	[tilespmem:s1+$0xA040] =	vst v17  }
0x18c: {  	v10 =	vnsel vm2, $0x0, v23;
	[tilespmem:s1+$0xC050] =	vst v52  }
0x18d: {  	v17 =	vnsel vm2, $0x0, v18;
	[tilespmem:s1+$0xB040] =	vst v10  }
0x18e: {  	v18 =	vnsel vm4, $0x0, v29;
	[tilespmem:s1+$0xC040] =	vst v17  }
0x18f: {  	vm3 =	vgt.f32 v14, $0.0e+00;
	v14 =	vmul.f32 v32, v7;
	v10 =	vnsel vm2, $0x0, v26;
	[tilespmem:s1+$0xB050] =	vst v18  }
0x190: {  	v17 =	vnsel vm5, $0x0, v24;
	[tilespmem:s1+$0xD040] =	vst v10  }
0x191: {  	v9 =	vsub.f32 v9, v20;
	v14 =	vnsel vm3, $0x0, v14;
	[tilespmem:s1+$0x8050] =	vst v17  }
0x192: {  	v19 =	vmul.f32 v37, v6;
	vm2 =	vgt.f32 v16, $0.0e+00;
	v10 =	vnsel vm5, $0x0, v25;
	[tilespmem:s1+$0xC060] =	vst v14  }
0x193: {  	v17 =	vnsel vm5, $0x0, v31;
	[tilespmem:s1+$0x9050] =	vst v10;
	v10 =	vsub.f32 v11, v39;
	v11 =	vmul.f32 v27, v8  }
0x194: {  	v16 =	vmul.f32 v28, v7;
	v19 =	vnsel vm2, $0x0, v19;
	[tilespmem:s1+$0xA050] =	vst v17  }
0x195: {  	v9 =	vmul.f32 v9, v8;
	v18 =	vmul.f32 v35, v8;
	[tilespmem:s1+$0x8060] =	vst v19;
	v11 =	vnsel vm4, $0x0, v11  }
0x196: {  	v17 =	vmul.f32 v38, v21;
	v10 =	vmul.f32 v10, v13;
	v13 =	vnsel vm2, $0x0, v16;
	[tilespmem:s1+$0xD050] =	vst v11  }
0x197: {  	v12 =	vmul.f32 v12, v7;
	v16 =	vnsel vm2, $0x0, v18;
	vm2 =	vgt.f32 v15, $0.0e+00;
	[tilespmem:s1+$0x9060] =	vst v13  }
0x198: {  	v17 =	vsub.f32 v5, v17;
	v11 =	vmul.f32 v36, v6;
	[tilespmem:s1+$0xA060] =	vst v16;
	v9 =	vnsel vm2, $0x0, v9  }
0x199: {  	v13 =	vmul.f32 v33, v8;
	[tilespmem:s1+$0xA070] =	vst v9;
	v9 =	vnsel vm1, $0x0, v12  }
0x19a: {  	v10 =	vsub.f32 v5, v10;
	v16 =	vmul.f32 v17, v6;
	v11 =	vnsel vm3, $0x0, v11;
	[tilespmem:s1+$0xC070] =	vst v9  }
0x19b: {  	v13 =	vnsel vm3, $0x0, v13;
	[tilespmem:s1+$0xB060] =	vst v11;
	v11 =	vmul.f32 v34, v7  }
0x19c: {  	s5 =	sor.u32 s10, s7;
	v14 =	vnsel vm2, $0x0, v16;
	[tilespmem:s1+$0xD060] =	vst v13;
	v10 =	vmul.f32 v10, v6  }
0x19d: {  	s5 =	sshrl.u32 s5, $0x3;
	[tilespmem:s1+$0x8070] =	vst v14;
	v11 =	vnsel vm2, $0x0, v11  }
0x19e: {  	p2 =	seq.s32 s18, $0x7;
	s31 =	sor.u32 $0x3000, s5;
	v10 =	vnsel vm1, $0x0, v10;
	[tilespmem:s1+$0x9070] =	vst v11  }
0x19f: {  	s9 =	sadd.s32 s0, s31;
	[tilespmem:s1+$0xB070] =	vst v10;
	s1 =	sadd.s32 @!p2 s10, s11  }
0x1a0: {  	[tilespmem:s3], [sflag:$0x1] =	stream.strided.gather [hbm4b:s9+s19], $0x1000, s20, s19, $0x38;
	[tilespmem:$0x14030] =	vst v63  }
0x1a1: {  	s8 =	simm.s32 @!p2 $0x80;
	s1 =	sshrl.u32 @!p2 s1, $0x3  }
0x1a2: {  	s13 =	simm.s32 @!p2 $0x400;
	s14 =	simm.s32 @!p2 $0x1000;
	s1 =	sadd.s32 @!p2 s0, s1  }
0x1a3: {  	[tilespmem:s14], [sflag:$0x2] =	stream.strided.gather @!p2 [hbm4b:s1+s8], $0x1000, s13, s8, $0x38;
	[tilespmem:$0x14030] =	vst v63  }
0x1a4: {  	s1 =	sadd.s32 s2, s5;
	s13 =	sor.u32 $0x80000, s5  }
0x1a5: {  	[hbm4b:s1+s19] =	stream.strided.scatter [tilespmem:s26], [sflag:$0x5], $0x1000, s20, s19, $0x38;
	[tilespmem:$0x14030] =	vst v63  }
0x1a6: {  	s5 =	sor.u32 $0x100000, s5;
	s8 =	sadd.s32 s2, s13  }
0x1a7: {  	[hbm4b:s8+s19] =	stream.strided.scatter [tilespmem:s28], [sflag:$0x5], $0x1000, s20, s19, $0x38;
	[tilespmem:$0x14030] =	vst v63  }
0x1a8: {  	s5 =	sadd.s32 s2, s5  }
0x1a9: {  	[hbm4b:s5+s19] =	stream.strided.scatter [tilespmem:s29], [sflag:$0x5], $0x1000, s20, s19, $0x38;
	[tilespmem:$0x14030] =	vst v63  }
0x1aa: {  	s15 =	simm.s32 $0xB000;
	s14 =	sadd.s32 $0x1000, s1  }
0x1ab: {  	[hbm4b:s14+s19] =	stream.strided.scatter [tilespmem:s15], [sflag:$0x5], $0x1000, s20, s19, $0x38;
	[tilespmem:$0x14030] =	vst v63  }
0x1ac: {  	s9 =	sadd.s32 $0x81000, s1;
	s13 =	simm.s32 $0xC000  }
0x1ad: {  	[hbm4b:s9+s19] =	stream.strided.scatter [tilespmem:s13], [sflag:$0x5], $0x1000, s20, s19, $0x38;
	[tilespmem:$0x14030] =	vst v63  }
0x1ae: {  	s8 =	simm.s32 $0x4F;
	s9 =	simm.s32 $0xF  }
0x1af: {  	s14 =	sadd.s32 $0x101000, s1;
	s15 =	simm.s32 $0xD000;
	s13 =	simm.s32 $0x1F;
	v9 =	vadd.s32 s9, v0  }
0x1b0: {  	v10 =	vadd.s32 s13, v0;
	[hbm4b:s14+s19] =	stream.strided.scatter [tilespmem:s15], [sflag:$0x5], $0x1000, s20, s19, $0x38;
	[tilespmem:$0x14030] =	vst v63  }
0x1b1: {  	v13 =	vadd.s32 s8, v0;
	_ =	swait.ge [sflag:s4], $0x1000  }
0x1b2: {  	[sflag:s4] =	ssyncset.done $0x0  }
0x1b3: {  	[sflag:s4] =	ssyncadd.s32 $0xFFFFF000  }
0x1b4: {  	v9 =	vld.idx.msk [tilespmem:v9+s23+$0x0], $0xffff  }
0x1b5: {  	v10 =	vld.idx.msk [tilespmem:v10+s23+$0x0], $0xffff  }
0x1b6: {  	s5 =	simm.s32 $0x3040;
	s13 =	simm.s32 $0x5F;
	v13 =	vld.idx.msk [tilespmem:v13+s23+$0x0], $0xffff  }
0x1b7: {  	s14 =	simm.s32 $0x2F;
	v15 =	vadd.s32 s13, v0;
	v20 =	vld [tilespmem:s5+$0xFFFFFFE0]  }
0x1b8: {  	s9 =	simm.s32 $0xFFFFFFFF;
	s15 =	simm.s32 $0x3F;
	v11 =	vadd.s32 s14, v0;
	v53 =	vld [tilespmem:s5+$0xFFFFFFF0]  }
0x1b9: {  	v14 =	vadd.s32 s9, v0;
	v12 =	vadd.s32 s15, v0;
	v55 =	vld [tilespmem:s5+$0x0]  }
0x1ba: {  	vm1 =	vgt.s32 v14, $0x0;
	v57 =	vld [tilespmem:s5+$0x10]  }
0x1bb: {  	v14 =	vnsel vm1, $0x0, v14;
	v59 =	vld [tilespmem:s5+$0x20]  }
0x1bc: {  	v19 =	vld.idx.msk [tilespmem:v15+s23+$0x0], $0xffff  }
0x1bd: {  	s14 =	simm.s32 $0x6F;
	s15 =	simm.s32 $0x8F;
	v17 =	vld.idx.msk [tilespmem:v11+s23+$0x0], $0xffff  }
0x1be: {  	v16 =	vadd.s32 s14, v0;
	v15 =	vadd.s32 s15, v0;
	s15 =	simm.s32 $0xCF;
	v18 =	vld.idx.msk [tilespmem:v12+s23+$0x0], $0xffff  }
0x1bf: {  	v12 =	vld [tilespmem:s5+$0xFFFFFFC0];
	v60 =	vadd.s32 s15, v0  }
0x1c0: {  	s9 =	simm.s32 $0x9F;
	s14 =	simm.s32 $0xBF;
	v11 =	vld.idx.msk [tilespmem:v14+s23+$0x0], $0xffff  }
0x1c1: {  	v54 =	vadd.s32 s9, v0;
	v58 =	vadd.s32 s14, v0;
	s14 =	simm.s32 $0xDF;
	v61 =	vld [tilespmem:s5+$0x30]  }
0x1c2: {  	s13 =	simm.s32 $0xAF;
	s9 =	simm.s32 $0x7F;
	v63 =	vadd.s32 s14, v0;
	v14 =	vld [tilespmem:s5+$0xFFFFFFD0];
	v10 =	vadd.f32 v10, v20  }
0x1c3: {  	v56 =	vadd.s32 s13, v0;
	v62 =	vadd.s32 s9, v0;
	v16 =	vld.idx.msk [tilespmem:v16+s23+$0x0], $0xffff;
	s5 =	simm.s32 $0x7040  }
0x1c4: {  	vm1 =	vgt.s32 v62, $0x0;
	v17 =	vadd.f32 v17, v53;
	[tilespmem:s5+$0xFFFFFFE0] =	vst v10;
	v10 =	vld.idx.msk [tilespmem:v60+s23+$0x0], $0xffff  }
0x1c5: {  	v20 =	vnsel vm1, $0x0, v62;
	v18 =	vadd.f32 v18, v55;
	v12 =	vadd.f32 v11, v12;
	v11 =	vld.idx.msk [tilespmem:v15+s23+$0x0], $0xffff  }
0x1c6: {  	s15 =	simm.s32 $0xEF;
	v15 =	vld.idx.msk [tilespmem:v54+s23+$0x0], $0xffff;
	[tilespmem:s5+$0xFFFFFFF0] =	vst v17  }
0x1c7: {  	v9 =	vadd.f32 v9, v14;
	v14 =	vadd.s32 s15, v0;
	v17 =	vadd.f32 v13, v57;
	v13 =	vld.idx.msk [tilespmem:v63+s23+$0x0], $0xffff;
	[tilespmem:s5+$0x0] =	vst v18  }
0x1c8: {  	[tilespmem:s5+$0xFFFFFFC0] =	vst v12;
	v12 =	vld.idx.msk [tilespmem:v56+s23+$0x0], $0xffff  }
0x1c9: {  	v18 =	vadd.f32 v19, v59;
	[tilespmem:s5+$0xFFFFFFD0] =	vst v9;
	v9 =	vld.idx.msk [tilespmem:v58+s23+$0x0], $0xffff  }
0x1ca: {  	s8 =	simm.s32 $0x30C0;
	[tilespmem:s5+$0x10] =	vst v17;
	v17 =	vadd.f32 v16, v61;
	v16 =	vld.idx.msk [tilespmem:v20+s23+$0x0], $0xffff  }
0x1cb: {  	[tilespmem:s5+$0x20] =	vst v18;
	v18 =	vld [tilespmem:s8+$0xFFFFFFC0]  }
0x1cc: {  	v14 =	vld.idx.msk [tilespmem:v14+s23+$0x0], $0xffff  }
0x1cd: {  	s13 =	simm.s32 $0x80;
	[tilespmem:s5+$0x30] =	vst v17;
	v17 =	vld [tilespmem:s8+$0xFFFFFFD0]  }
.LBB2_11:
0x1ce: {  	s14 =	sadd.s32 $0x8F, s13;
	v19 =	vld [tilespmem:s8+$0xFFFFFFE0];
	s15 =	smov.u32 s13  }
0x1cf: {  	v20 =	vadd.s32 s14, v0;
	s14 =	sadd.s32 $0x9F, s13;
	v21 =	vld [tilespmem:s8+$0xFFFFFFF0]  }
0x1d0: {  	v22 =	vadd.s32 s14, v0;
	s14 =	sadd.s32 $0xAF, s13;
	v23 =	vld [tilespmem:s8+$0x0]  }
0x1d1: {  	v24 =	vadd.s32 s14, v0;
	s14 =	sadd.s32 $0xBF, s13;
	v16 =	vadd.f32 v16, v18;
	v18 =	vld [tilespmem:s8+$0x10]  }
0x1d2: {  	s5 =	sadd.s32 $0x80, s5;
	v25 =	vadd.s32 s14, v0;
	s14 =	sadd.s32 $0xCF, s13;
	v17 =	vadd.f32 v11, v17;
	v26 =	vld [tilespmem:s8+$0x20]  }
0x1d3: {  	s9 =	sadd.s32 $0x7F, s15;
	s13 =	sadd.s32 $0x80, s13;
	v27 =	vadd.s32 s14, v0;
	s14 =	sadd.s32 $0xDF, s15;
	[tilespmem:s5+$0xFFFFFFC0] =	vst v16;
	v16 =	vadd.f32 v15, v19;
	v19 =	vld [tilespmem:s8+$0x30]  }
0x1d4: {  	v28 =	vadd.s32 s9, v0;
	s9 =	sadd.s32 $0xEF, s15;
	p3 =	slt.u32 s13, $0xF80;
	v11 =	vld.idx.msk [tilespmem:v20+s23+$0x0], $0xffff;
	v20 =	vadd.s32 s14, v0;
	[tilespmem:s5+$0xFFFFFFD0] =	vst v17;
	v17 =	vadd.f32 v12, v21  }
0x1d5: {  	vm1 =	vgt.s32 v28, $0x0;
	v21 =	vadd.s32 s9, v0;
	v15 =	vld.idx.msk [tilespmem:v22+s23+$0x0], $0xffff;
	[tilespmem:s5+$0xFFFFFFE0] =	vst v16;
	v16 =	vadd.f32 v9, v23  }
0x1d6: {  	v22 =	vnsel vm1, $0x0, v28;
	v12 =	vld.idx.msk [tilespmem:v24+s23+$0x0], $0xffff;
	[tilespmem:s5+$0xFFFFFFF0] =	vst v17;
	v17 =	vadd.f32 v10, v18  }
0x1d7: {  	v9 =	vld.idx.msk [tilespmem:v25+s23+$0x0], $0xffff;
	[tilespmem:s5+$0x0] =	vst v16;
	v16 =	vadd.f32 v13, v26  }
0x1d8: {  	v10 =	vld.idx.msk [tilespmem:v27+s23+$0x0], $0xffff;
	[tilespmem:s5+$0x10] =	vst v17;
	v17 =	vadd.f32 v14, v19  }
.Ltmp6:
0x1d9: {  	v13 =	vld.idx.msk [tilespmem:v20+s23+$0x0], $0xffff;
	[tilespmem:s5+$0x20] =	vst v16;
	(pc) =	sbr.rel @p3 .LBB2_11-.Ltmp6, $4  }
0x1da: {  	v14 =	vld.idx.msk [tilespmem:v21+s23+$0x0], $0xffff;
	[tilespmem:s5+$0x30] =	vst v17  }
0x1db: {  	s8 =	sadd.s32 $0x80, s8;
	v16 =	vld.idx.msk [tilespmem:v22+s23+$0x0], $0xffff  }
0x1dc: {  	v18 =	vld [tilespmem:s8+$0xFFFFFFC0]  }
0x1dd: {  	v17 =	vld [tilespmem:s8+$0xFFFFFFD0]  }
0x1de: {  	v19 =	vld [tilespmem:s8+$0xFFFFFFE0]  }
0x1df: {  	v21 =	vld [tilespmem:s8+$0x0]  }
0x1e0: {  	v20 =	vld [tilespmem:s8+$0xFFFFFFF0]  }
0x1e1: {  	v16 =	vadd.f32 v16, v18;
	v18 =	vld [tilespmem:s8+$0x10]  }
0x1e2: {  	s5 =	sadd.s32 $0x80, s5;
	v11 =	vadd.f32 v11, v17;
	v17 =	vld [tilespmem:s8+$0x20]  }
0x1e3: {  	[tilespmem:s5+$0xFFFFFFC0] =	vst v16;
	v15 =	vadd.f32 v15, v19;
	v16 =	vld [tilespmem:s8+$0x30]  }
0x1e4: {  	v9 =	vadd.f32 v9, v21;
	[tilespmem:s5+$0xFFFFFFD0] =	vst v11  }
0x1e5: {  	v11 =	vadd.f32 v12, v20;
	[tilespmem:s5+$0xFFFFFFE0] =	vst v15  }
0x1e6: {  	[tilespmem:s5+$0x0] =	vst v9;
	v10 =	vadd.f32 v10, v18  }
0x1e7: {  	[tilespmem:s5+$0xFFFFFFF0] =	vst v11;
	v9 =	vadd.f32 v13, v17  }
0x1e8: {  	s14 =	simm.s32 $0xF;
	[tilespmem:s5+$0x10] =	vst v10;
	v10 =	vadd.f32 v14, v16  }
0x1e9: {  	s8 =	simm.s32 $0x2F;
	[tilespmem:s5+$0x20] =	vst v9;
	v9 =	vadd.s32 s14, v0  }
0x1ea: {  	s9 =	simm.s32 $0x3F;
	v11 =	vadd.s32 s8, v0;
	[tilespmem:s5+$0x30] =	vst v10  }
0x1eb: {  	s13 =	simm.s32 $0x4F;
	v12 =	vadd.s32 s9, v0;
	_ =	swait.ge [sflag:s17], $0x1000  }
0x1ec: {  	s9 =	simm.s32 $0x6F;
	v13 =	vadd.s32 s13, v0;
	[sflag:s17] =	ssyncset.done $0x0  }
0x1ed: {  	v16 =	vadd.s32 s9, v0;
	[sflag:s17] =	ssyncadd.s32 $0xFFFFF000  }
0x1ee: {  	v9 =	vld.idx.msk [tilespmem:v9+s3+$0x0], $0xffff  }
0x1ef: {  	v17 =	vld.idx.msk [tilespmem:v11+s3+$0x0], $0xffff  }
0x1f0: {  	v18 =	vld.idx.msk [tilespmem:v12+s3+$0x0], $0xffff  }
0x1f1: {  	v13 =	vld.idx.msk [tilespmem:v13+s3+$0x0], $0xffff  }
0x1f2: {  	s15 =	simm.s32 $0x1F;
	s14 =	simm.s32 $0xFFFFFFFF;
	s5 =	simm.s32 $0x40;
	v16 =	vld.idx.msk [tilespmem:v16+s3+$0x0], $0xffff  }
0x1f3: {  	v10 =	vadd.s32 s15, v0;
	s15 =	simm.s32 $0x5F;
	v14 =	vadd.s32 s14, v0;
	v12 =	vld [tilespmem:s5+$0xFFFFFFC0]  }
0x1f4: {  	v15 =	vadd.s32 s15, v0;
	vm1 =	vgt.s32 v14, $0x0;
	v20 =	vld [tilespmem:s5+$0xFFFFFFE0]  }
0x1f5: {  	v14 =	vnsel vm1, $0x0, v14;
	v63 =	vld [tilespmem:s5+$0xFFFFFFF0]  }
0x1f6: {  	v23 =	vld [tilespmem:s5+$0x0]  }
0x1f7: {  	s14 =	simm.s32 $0x9F;
	v25 =	vld [tilespmem:s5+$0x10]  }
0x1f8: {  	v22 =	vadd.s32 s14, v0;
	s14 =	simm.s32 $0xDF;
	v10 =	vld.idx.msk [tilespmem:v10+s3+$0x0], $0xffff  }
0x1f9: {  	s13 =	simm.s32 $0x8F;
	v31 =	vadd.s32 s14, v0;
	v19 =	vld.idx.msk [tilespmem:v15+s3+$0x0], $0xffff  }
0x1fa: {  	v15 =	vadd.s32 s13, v0;
	v11 =	vld.idx.msk [tilespmem:v14+s3+$0x0], $0xffff  }
0x1fb: {  	s9 =	simm.s32 $0xBF;
	v27 =	vld [tilespmem:s5+$0x20];
	s13 =	simm.s32 $0xCF  }
0x1fc: {  	v26 =	vadd.s32 s9, v0;
	s9 =	simm.s32 $0x7F;
	v29 =	vld [tilespmem:s5+$0x30];
	v28 =	vadd.s32 s13, v0;
	v17 =	vadd.f32 v17, v63  }
0x1fd: {  	v30 =	vadd.s32 s9, v0;
	s15 =	simm.s32 $0xAF;
	v14 =	vld [tilespmem:s5+$0xFFFFFFD0];
	s5 =	simm.s32 $0x4040;
	v18 =	vadd.f32 v18, v23  }
0x1fe: {  	v24 =	vadd.s32 s15, v0;
	v10 =	vadd.f32 v10, v20;
	[tilespmem:s5+$0xFFFFFFF0] =	vst v17;
	v17 =	vadd.f32 v13, v25;
	v13 =	vld.idx.msk [tilespmem:v31+s3+$0x0], $0xffff  }
0x1ff: {  	vm1 =	vgt.s32 v30, $0x0;
	[tilespmem:s5+$0x0] =	vst v18;
	v12 =	vadd.f32 v11, v12;
	v11 =	vld.idx.msk [tilespmem:v15+s3+$0x0], $0xffff  }
0x200: {  	v20 =	vnsel vm1, $0x0, v30;
	v18 =	vadd.f32 v19, v27;
	v15 =	vld.idx.msk [tilespmem:v22+s3+$0x0], $0xffff;
	[tilespmem:s5+$0xFFFFFFE0] =	vst v10  }
0x201: {  	s8 =	simm.s32 $0xC0;
	s15 =	simm.s32 $0xEF;
	v10 =	vld.idx.msk [tilespmem:v28+s3+$0x0], $0xffff;
	[tilespmem:s5+$0x10] =	vst v17  }
0x202: {  	v9 =	vadd.f32 v9, v14;
	v14 =	vadd.s32 s15, v0;
	[tilespmem:s5+$0x20] =	vst v18;
	v18 =	vld [tilespmem:s8+$0xFFFFFFC0]  }
0x203: {  	[tilespmem:s5+$0xFFFFFFC0] =	vst v12;
	v12 =	vld.idx.msk [tilespmem:v24+s3+$0x0], $0xffff  }
0x204: {  	v17 =	vadd.f32 v16, v29;
	[tilespmem:s5+$0xFFFFFFD0] =	vst v9;
	v9 =	vld.idx.msk [tilespmem:v26+s3+$0x0], $0xffff  }
0x205: {  	v16 =	vld.idx.msk [tilespmem:v20+s3+$0x0], $0xffff  }
0x206: {  	[tilespmem:s5+$0x30] =	vst v17;
	v17 =	vld [tilespmem:s8+$0xFFFFFFD0]  }
0x207: {  	s13 =	simm.s32 $0x80;
	v14 =	vld.idx.msk [tilespmem:v14+s3+$0x0], $0xffff  }
.LBB2_13:
0x208: {  	s9 =	sadd.s32 $0x8F, s13;
	v19 =	vld [tilespmem:s8+$0xFFFFFFE0];
	s14 =	smov.u32 s13  }
0x209: {  	v20 =	vadd.s32 s9, v0;
	s9 =	sadd.s32 $0x9F, s13;
	v21 =	vld [tilespmem:s8+$0xFFFFFFF0]  }
0x20a: {  	v22 =	vadd.s32 s9, v0;
	s9 =	sadd.s32 $0xAF, s13;
	v23 =	vld [tilespmem:s8+$0x0]  }
0x20b: {  	v24 =	vadd.s32 s9, v0;
	s9 =	sadd.s32 $0xBF, s13;
	v16 =	vadd.f32 v16, v18;
	v18 =	vld [tilespmem:s8+$0x10]  }
0x20c: {  	s5 =	sadd.s32 $0x80, s5;
	v25 =	vadd.s32 s9, v0;
	s9 =	sadd.s32 $0xCF, s13;
	v17 =	vadd.f32 v11, v17;
	v26 =	vld [tilespmem:s8+$0x20]  }
0x20d: {  	s15 =	sadd.s32 $0x7F, s14;
	s13 =	sadd.s32 $0x80, s13;
	v27 =	vadd.s32 s9, v0;
	s9 =	sadd.s32 $0xDF, s14;
	[tilespmem:s5+$0xFFFFFFC0] =	vst v16;
	v16 =	vadd.f32 v15, v19;
	v19 =	vld [tilespmem:s8+$0x30]  }
0x20e: {  	v28 =	vadd.s32 s15, v0;
	p3 =	slt.u32 s13, $0xF80;
	v11 =	vld.idx.msk [tilespmem:v20+s3+$0x0], $0xffff;
	v20 =	vadd.s32 s9, v0;
	s9 =	sadd.s32 $0xEF, s14;
	[tilespmem:s5+$0xFFFFFFD0] =	vst v17;
	v17 =	vadd.f32 v12, v21  }
0x20f: {  	vm1 =	vgt.s32 v28, $0x0;
	v15 =	vld.idx.msk [tilespmem:v22+s3+$0x0], $0xffff;
	v21 =	vadd.s32 s9, v0;
	[tilespmem:s5+$0xFFFFFFE0] =	vst v16;
	v16 =	vadd.f32 v9, v23  }
0x210: {  	v22 =	vnsel vm1, $0x0, v28;
	v12 =	vld.idx.msk [tilespmem:v24+s3+$0x0], $0xffff;
	[tilespmem:s5+$0xFFFFFFF0] =	vst v17;
	v17 =	vadd.f32 v10, v18  }
0x211: {  	v9 =	vld.idx.msk [tilespmem:v25+s3+$0x0], $0xffff;
	[tilespmem:s5+$0x0] =	vst v16;
	v16 =	vadd.f32 v13, v26  }
0x212: {  	v10 =	vld.idx.msk [tilespmem:v27+s3+$0x0], $0xffff;
	[tilespmem:s5+$0x10] =	vst v17;
	v17 =	vadd.f32 v14, v19  }
.Ltmp7:
0x213: {  	v13 =	vld.idx.msk [tilespmem:v20+s3+$0x0], $0xffff;
	[tilespmem:s5+$0x20] =	vst v16;
	(pc) =	sbr.rel @p3 .LBB2_13-.Ltmp7, $4  }
0x214: {  	v14 =	vld.idx.msk [tilespmem:v21+s3+$0x0], $0xffff;
	[tilespmem:s5+$0x30] =	vst v17  }
0x215: {  	s8 =	sadd.s32 $0x80, s8;
	v16 =	vld.idx.msk [tilespmem:v22+s3+$0x0], $0xffff  }
0x216: {  	v18 =	vld [tilespmem:s8+$0xFFFFFFC0]  }
0x217: {  	v17 =	vld [tilespmem:s8+$0xFFFFFFD0]  }
0x218: {  	v19 =	vld [tilespmem:s8+$0xFFFFFFE0]  }
0x219: {  	v21 =	vld [tilespmem:s8+$0x0]  }
0x21a: {  	v20 =	vld [tilespmem:s8+$0xFFFFFFF0]  }
0x21b: {  	v16 =	vadd.f32 v16, v18;
	v18 =	vld [tilespmem:s8+$0x10]  }
0x21c: {  	s5 =	sadd.s32 $0x80, s5;
	v11 =	vadd.f32 v11, v17;
	v17 =	vld [tilespmem:s8+$0x20]  }
0x21d: {  	[tilespmem:s5+$0xFFFFFFC0] =	vst v16;
	v15 =	vadd.f32 v15, v19;
	v16 =	vld [tilespmem:s8+$0x30]  }
0x21e: {  	v9 =	vadd.f32 v9, v21;
	[tilespmem:s5+$0xFFFFFFD0] =	vst v11  }
0x21f: {  	v11 =	vadd.f32 v12, v20;
	[tilespmem:s5+$0xFFFFFFE0] =	vst v15  }
0x220: {  	[tilespmem:s5+$0x0] =	vst v9;
	v10 =	vadd.f32 v10, v18  }
0x221: {  	[tilespmem:s5+$0xFFFFFFF0] =	vst v11;
	v9 =	vadd.f32 v13, v17  }
0x222: {  	[tilespmem:s5+$0x10] =	vst v10;
	v10 =	vadd.f32 v14, v16  }
0x223: {  	[tilespmem:s5+$0x20] =	vst v9  }
0x224: {  	[tilespmem:s5+$0x30] =	vst v10;
	s5 =	simm.s32 @!p1 $0x6  }
0x225: {  	_ =	swait.ge @!p1 [sflag:s5], $0x1000  }
0x226: {  	[sflag:s5] =	ssyncset.done @!p1 $0x0  }
0x227: {  	[sflag:s5] =	ssyncadd.s32 @!p1 $0xFFFFF000  }
0x228: {  	_ =	swait.ge @!p1 [sflag:s5], $0x1000  }
0x229: {  	[sflag:s5] =	ssyncset.done @!p1 $0x0  }
0x22a: {  	[sflag:s5] =	ssyncadd.s32 @!p1 $0xFFFFF000  }
0x22b: {  	_ =	swait.ge @!p1 [sflag:s5], $0x1000  }
0x22c: {  	[sflag:s5] =	ssyncset.done @!p1 $0x0  }
0x22d: {  	[sflag:s5] =	ssyncadd.s32 @!p1 $0xFFFFF000  }
0x22e: {  	_ =	swait.ge @!p1 [sflag:s5], $0x1000  }
0x22f: {  	[sflag:s5] =	ssyncset.done @!p1 $0x0  }
0x230: {  	[sflag:s5] =	ssyncadd.s32 @!p1 $0xFFFFF000  }
0x231: {  	_ =	swait.ge @!p1 [sflag:s5], $0x1000  }
0x232: {  	[sflag:s5] =	ssyncset.done @!p1 $0x0  }
0x233: {  	[sflag:s5] =	ssyncadd.s32 @!p1 $0xFFFFF000  }
0x234: {  	_ =	swait.ge @!p1 [sflag:s5], $0x1000  }
0x235: {  	[sflag:s5] =	ssyncset.done @!p1 $0x0  }
0x236: {  	[sflag:s5] =	ssyncadd.s32 @!p1 $0xFFFFF000  }
0x237: {  	[tilespmem:$0xE000] =	vst v1  }
0x238: {  	[tilespmem:$0xF000] =	vst v1  }
0x239: {  	[tilespmem:$0x10000] =	vst v1  }
0x23a: {  	[tilespmem:$0x11000] =	vst v1  }
0x23b: {  	[tilespmem:$0x12000] =	vst v1  }
0x23c: {  	[tilespmem:$0x13000] =	vst v1  }
0x23d: {  	[tilespmem:$0xE010] =	vst v1  }
0x23e: {  	[tilespmem:$0xF010] =	vst v1  }
0x23f: {  	[tilespmem:$0x10010] =	vst v1  }
0x240: {  	[tilespmem:$0x11010] =	vst v1  }
0x241: {  	[tilespmem:$0x12010] =	vst v1  }
0x242: {  	[tilespmem:$0x13010] =	vst v1  }
0x243: {  	[tilespmem:$0xE020] =	vst v1  }
0x244: {  	[tilespmem:$0xF020] =	vst v1  }
0x245: {  	[tilespmem:$0x10020] =	vst v1  }
0x246: {  	[tilespmem:$0x11020] =	vst v1  }
0x247: {  	[tilespmem:$0x12020] =	vst v1  }
0x248: {  	[tilespmem:$0x13020] =	vst v1  }
0x249: {  	[tilespmem:$0xE030] =	vst v1  }
0x24a: {  	[tilespmem:$0xF030] =	vst v1  }
0x24b: {  	[tilespmem:$0x10030] =	vst v1  }
0x24c: {  	[tilespmem:$0x11030] =	vst v1  }
0x24d: {  	[tilespmem:$0x12030] =	vst v1  }
0x24e: {  	s14 =	simm.s32 $0x0;
	[tilespmem:$0x13030] =	vst v1  }
0x24f: {  	v9 =	vld [tilespmem:s14+$0x7070]  }
0x250: {  	v15 =	vld [tilespmem:s14+$0x7030]  }
0x251: {  	v10 =	vld [tilespmem:s14+$0x4070]  }
0x252: {  	v12 =	vld [tilespmem:s14+$0x4030]  }
0x253: {  	v13 =	vld [tilespmem:s14+$0x6040]  }
0x254: {  	v14 =	vld [tilespmem:s14+$0x6000]  }
0x255: {  	v16 =	vld [tilespmem:s14+$0x7040]  }
0x256: {  	v17 =	vld [tilespmem:s14+$0x7000]  }
0x257: {  	v18 =	vld [tilespmem:s14+$0x4040]  }
0x258: {  	v20 =	vld [tilespmem:s14+$0x4000]  }
0x259: {  	v21 =	vld [tilespmem:s14+$0x6050]  }
0x25a: {  	v22 =	vld [tilespmem:s14+$0x6010]  }
0x25b: {  	v23 =	vld [tilespmem:s14+$0x7050]  }
0x25c: {  	v28 =	vld [tilespmem:s14+$0x6060]  }
0x25d: {  	v29 =	vld [tilespmem:s14+$0x6020]  }
0x25e: {  	v30 =	vld [tilespmem:s14+$0x7020]  }
0x25f: {  	v31 =	vld [tilespmem:s14+$0x4060]  }
0x260: {  	v33 =	vld [tilespmem:s14+$0x4020]  }
0x261: {  	v37 =	vld [tilespmem:s14+$0x2040]  }
0x262: {  	v39 =	vld [tilespmem:s14+$0x2000]  }
0x263: {  	v41 =	vld [tilespmem:s14+$0x3040];
	v19 =	vadd.f32 v15, v9;
	v9 =	vadd.f32 v12, v10  }
0x264: {  	v42 =	vld [tilespmem:s14+$0x3000];
	v24 =	vadd.f32 v14, v13  }
0x265: {  	v53 =	vld [tilespmem:s14+$0x2050];
	v25 =	vadd.f32 v17, v16;
	v11 =	vadd.f32 v9, v19  }
0x266: {  	v54 =	vld [tilespmem:s14+$0x2010];
	v18 =	vadd.f32 v20, v18;
	v12 =	vadd.f32 v12, v15  }
0x267: {  	v13 =	vld [tilespmem:s14+$0x7010];
	v14 =	vadd.f32 v17, v14;
	v17 =	vadd.f32 v20, v17;
	(erf) = vrcp.f32 v11  }
0x268: {  	s13 =	sadd.s32 $0xFFFFFFE3, s30;
	v27 =	vld [tilespmem:s14+$0x4010];
	v20 =	vadd.f32 v22, v21;
	v26 =	vadd.f32 v25, v24  }
0x269: {  	s9 =	sadd.s32 $0xFFFFFFE2, s30;
	s8 =	scvt.s32.f32 s13;
	v16 =	vld [tilespmem:s14+$0x4050];
	v28 =	vadd.f32 v29, v28;
	v29 =	vadd.f32 v30, v29  }
0x26a: {  	s5 =	scvt.s32.f32 s9;
	v31 =	vadd.f32 v33, v31;
	v37 =	vadd.f32 v39, v37;
	(erf) = vrcp.f32 v26  }
0x26b: {  	v10 =	vmov s8;
	v21 =	vld [tilespmem:s14+$0x7060];
	v41 =	vadd.f32 v42, v41;
	v18 =	vadd.f32 v18, v25  }
0x26c: {  	v39 =	vadd.f32 v54, v53;
	v9 =	vmov s5;
	v23 =	vadd.f32 v13, v23  }
0x26d: {  	v56 =	vadd.f32 v41, v37;
	v22 =	vadd.f32 v13, v22;
	(erf) = vrcp.f32 v18  }
0x26e: {  	vm1 =	vgt.f32 v26, $0.0e+00;
	v16 =	vadd.f32 v27, v16;
	v32 =	vadd.f32 v23, v20  }
0x26f: {  	v35 =	vld [tilespmem:s14+$0x6070];
	vm3 =	vmand vm1, vm0;
	vm1 =	vgt.f32 v18, $0.0e+00;
	v27 =	vadd.f32 v27, v13  }
0x270: {  	v36 =	vld [tilespmem:s14+$0x6030];
	v38 =	vadd.f32 v30, v21;
	v34 =	vadd.f32 v16, v23;
	v13 =	vpop (erf);
	(erf) = vrcp.f32 v32  }
0x271: {  	v30 =	vadd.f32 v33, v30;
	v26 =	vsub.f32 v26, v56;
	vm2 =	vmand vm1, vm0  }
0x272: {  	s30 =	simm.s32 $0x1;
	vm1 =	vgt.f32 v11, $0.0e+00;
	v16 =	vmul.f32 v13, v19;
	(erf) = vrcp.f32 v34  }
0x273: {  	s15 =	scvt.s32.f32 s30;
	vm5 =	vgt.f32 v32, $0.0e+00;
	vm4 =	vgt.f32 v34, $0.0e+00;
	v12 =	vmul.f32 v13, v12;
	v40 =	vpop (erf)  }
0x274: {  	v63 =	vld [tilespmem:s14+$0x40];
	v43 =	vmul.f32 v40, v14;
	v21 =	vsub.f32 v10, v16;
	v16 =	vadd.f32 v38, v28  }
0x275: {  	v52 =	vld [tilespmem:s14+$0x0];
	s5 =	sadd.f32 $-3.200000000e+01, s15;
	v14 =	vadd.f32 v31, v38;
	v31 =	vadd.f32 v36, v35;
	v24 =	vmul.f32 v40, v24  }
0x276: {  	v55 =	vld [tilespmem:s14+$0x3050];
	v36 =	vadd.f32 v15, v36;
	v44 =	vpop (erf);
	v26 =	vmul.f32 v26, v40;
	(erf) = vrcp.f32 v16  }
0x277: {  	v47 =	vld [tilespmem:s14+$0x3010];
	v12 =	vsub.f32 s5, v12;
	v17 =	vmul.f32 v44, v17;
	v25 =	vmul.f32 v44, v25  }
0x278: {  	v53 =	vld [tilespmem:s14+$0x2070];
	v15 =	vadd.f32 v19, v31;
	v19 =	vsub.f32 s5, v43;
	(erf) = vrcp.f32 v14  }
0x279: {  	v54 =	vld [tilespmem:s14+$0x2030];
	v24 =	vsub.f32 v9, v24;
	v26 =	vsub.f32 v2, v26;
	v21 =	vmul.f32 v21, v8;
	v45 =	vpop (erf)  }
0x27a: {  	v57 =	vld [tilespmem:s14+$0x50];
	v46 =	vsub.f32 s5, v17;
	(erf) = vrcp.f32 v15;
	v17 =	vmul.f32 v45, v22  }
0x27b: {  	v58 =	vld [tilespmem:s14+$0x10];
	v25 =	vsub.f32 v10, v25;
	v20 =	vmul.f32 v45, v20;
	v48 =	vpop (erf);
	v22 =	vadd.f32 v52, v63  }
0x27c: {  	v59 =	vld [tilespmem:s14+$0x2060];
	v21 =	vnsel vm1, $0x0, v21;
	v27 =	vmul.f32 v48, v27;
	v49 =	vsub.f32 s5, v17  }
0x27d: {  	v22 =	vadd.f32 v22, v41;
	v17 =	vmul.f32 v19, v7;
	v33 =	vsub.f32 v9, v20;
	v20 =	vld [tilespmem:s14+$0x2020]  }
0x27e: {  	v60 =	vld [tilespmem:s14+$0x3060];
	v19 =	vmul.f32 v24, v8;
	v24 =	vadd.f32 v47, v55;
	v41 =	vadd.f32 v54, v53  }
0x27f: {  	v23 =	vmul.f32 v48, v23;
	v40 =	vsub.f32 s5, v27;
	v27 =	vld [tilespmem:s14+$0x3020];
	v22 =	vsub.f32 v18, v22;
	v43 =	vpop (erf)  }
0x280: {  	v62 =	vld [tilespmem:s14+$0x60];
	v18 =	vmul.f32 v46, v7;
	v61 =	vadd.f32 v24, v39;
	v29 =	vmul.f32 v43, v29  }
0x281: {  	v56 =	vld [tilespmem:s14+$0x3030];
	v46 =	vpop (erf);
	v52 =	vmul.f32 v43, v28;
	v44 =	vmul.f32 v22, v44;
	v22 =	vadd.f32 v58, v57  }
0x282: {  	v63 =	vld [tilespmem:s14+$0x20];
	v30 =	vmul.f32 v46, v30;
	v32 =	vsub.f32 v32, v61;
	v28 =	vadd.f32 v20, v59  }
0x283: {  	[tilespmem:s14+$0x13070] =	vst v21;
	v55 =	vld [tilespmem:s14+$0x3070];
	v38 =	vmul.f32 v46, v38;
	v35 =	vsub.f32 v9, v52;
	v21 =	vpop (erf);
	v24 =	vadd.f32 v22, v24  }
0x284: {  	v22 =	vmul.f32 v26, v6;
	v20 =	vmul.f32 v21, v31;
	v31 =	vadd.f32 v27, v60  }
0x285: {  	v26 =	vsub.f32 v2, v44;
	v32 =	vmul.f32 v32, v45;
	v24 =	vsub.f32 v34, v24  }
0x286: {  	v59 =	vld [tilespmem:s14+$0x70];
	v50 =	vmul.f32 v21, v36;
	v27 =	vsub.f32 v10, v23;
	v58 =	vadd.f32 v31, v28  }
0x287: {  	v28 =	vsub.f32 s5, v29;
	v29 =	vld [tilespmem:s14+$0x30];
	v57 =	vmul.f32 v24, v48;
	v24 =	vadd.f32 v63, v62  }
0x288: {  	v23 =	vmul.f32 v26, v6;
	v34 =	vadd.f32 v56, v55;
	v60 =	vsub.f32 v16, v58  }
0x289: {  	v32 =	vsub.f32 v3, v32;
	v26 =	vmul.f32 v25, v8;
	v31 =	vadd.f32 v24, v31  }
0x28a: {  	v63 =	vadd.f32 v34, v41;
	v42 =	vsub.f32 v3, v57;
	v61 =	vmul.f32 v60, v43  }
0x28b: {  	v24 =	vmul.f32 v32, v6;
	v32 =	vsub.f32 s5, v30;
	v31 =	vsub.f32 v14, v31  }
0x28c: {  	v25 =	vmul.f32 v49, v7;
	v30 =	vadd.f32 v29, v59;
	v37 =	vsub.f32 v4, v61  }
0x28d: {  	v62 =	vmul.f32 v31, v46;
	v31 =	vmul.f32 v33, v8;
	v33 =	vsub.f32 v10, v38  }
0x28e: {  	v29 =	vmul.f32 v42, v6;
	v38 =	vsub.f32 v15, v63;
	v39 =	vadd.f32 v30, v34  }
0x28f: {  	s13 =	simm.s32 $0x100;
	s15 =	simm.s32 $0x40;
	v30 =	vmul.f32 v40, v7;
	v34 =	vsub.f32 s5, v50;
	v36 =	vsub.f32 v4, v62  }
.LBB2_15:
0x290: {  	s5 =	sshra.s32 s13, $0x2;
	v11 =	vsub.f32 v11, v39;
	v21 =	vmul.f32 v38, v21;
	v38 =	vsub.f32 v9, v20  }
0x291: {  	v27 =	vmul.f32 v27, v8;
	vm8 =	vgt.f32 v16, $0.0e+00;
	v16 =	vmul.f32 v37, v6;
	v39 =	vld [tilespmem:s5+$0x7070]  }
0x292: {  	v28 =	vmul.f32 v28, v7;
	v20 =	vld [tilespmem:s5+$0x7030];
	v21 =	vsub.f32 v5, v21;
	v11 =	vmul.f32 v11, v13  }
0x293: {  	s15 =	sadd.s32 $0x40, s15;
	vm7 =	vgt.f32 v14, $0.0e+00;
	v14 =	vmul.f32 v35, v8;
	v35 =	vmul.f32 v36, v6;
	v13 =	vld [tilespmem:s5+$0x4070]  }
0x294: {  	v32 =	vmul.f32 v32, v7;
	v33 =	vmul.f32 v33, v8;
	p1 =	slt.u32 s15, $0xFC0;
	v36 =	vld [tilespmem:s5+$0x4030];
	v11 =	vsub.f32 v5, v11  }
0x295: {  	vm6 =	vgt.f32 v15, $0.0e+00;
	v34 =	vmul.f32 v34, v7;
	v21 =	vmul.f32 v21, v6;
	v37 =	vld [tilespmem:s5+$0x6040]  }
0x296: {  	v15 =	vnsel vm3, $0x0, v22;
	v22 =	vmul.f32 v38, v8;
	v40 =	vld [tilespmem:s5+$0x6000];
	v38 =	vmul.f32 v11, v6  }
0x297: {  	v12 =	vmul.f32 v12, v7;
	v11 =	vnsel vm3, $0x0, v17;
	v17 =	vnsel vm3, $0x0, v19;
	v41 =	vld [tilespmem:s5+$0x7040];
	[tilespmem:s14+$0xE040] =	vst v15  }
0x298: {  	v18 =	vnsel vm2, $0x0, v18;
	v19 =	vld [tilespmem:s5+$0x7000];
	[tilespmem:s14+$0xF040] =	vst v11;
	v11 =	vnsel vm2, $0x0, v23;
	v23 =	vnsel vm2, $0x0, v26  }
0x299: {  	v15 =	vadd.f32 v20, v39;
	v26 =	vld [tilespmem:s5+$0x4040];
	v13 =	vadd.f32 v36, v13;
	[tilespmem:s14+$0x10040] =	vst v17;
	v17 =	vnsel vm5, $0x0, v24  }
0x29a: {  	v25 =	vnsel vm5, $0x0, v25;
	v31 =	vnsel vm5, $0x0, v31;
	v36 =	vadd.f32 v36, v20;
	v24 =	vld [tilespmem:s5+$0x4000];
	[tilespmem:s14+$0x11040] =	vst v11  }
0x29b: {  	v37 =	vadd.f32 v40, v37;
	v39 =	vld [tilespmem:s5+$0x6050];
	v11 =	vadd.f32 v13, v15;
	[tilespmem:s14+$0x12040] =	vst v18;
	v13 =	vnsel vm4, $0x0, v29  }
0x29c: {  	v27 =	vnsel vm4, $0x0, v27;
	v16 =	vnsel vm8, $0x0, v16;
	v29 =	vld [tilespmem:s5+$0x6010];
	[tilespmem:s14+$0x13040] =	vst v23;
	v23 =	vnsel vm4, $0x0, v30  }
0x29d: {  	v30 =	vadd.f32 v19, v41;
	v40 =	vadd.f32 v19, v40;
	v41 =	vld [tilespmem:s5+$0x7050];
	(erf) = vrcp.f32 v11;
	[tilespmem:s14+$0xE050] =	vst v17  }
0x29e: {  	v14 =	vnsel vm8, $0x0, v14;
	v17 =	vld [tilespmem:s5+$0x7010];
	[tilespmem:s14+$0xF050] =	vst v25;
	v25 =	vnsel vm8, $0x0, v28;
	v28 =	vnsel vm7, $0x0, v35  }
0x29f: {  	v26 =	vadd.f32 v24, v26;
	v18 =	vadd.f32 v30, v37;
	v35 =	vld [tilespmem:s5+$0x4050];
	[tilespmem:s14+$0x10050] =	vst v31;
	v31 =	vnsel vm7, $0x0, v32  }
0x2a0: {  	v19 =	vadd.f32 v24, v19;
	v32 =	vnsel vm7, $0x0, v33;
	v33 =	vnsel vm6, $0x0, v21;
	v24 =	vld [tilespmem:s5+$0x4010];
	[tilespmem:s14+$0x11050] =	vst v13  }
0x2a1: {  	v21 =	vadd.f32 v26, v30;
	v26 =	vadd.f32 v29, v39;
	v39 =	vld [tilespmem:s5+$0x6060];
	(erf) = vrcp.f32 v18;
	[tilespmem:s14+$0x12050] =	vst v23  }
0x2a2: {  	vm2 =	vgt.f32 v18, $0.0e+00;
	v23 =	vld [tilespmem:s5+$0x6020];
	[tilespmem:s14+$0x13050] =	vst v27;
	v27 =	vnsel vm6, $0x0, v34;
	v34 =	vnsel vm6, $0x0, v22  }
0x2a3: {  	v41 =	vadd.f32 v17, v41;
	v29 =	vadd.f32 v17, v29;
	v42 =	vld [tilespmem:s5+$0x7060];
	(erf) = vrcp.f32 v21;
	[tilespmem:s14+$0xE060] =	vst v16  }
0x2a4: {  	vm3 =	vmand vm2, vm0;
	vm2 =	vgt.f32 v21, $0.0e+00;
	v43 =	vld [tilespmem:s5+$0x7020];
	[tilespmem:s14+$0xF060] =	vst v25;
	v25 =	vnsel vm1, $0x0, v38  }
0x2a5: {  	s30 =	sadd.s32 $0x1, s30;
	vm2 =	vmand vm2, vm0;
	v16 =	vadd.f32 v24, v35;
	v22 =	vadd.f32 v41, v26;
	v35 =	vld [tilespmem:s5+$0x4060];
	[tilespmem:s14+$0x10060] =	vst v14  }
0x2a6: {  	s8 =	scvt.s32.f32 s30;
	v17 =	vadd.f32 v24, v17;
	v24 =	vnsel vm1, $0x0, v12;
	v14 =	vld [tilespmem:s5+$0x4020];
	v13 =	vpop (erf);
	[tilespmem:s14+$0x11060] =	vst v28  }
0x2a7: {  	v28 =	vadd.f32 v16, v41;
	v38 =	vadd.f32 v23, v39;
	v39 =	vld [tilespmem:s5+$0x6070];
	v12 =	vmul.f32 v13, v15;
	[tilespmem:s14+$0x12060] =	vst v31  }
0x2a8: {  	s8 =	sadd.f32 $-3.200000000e+01, s8;
	vm5 =	vgt.f32 v22, $0.0e+00;
	v16 =	vmul.f32 v13, v36;
	v31 =	vld [tilespmem:s5+$0x6030];
	(erf) = vrcp.f32 v22;
	[tilespmem:s14+$0x13060] =	vst v32  }
0x2a9: {  	v32 =	vld [tilespmem:s5+$0x2040];
	v36 =	vadd.f32 v43, v42;
	v42 =	vsub.f32 v10, v12;
	(erf) = vrcp.f32 v28;
	[tilespmem:s14+$0xE070] =	vst v33  }
0x2aa: {  	vm4 =	vgt.f32 v28, $0.0e+00;
	v23 =	vadd.f32 v43, v23;
	v12 =	vsub.f32 s8, v16;
	v33 =	vld [tilespmem:s5+$0x2000];
	v44 =	vpop (erf);
	[tilespmem:s14+$0xF070] =	vst v27  }
0x2ab: {  	v27 =	vld [tilespmem:s5+$0x3040];
	v35 =	vadd.f32 v14, v35;
	v16 =	vadd.f32 v36, v38;
	v42 =	vmul.f32 v42, v8;
	[tilespmem:s14+$0x10070] =	vst v34  }
0x2ac: {  	vm1 =	vgt.f32 v11, $0.0e+00;
	v40 =	vmul.f32 v44, v40;
	v43 =	vadd.f32 v14, v43;
	v34 =	vld [tilespmem:s5+$0x3000];
	v45 =	vpop (erf);
	[tilespmem:s14+$0x11070] =	vst v25  }
0x2ad: {  	v25 =	vld [tilespmem:s5+$0x40];
	v14 =	vadd.f32 v35, v36;
	v35 =	vadd.f32 v31, v39;
	v39 =	vnsel vm1, $0x0, v42;
	[tilespmem:s14+$0x12070] =	vst v24;
	s14 =	smov.u32 s5  }
0x2ae: {  	v37 =	vmul.f32 v44, v37;
	v20 =	vadd.f32 v20, v31;
	v24 =	vld [tilespmem:s14+$0x0];
	[tilespmem:s14+$0x13070] =	vst v39;
	(erf) = vrcp.f32 v16  }
0x2af: {  	v31 =	vadd.f32 v33, v32;
	v32 =	vld [tilespmem:s14+$0x2050];
	v15 =	vadd.f32 v15, v35;
	(erf) = vrcp.f32 v14  }
0x2b0: {  	v19 =	vmul.f32 v45, v19;
	v30 =	vmul.f32 v45, v30;
	v33 =	vsub.f32 s8, v40;
	v39 =	vld [tilespmem:s14+$0x2010]  }
0x2b1: {  	v27 =	vadd.f32 v34, v27;
	v34 =	vsub.f32 v9, v37;
	v37 =	vld [tilespmem:s14+$0x3050];
	v40 =	vpop (erf);
	(erf) = vrcp.f32 v15  }
0x2b2: {  	v42 =	vsub.f32 s8, v19;
	v46 =	vld [tilespmem:s14+$0x3010];
	v19 =	vmul.f32 v40, v29;
	v26 =	vmul.f32 v40, v26;
	v29 =	vpop (erf)  }
0x2b3: {  	v24 =	vadd.f32 v24, v25;
	v25 =	vadd.f32 v27, v31;
	v31 =	vld [tilespmem:s14+$0x50];
	v47 =	vmul.f32 v29, v17  }
0x2b4: {  	v30 =	vsub.f32 v10, v30;
	v41 =	vmul.f32 v29, v41;
	v48 =	vld [tilespmem:s14+$0x10];
	v49 =	vsub.f32 s8, v19  }
0x2b5: {  	v17 =	vmul.f32 v33, v7;
	v24 =	vadd.f32 v24, v27;
	v27 =	vadd.f32 v39, v32;
	v32 =	vld [tilespmem:s14+$0x2060]  }
0x2b6: {  	v19 =	vmul.f32 v34, v8;
	v33 =	vsub.f32 v9, v26;
	v25 =	vsub.f32 v18, v25;
	v26 =	vld [tilespmem:s14+$0x2020]  }
0x2b7: {  	v18 =	vmul.f32 v42, v7;
	v50 =	vsub.f32 v21, v24;
	v24 =	vadd.f32 v46, v37;
	v34 =	vld [tilespmem:s14+$0x3060];
	v37 =	vpop (erf)  }
0x2b8: {  	v42 =	vsub.f32 s8, v47;
	v25 =	vmul.f32 v25, v44;
	v39 =	vld [tilespmem:s14+$0x3020];
	v44 =	vmul.f32 v37, v23;
	v46 =	vpop (erf)  }
0x2b9: {  	v23 =	vmul.f32 v50, v45;
	v31 =	vadd.f32 v48, v31;
	v27 =	vadd.f32 v24, v27;
	v45 =	vld [tilespmem:s14+$0x60]  }
0x2ba: {  	v38 =	vmul.f32 v37, v38;
	v25 =	vsub.f32 v2, v25;
	v43 =	vmul.f32 v46, v43;
	v47 =	vld [tilespmem:s14+$0x20];
	v21 =	vpop (erf)  }
0x2bb: {  	v36 =	vmul.f32 v46, v36;
	v24 =	vadd.f32 v31, v24;
	v26 =	vadd.f32 v26, v32;
	v31 =	vld [tilespmem:s14+$0x2070]  }
0x2bc: {  	v27 =	vsub.f32 v22, v27;
	v48 =	vmul.f32 v21, v20;
	v20 =	vmul.f32 v21, v35;
	v32 =	vld [tilespmem:s14+$0x2030]  }
0x2bd: {  	v22 =	vmul.f32 v25, v6;
	v24 =	vsub.f32 v28, v24;
	v25 =	vadd.f32 v39, v34;
	v34 =	vld [tilespmem:s14+$0x3070]  }
0x2be: {  	v23 =	vsub.f32 v2, v23;
	v28 =	vmul.f32 v27, v40;
	v27 =	vsub.f32 v10, v41;
	v35 =	vld [tilespmem:s14+$0x3030]  }
0x2bf: {  	v29 =	vmul.f32 v24, v29;
	v24 =	vadd.f32 v47, v45;
	v39 =	vadd.f32 v25, v26;
	v40 =	vld [tilespmem:s14+$0x70]  }
0x2c0: {  	v23 =	vmul.f32 v23, v6;
	v41 =	vsub.f32 v3, v28;
	v28 =	vsub.f32 s8, v44;
	v44 =	vld [tilespmem:s14+$0x30]  }
0x2c1: {  	v26 =	vmul.f32 v30, v8;
	v30 =	vadd.f32 v24, v25;
	v31 =	vadd.f32 v32, v31  }
0x2c2: {  	v24 =	vmul.f32 v41, v6;
	v29 =	vsub.f32 v3, v29;
	v32 =	vsub.f32 v16, v39  }
0x2c3: {  	v25 =	vmul.f32 v49, v7;
	v30 =	vsub.f32 v14, v30;
	v34 =	vadd.f32 v35, v34  }
.Ltmp8:
0x2c4: {  	v37 =	vmul.f32 v32, v37;
	v35 =	vsub.f32 v9, v38;
	v32 =	vsub.f32 s8, v43;
	(pc) =	sbr.rel @p1 .LBB2_15-.Ltmp8, $4  }
0x2c5: {  	v41 =	vmul.f32 v30, v46;
	v30 =	vadd.f32 v44, v40;
	v38 =	vadd.f32 v34, v31  }
0x2c6: {  	v31 =	vmul.f32 v33, v8;
	v37 =	vsub.f32 v4, v37;
	v33 =	vsub.f32 v10, v36  }
0x2c7: {  	v29 =	vmul.f32 v29, v6;
	v38 =	vsub.f32 v15, v38;
	v39 =	vadd.f32 v30, v34  }
0x2c8: {  	s13 =	sadd.s32 $0x100, s13;
	v30 =	vmul.f32 v42, v7;
	v36 =	vsub.f32 v4, v41;
	v34 =	vsub.f32 s8, v48  }
0x2c9: {  	v10 =	vnsel vm3, $0x0, v22  }
0x2ca: {  	v48 =	vnsel vm3, $0x0, v19;
	[tilespmem:s14+$0xE040] =	vst v10  }
0x2cb: {  	v49 =	vnsel vm2, $0x0, v18;
	[tilespmem:s14+$0x10040] =	vst v48  }
0x2cc: {  	v50 =	vnsel vm5, $0x0, v24;
	[tilespmem:s14+$0x12040] =	vst v49  }
0x2cd: {  	v51 =	vnsel vm5, $0x0, v31;
	[tilespmem:s14+$0xE050] =	vst v50  }
0x2ce: {  	v52 =	vnsel vm4, $0x0, v29;
	[tilespmem:s14+$0x10050] =	vst v51  }
0x2cf: {  	v10 =	vnsel vm3, $0x0, v17;
	[tilespmem:s14+$0x11050] =	vst v52  }
0x2d0: {  	v59 =	vmul.f32 v32, v7;
	v55 =	vnsel vm4, $0x0, v30;
	[tilespmem:s14+$0xF040] =	vst v10  }
0x2d1: {  	vm3 =	vgt.f32 v14, $0.0e+00;
	v10 =	vnsel vm2, $0x0, v23;
	[tilespmem:s14+$0x12050] =	vst v55  }
0x2d2: {  	v53 =	vmul.f32 v38, v21;
	v14 =	vnsel vm3, $0x0, v59;
	[tilespmem:s14+$0x11040] =	vst v10  }
0x2d3: {  	v54 =	vmul.f32 v37, v6;
	v56 =	vmul.f32 v28, v7;
	v10 =	vnsel vm2, $0x0, v26;
	[tilespmem:s14+$0x12060] =	vst v14  }
0x2d4: {  	v57 =	vmul.f32 v35, v8;
	vm2 =	vgt.f32 v16, $0.0e+00;
	[tilespmem:s14+$0x13040] =	vst v10;
	v10 =	vnsel vm5, $0x0, v25  }
0x2d5: {  	v9 =	vsub.f32 v9, v20;
	v17 =	vsub.f32 v5, v53;
	v19 =	vnsel vm2, $0x0, v54;
	[tilespmem:s14+$0xF050] =	vst v10  }
0x2d6: {  	v58 =	vnsel vm2, $0x0, v56;
	v10 =	vsub.f32 v11, v39;
	v11 =	vmul.f32 v27, v8;
	[tilespmem:s14+$0xE060] =	vst v19  }
0x2d7: {  	v9 =	vmul.f32 v9, v8;
	v60 =	vnsel vm2, $0x0, v57;
	[tilespmem:s14+$0xF060] =	vst v58  }
0x2d8: {  	v62 =	vmul.f32 v17, v6;
	vm2 =	vgt.f32 v15, $0.0e+00;
	[tilespmem:s14+$0x10060] =	vst v60;
	v11 =	vnsel vm4, $0x0, v11  }
0x2d9: {  	v9 =	vnsel vm2, $0x0, v9;
	v10 =	vmul.f32 v10, v13;
	[tilespmem:s14+$0x13050] =	vst v11;
	v11 =	vmul.f32 v36, v6  }
0x2da: {  	v12 =	vmul.f32 v12, v7;
	v63 =	vnsel vm2, $0x0, v62;
	[tilespmem:s14+$0x10070] =	vst v9  }
0x2db: {  	v61 =	vmul.f32 v33, v8;
	[tilespmem:s14+$0xE070] =	vst v63;
	v10 =	vsub.f32 v5, v10;
	v11 =	vnsel vm3, $0x0, v11  }
0x2dc: {  	v9 =	vnsel vm1, $0x0, v12;
	[tilespmem:s14+$0x11060] =	vst v11;
	v11 =	vmul.f32 v34, v7  }
0x2dd: {  	v13 =	vnsel vm3, $0x0, v61;
	[tilespmem:s14+$0x12070] =	vst v9;
	v10 =	vmul.f32 v10, v6  }
0x2de: {  	[tilespmem:s14+$0x13060] =	vst v13;
	v11 =	vnsel vm2, $0x0, v11  }
0x2df: {  	v10 =	vnsel vm1, $0x0, v10;
	[tilespmem:s14+$0xF070] =	vst v11  }
0x2e0: {  	s5 =	sadd.s32 s2, s16;
	s8 =	simm.s32 $0xE000;
	[tilespmem:s14+$0x11070] =	vst v10  }
0x2e1: {  	[hbm4b:s5+s19] =	stream.strided.scatter [tilespmem:s8], [sflag:$0x6], $0x1000, s20, s19, $0x38;
	[tilespmem:$0x14030] =	vst v63  }
0x2e2: {  	s9 =	simm.s32 $0xF000;
	s30 =	sadd.s32 $0x80000, s5  }
0x2e3: {  	[hbm4b:s30+s19] =	stream.strided.scatter [tilespmem:s9], [sflag:$0x6], $0x1000, s20, s19, $0x38;
	[tilespmem:$0x14030] =	vst v63  }
0x2e4: {  	s5 =	sadd.s32 $0x100000, s5;
	s9 =	simm.s32 $0x10000  }
0x2e5: {  	[hbm4b:s5+s19] =	stream.strided.scatter [tilespmem:s9], [sflag:$0x6], $0x1000, s20, s19, $0x38;
	[tilespmem:$0x14030] =	vst v63  }
0x2e6: {  	s13 =	sadd.s32 s2, s31;
	s14 =	simm.s32 $0x11000  }
0x2e7: {  	[hbm4b:s13+s19] =	stream.strided.scatter [tilespmem:s14], [sflag:$0x6], $0x1000, s20, s19, $0x38;
	[tilespmem:$0x14030] =	vst v63  }
.Ltmp9:
0x2e8: {  	_ = 	snop;
	(pc) =	sbr.rel @p2 .LBB2_18-.Ltmp9, $4  }
0x2e9: {  	s15 =	sadd.s32 $0x83000, s1;
	s16 =	simm.s32 $0x12000  }
0x2ea: {  	[hbm4b:s15+s19] =	stream.strided.scatter [tilespmem:s16], [sflag:$0x6], $0x1000, s20, s19, $0x38;
	[tilespmem:$0x14030] =	vst v63  }
0x2eb: {  	s31 =	simm.s32 $0x13000;
	s30 =	sadd.s32 $0x103000, s1  }
0x2ec: {  	[hbm4b:s30+s19] =	stream.strided.scatter [tilespmem:s31], [sflag:$0x6], $0x1000, s20, s19, $0x38;
	[tilespmem:$0x14030] =	vst v63  }
.Ltmp10:
0x2ed: {  	(pc) =	sbr.rel .LBB2_4-.Ltmp10, $4  }
0x2ee: {  	s1 =	sadd.s32 s10, s12  }
0x2ef: {  	s1 =	sshrl.u32 s1, $0x3  }
0x2f0: {  	s18 =	sadd.s32 $0x1, s18;
	s1 =	sadd.s32 s0, s1  }
0x2f1: {  	[tilespmem:s22], [sflag:$0x3] =	stream.strided.gather [hbm4b:s1+s19], $0x1000, s20, s19, $0x38;
	[tilespmem:$0x14030] =	vst v63  }
.LBB2_18:
0x2f2: {  	s1 =	simm.s32 $0x5  }
0x2f3: {  	_ =	swait.ge [sflag:s1], $0x1000  }
0x2f4: {  	[sflag:s1] =	ssyncset.done $0x0  }
0x2f5: {  	[sflag:s1] =	ssyncadd.s32 $0xFFFFF000  }
0x2f6: {  	_ =	swait.ge [sflag:s1], $0x1000  }
0x2f7: {  	[sflag:s1] =	ssyncset.done $0x0  }
0x2f8: {  	[sflag:s1] =	ssyncadd.s32 $0xFFFFF000  }
0x2f9: {  	_ =	swait.ge [sflag:s1], $0x1000  }
0x2fa: {  	[sflag:s1] =	ssyncset.done $0x0  }
0x2fb: {  	[sflag:s1] =	ssyncadd.s32 $0xFFFFF000  }
0x2fc: {  	_ =	swait.ge [sflag:s1], $0x1000  }
0x2fd: {  	[sflag:s1] =	ssyncset.done $0x0  }
0x2fe: {  	[sflag:s1] =	ssyncadd.s32 $0xFFFFF000  }
0x2ff: {  	_ =	swait.ge [sflag:s1], $0x1000  }
0x300: {  	[sflag:s1] =	ssyncset.done $0x0  }
0x301: {  	[sflag:s1] =	ssyncadd.s32 $0xFFFFF000  }
0x302: {  	_ =	swait.ge [sflag:s1], $0x1000  }
0x303: {  	[sflag:s1] =	ssyncset.done $0x0  }
0x304: {  	s31 =	simm.s32 $0x6;
	[sflag:s1] =	ssyncadd.s32 $0xFFFFF000  }
0x305: {  	_ =	swait.ge [sflag:s31], $0x1000  }
0x306: {  	[sflag:s31] =	ssyncset.done $0x0  }
0x307: {  	[sflag:s31] =	ssyncadd.s32 $0xFFFFF000  }
0x308: {  	_ =	swait.ge [sflag:s31], $0x1000  }
0x309: {  	[sflag:s31] =	ssyncset.done $0x0  }
0x30a: {  	[sflag:s31] =	ssyncadd.s32 $0xFFFFF000  }
0x30b: {  	_ =	swait.ge [sflag:s31], $0x1000  }
0x30c: {  	[sflag:s31] =	ssyncset.done $0x0  }
0x30d: {  	[sflag:s31] =	ssyncadd.s32 $0xFFFFF000  }
0x30e: {  	_ =	swait.ge [sflag:s31], $0x1000  }
0x30f: {  	[sflag:s31] =	ssyncset.done $0x0  }
0x310: {  	[sflag:s31] =	ssyncadd.s32 $0xFFFFF000  }
0x311: {  	_ =	swait.ge [sflag:s31], $0x1000  }
.Ltmp11:
0x312: {  	[sflag:s31] =	ssyncset.done $0x0;
	(pc) =	sbr.rel @p0 .LBB2_22-.Ltmp11, $4  }
0x313: {  	[sflag:s31] =	ssyncadd.s32 $0xFFFFF000  }
0x314: {  	_ =	swait.ge [sflag:s31], $0x1000  }
0x315: {  	[sflag:s31] =	ssyncset.done $0x0  }
0x316: {  	s5 =	rddreg [dreg:$0xc];
	[sflag:s31] =	ssyncadd.s32 $0xFFFFF000  }
0x317: {  	s5 =	simm.s32 $0x8000  }
0x318: {  	s1 =	simm.s32 $0x9000;
	[tilespmem:s5+$0x0] =	vst v1  }
0x319: {  	s8 =	simm.s32 $0x0;
	s10 =	simm.s32 $0x8010;
	s5 =	simm.s32 $0xA000;
	[tilespmem:s1+$0x0] =	vst v1  }
.LBB2_20:
0x31a: {  	s8 =	sadd.s32 $0x10, s8  }
0x31b: {  	[tilespmem:s5+$0x0] =	vst v1;
	s5 =	sadd.s32 $0x10, s5;
	s1 =	sadd.s32 $0x10, s1;
	p1 =	slt.u32 s8, $0xFF0  }
.Ltmp12:
0x31c: {  	(pc) =	sbr.rel @p1 .LBB2_20-.Ltmp12, $3  }
0x31d: {  	_ =	sdelay $0x1  }
0x31e: {  	[tilespmem:s10+$0x0] =	vst v1  }
0x31f: {  	s10 =	sadd.s32 $0x10, s10;
	[tilespmem:s1+$0x0] =	vst v1  }
0x320: {  	[tilespmem:s5+$0x0] =	vst v1  }
0x321: {  	s18 =	simm.s32 $0x7;
	s1 =	rddreg [dreg:$0x8]  }
0x322: {  	[hbm4b:s1+s19] =	stream.strided.scatter [tilespmem:s26], [sflag:$0x7], $0x1000, s20, s19, $0x38;
	[tilespmem:$0x14030] =	vst v63  }
0x323: {  	_ =	swait.ge [sflag:s18], $0x1000  }
0x324: {  	[sflag:s18] =	ssyncset.done $0x0  }
0x325: {  	s30 =	rddreg [dreg:$0x9];
	[sflag:s18] =	ssyncadd.s32 $0xFFFFF000  }
0x326: {  	[hbm4b:s30+s19] =	stream.strided.scatter [tilespmem:s28], [sflag:$0x7], $0x1000, s20, s19, $0x38;
	[tilespmem:$0x14030] =	vst v63  }
0x327: {  	_ =	swait.ge [sflag:s18], $0x1000  }
0x328: {  	[sflag:s18] =	ssyncset.done $0x0  }
.Ltmp13:
0x329: {  	s31 =	rddreg [dreg:$0xa];
	[sflag:s18] =	ssyncadd.s32 $0xFFFFF000;
	(pc) =	sbr.rel .LBB2_22-.Ltmp13, $4  }
0x32a: {  	[hbm4b:s31+s19] =	stream.strided.scatter [tilespmem:s29], [sflag:$0x7], $0x1000, s20, s19, $0x38;
	[tilespmem:$0x14030] =	vst v63  }
0x32b: {  	_ =	swait.ge [sflag:s18], $0x1000  }
0x32c: {  	[sflag:s18] =	ssyncset.done $0x0  }
0x32d: {  	s5 =	rddreg [dreg:$0xc];
	[sflag:s18] =	ssyncadd.s32 $0xFFFFF000  }
.LBB2_23:
0x32e: {  	_ =	sfence.sel $0x180000  }
0x32f: {  	[bflag:$0x0] =	sbarrier.arrive $0xFFFF  }
0x330: {  	_ =	strace $0x90000047  }
0x331: {  	s0 =	stileid.u32;
	[bflag:$0x2] =	sbarrier.arrive $0xFFFF  }
0x332: {  	p0 =	sne.s32 s0, $0x0;
	s0 =	rddreg [dreg:$0x3]  }
0x333: {  	s0 =	sadd.s32 @!p0 $0x100000, s0  }
0x334: {  	[sflag:s0] =	ssyncadd.tile.s32 @!p0 $0x1;
	_ =	shalt  }
.Lfunc_end2:
_tile_overlayer_lowered:
.L_overlay_start_2:
0x335: {  	(tag) =	ssettag $0x2  }
0x336: {  	s0 =	rddreg [dreg:$0x0];
	s2 =	stileid.u32  }
0x337: {  	s1 =	rddreg [dreg:$0x1];
	p0 =	sne.s32 s2, $0x0  }
0x338: {  	s3 =	rddreg [dreg:$0x2];
	[bflag:$0x3] =	sbarrier.arrive $0xFFFF;
	s2 =	simm.s32 @!p0 $0x1C07  }
0x339: {  	[timem:s3], [sflag:s2] =	dma.local @!p0 [hbm:s0], s1  }
0x33a: {  	s0 =	simm.s32 @!p0 $0x7  }
0x33b: {  	_ =	swait.ge @!p0 [sflag:s0], s1  }
0x33c: {  	s1 =	ssub.s32 @!p0 $0x0, s1;
	[sflag:s0] =	ssyncset.done @!p0 $0x0  }
0x33d: {  	[sflag:s0] =	ssyncadd.s32 @!p0 s1  }
0x33e: {  	[bflag:$0x3] =	sbarrier.arrive $0xFFFF  }
0x33f: {  	_ =	shalt  }

</sc_bundles>
